<compile_context>
chip_gen: v7x
topology: tpu7x:2x2x1
jax: 0.10.2.dev20260603
libtpu: 0.0.44.dev20260713+nightly
codegen_flags: <defaults>
</compile_context>

<pallas_src>
import functools

import jax
import jax.numpy as jnp
from jax import lax
from jax.experimental import pallas as pl
from jax.experimental.pallas import tpu as pltpu
from jax.experimental.pallas import tpu_sc as plsc

NC = 2
NS = 16
NW = NC * NS
B = 16384
S = 50
D = 64
JTILE = 128
BLK_PER_W = (B // JTILE) // NW
STEPS = BLK_PER_W * S
SLAB = B // NW * S
TRW = JTILE + 1


def _gather_kernel():
    mesh = plsc.VectorSubcoreMesh(core_axis_name="c", subcore_axis_name="s")

    @functools.partial(
        pl.kernel,
        mesh=mesh,
        out_type=jax.ShapeDtypeStruct((S, D // 8, B // JTILE, 8, JTILE),
                                      jnp.float32),
        scratch_types=(
            [pltpu.VMEM((SLAB,), jnp.int32)]
            + [pltpu.VMEM((JTILE,), jnp.int32) for _ in range(2)]
            + [pltpu.VMEM((JTILE, D), jnp.float32) for _ in range(2)]
            + [pltpu.VMEM((D, TRW), jnp.float32) for _ in range(2)]
            + [pltpu.SemaphoreType.DMA for _ in range(4)]
        ),
        compiler_params=pltpu.CompilerParams(
            use_tc_tiling_on_sc=False, needs_layout_passes=False,
            disable_bounds_checks=True),
    )
    def k(idx_hbm, table_hbm, out_hbm, idx_slab,
          ic0, ic1, rw0, rw1, tr0, tr1, gs0, gs1, ss0, ss1):
        idx_col = (ic0, ic1)
        rows = (rw0, rw1)
        tr = (tr0, tr1)
        gsem = (gs0, gs1)
        ssem = (ss0, ss1)
        wid = lax.axis_index("s") * NC + lax.axis_index("c")

        iota = lax.iota(jnp.int32, 16)
        iota_s = iota * S
        cvec_tr = [iota + cg * 16 for cg in range(D // 16)]

        pltpu.sync_copy(idx_hbm.at[pl.ds(wid * SLAB, SLAB)], idx_slab)

        def build_idx(buf, d0b, s):
            base = d0b * (JTILE * S) + s
            for jg in range(JTILE // 16):
                vec = iota_s + (base + jg * 16 * S)
                buf[pl.ds(jg * 16, 16)] = plsc.load_gather(idx_slab, [vec])

        def fire_gather(p):
            pltpu.async_copy(table_hbm.at[idx_col[p]], rows[p], gsem[p])

        def wait_gather(p):
            pltpu.make_async_copy(
                table_hbm.at[idx_col[p]], rows[p], gsem[p]).wait()

        def transpose(p):
            rows_p, tr_p = rows[p], tr[p]

            @plsc.parallel_loop(0, JTILE, 1, unroll=16)
            def _(j):
                jv = jnp.zeros((16,), jnp.int32) + j
                for cg in range(D // 16):
                    vals = rows_p[j, pl.ds(cg * 16, 16)]
                    plsc.store_scatter(tr_p, [cvec_tr[cg], jv], vals)

        def fire_stores(p, s, gd0b):
            for d2b in range(D // 8):
                pltpu.async_copy(
                    tr[p].at[pl.ds(d2b * 8, 8), pl.ds(0, JTILE)],
                    out_hbm.at[s, d2b, gd0b], ssem[p])

        def drain_stores(p):
            for d2b in range(D // 8):
                pltpu.make_async_copy(
                    out_hbm.at[0, d2b, 0],
                    tr[p].at[pl.ds(d2b * 8, 8), pl.ds(0, JTILE)],
                    ssem[p]).wait()

        def advance(s, d0b):
            s1 = s + 1
            wrap = s1 == S
            return jnp.where(wrap, 0, s1), jnp.where(wrap, d0b + 1, d0b)

        build_idx(idx_col[0], 0, 0)
        fire_gather(0)

        def body(g, carry):
            s, d0b = carry
            for p in range(2):
                t = g * 2 + p
                s_n, d0b_n = advance(s, d0b)

                @pl.when(t < STEPS - 1)
                def _():
                    build_idx(idx_col[1 - p], d0b_n, s_n)
                    fire_gather(1 - p)

                wait_gather(p)

                @pl.when(t >= 2)
                def _():
                    drain_stores(p)

                transpose(p)
                fire_stores(p, s, wid * BLK_PER_W + d0b)
                s, d0b = s_n, d0b_n
            return s, d0b

        lax.fori_loop(0, STEPS // 2, body,
                      (jnp.int32(0), jnp.int32(0)))

        drain_stores(0)
        drain_stores(1)

    return k


def kernel(token_ids, embedding_matrix):
    idx = token_ids.reshape(-1).astype(jnp.int32)
    out5 = _gather_kernel()(idx, embedding_matrix)
    return out5.transpose((2, 4, 0, 1, 3)).reshape(B, S, D)

# --- scband reference (transcript-rebuilt; emitter-appended) ---
"""Pipeline reference for scband-embedding-50878182588499 (READ-ONLY COPY).

The authoritative reference and input builder live on the scoring server;
editing this copy changes nothing except your own understanding.
"""

import jax, jax.numpy as jnp
import numpy as np
from math import sqrt

NUM_EMBEDDINGS = 1000000
EMBEDDING_DIM = 64


def setup_inputs(seed: int = 0) -> dict:
    key = jax.random.key(seed)
    k_idx, k_w = jax.random.split(key)
    token_ids = jax.random.randint(k_idx, (16384, 50), 0, NUM_EMBEDDINGS, dtype=jnp.int64 if jax.config.jax_enable_x64 else jnp.int32)
    std = 1.0 / sqrt(EMBEDDING_DIM)
    # trunc_normal_ with a=-3*std, b=3*std approximated via truncated normal
    embedding_matrix = jax.random.truncated_normal(k_w, -3.0, 3.0, (NUM_EMBEDDINGS, EMBEDDING_DIM), dtype=jnp.float32) * std
    return {"token_ids": token_ids, "embedding_matrix": embedding_matrix}


def reference(token_ids, embedding_matrix):
    # Faithful translation of: return self.embedding_matrix[token_ids]
    return jnp.take(embedding_matrix, token_ids, axis=0)

if __name__ == "__main__":
    import jax
    _d = setup_inputs()
    print(jax.jit(kernel)(*tuple(_d.values())))

</pallas_src>

<mosaic_0001>
#map = affine_map<(d0, d1) -> (0)>
#map1 = affine_map<(d0, d1) -> (0, 0)>
#map2 = affine_map<(d0, d1) -> (0, 0, 0, 0, 0)>
module attributes {stable_mosaic.version = 14 : i64} {
  func.func @k(%arg0: i32, %arg1: i32, %arg2: memref<819200xi32, #tpu.memory_space<hbm>>, %arg3: memref<1000000x64xf32, #tpu.memory_space<hbm>>, %arg4: memref<50x8x128x8x128xf32, #tpu.memory_space<hbm>>, %arg5: memref<25600xi32, #tpu.memory_space<vmem>>, %arg6: memref<128xi32, #tpu.memory_space<vmem>>, %arg7: memref<128xi32, #tpu.memory_space<vmem>>, %arg8: memref<128x64xf32, #tpu.memory_space<vmem>>, %arg9: memref<128x64xf32, #tpu.memory_space<vmem>>, %arg10: memref<64x129xf32, #tpu.memory_space<vmem>>, %arg11: memref<64x129xf32, #tpu.memory_space<vmem>>, %arg12: memref<!tpu.dma_semaphore, #tpu.memory_space<semaphore_mem>>, %arg13: memref<!tpu.dma_semaphore, #tpu.memory_space<semaphore_mem>>, %arg14: memref<!tpu.dma_semaphore, #tpu.memory_space<semaphore_mem>>, %arg15: memref<!tpu.dma_semaphore, #tpu.memory_space<semaphore_mem>>) attributes {dimension_semantics = [#tpu.dimension_semantics<core_parallel>, #tpu.dimension_semantics<subcore_parallel>], iteration_bounds = array<i64: 2, 16>, scalar_prefetch = 0 : i64, scratch_operands = 11 : i64, tpu.core_type = #tpu.core_type<sc_vector_subcore>, window_params = [{transform_indices = #map}, {transform_indices = #map1}, {transform_indices = #map2}]} {
    %mul3A = arith.constant 2 : i32
    %mul3A_0 = arith.muli %arg1, %mul3A : i32
    %add3A = arith.addi %mul3A_0, %arg0 : i32
    %iota3A = tpu.iota {dimensions = array<i32: 0>} : vector<16xi32>
    %mul3A_1 = arith.constant 50 : i32
    %mul3A_2 = vector.broadcast %mul3A_1 : i32 to vector<16xi32>
    %mul3A_3 = arith.muli %iota3A, %mul3A_2 : vector<16xi32>
    %add3A_4 = arith.constant 0 : i32
    %add3A_5 = vector.broadcast %add3A_4 : i32 to vector<16xi32>
    %add3A_6 = arith.addi %iota3A, %add3A_5 : vector<16xi32>
    %add3A_7 = arith.constant 16 : i32
    %add3A_8 = vector.broadcast %add3A_7 : i32 to vector<16xi32>
    %add3A_9 = arith.addi %iota3A, %add3A_8 : vector<16xi32>
    %add3A_10 = arith.constant 32 : i32
    %add3A_11 = vector.broadcast %add3A_10 : i32 to vector<16xi32>
    %add3A_12 = arith.addi %iota3A, %add3A_11 : vector<16xi32>
    %add3A_13 = arith.constant 48 : i32
    %add3A_14 = vector.broadcast %add3A_13 : i32 to vector<16xi32>
    %add3A_15 = arith.addi %iota3A, %add3A_14 : vector<16xi32>
    %mul3A_16 = arith.constant 25600 : i32
    %mul3A_17 = arith.muli %add3A, %mul3A_16 : i32
    "tpu.region"() ({
      %run_scoped3A = tpu.sem_alloc : memref<!tpu.dma_semaphore, #tpu.memory_space<semaphore_mem>>
      %dma_start3A_344 = tpu.memref_slice %arg2[%mul3A_17] : memref<819200xi32, #tpu.memory_space<hbm>> -> memref<25600xi32, #tpu.memory_space<hbm>>
      %dma_start3A_345 = tpu.memref_slice %arg2[%mul3A_17] : memref<819200xi32, #tpu.memory_space<hbm>> -> memref<25600xi32, #tpu.memory_space<hbm>>
      tpu.enqueue_dma source(%dma_start3A_345 : memref<25600xi32, #tpu.memory_space<hbm>>) target(%arg5 : memref<25600xi32, #tpu.memory_space<vmem>>) target_semaphore(%run_scoped3A : memref<!tpu.dma_semaphore, #tpu.memory_space<semaphore_mem>>)
      %dma_wait3A_346 = tpu.memref_slice %arg2[%mul3A_17] : memref<819200xi32, #tpu.memory_space<hbm>> -> memref<25600xi32, #tpu.memory_space<hbm>>
      %dma_wait3A_347 = tpu.memref_slice %arg2[%mul3A_17] : memref<819200xi32, #tpu.memory_space<hbm>> -> memref<25600xi32, #tpu.memory_space<hbm>>
      tpu.wait_dma2 semaphore(%run_scoped3A : memref<!tpu.dma_semaphore, #tpu.memory_space<semaphore_mem>>) src(%dma_wait3A_347 : memref<25600xi32, #tpu.memory_space<hbm>>) dst(%arg5 : memref<25600xi32, #tpu.memory_space<vmem>>)
      tpu.yield
    }) : () -> ()
    %add3A_18 = arith.constant 0 : i32
    %add3A_19 = vector.broadcast %add3A_18 : i32 to vector<16xi32>
    %add3A_20 = arith.addi %mul3A_3, %add3A_19 : vector<16xi32>
    %gather3A = tpu.vector_load_idx %arg5[%add3A_20] : memref<25600xi32, #tpu.memory_space<vmem>>[vector<16xi32>], vector<16xi32>,
    %swap3A = arith.constant 0 : index
    %swap3A_21 = tpu.vector_load %arg6[%swap3A] {strides = array<i32>} : memref<128xi32, #tpu.memory_space<vmem>>, vector<16xi32>,
    tpu.vector_store %arg6[%swap3A], %gather3A {strides = array<i32>} : memref<128xi32, #tpu.memory_space<vmem>>, vector<16xi32>,
    %add3A_22 = arith.constant 800 : i32
    %add3A_23 = vector.broadcast %add3A_22 : i32 to vector<16xi32>
    %add3A_24 = arith.addi %mul3A_3, %add3A_23 : vector<16xi32>
    %gather3A_25 = tpu.vector_load_idx %arg5[%add3A_24] : memref<25600xi32, #tpu.memory_space<vmem>>[vector<16xi32>], vector<16xi32>,
    %swap3A_26 = arith.constant 16 : index
    %swap3A_27 = tpu.vector_load %arg6[%swap3A_26] {strides = array<i32>} : memref<128xi32, #tpu.memory_space<vmem>>, vector<16xi32>,
    tpu.vector_store %arg6[%swap3A_26], %gather3A_25 {strides = array<i32>} : memref<128xi32, #tpu.memory_space<vmem>>, vector<16xi32>,
    %add3A_28 = arith.constant 1600 : i32
    %add3A_29 = vector.broadcast %add3A_28 : i32 to vector<16xi32>
    %add3A_30 = arith.addi %mul3A_3, %add3A_29 : vector<16xi32>
    %gather3A_31 = tpu.vector_load_idx %arg5[%add3A_30] : memref<25600xi32, #tpu.memory_space<vmem>>[vector<16xi32>], vector<16xi32>,
    %swap3A_32 = arith.constant 32 : index
    %swap3A_33 = tpu.vector_load %arg6[%swap3A_32] {strides = array<i32>} : memref<128xi32, #tpu.memory_space<vmem>>, vector<16xi32>,
    tpu.vector_store %arg6[%swap3A_32], %gather3A_31 {strides = array<i32>} : memref<128xi32, #tpu.memory_space<vmem>>, vector<16xi32>,
    %add3A_34 = arith.constant 2400 : i32
    %add3A_35 = vector.broadcast %add3A_34 : i32 to vector<16xi32>
    %add3A_36 = arith.addi %mul3A_3, %add3A_35 : vector<16xi32>
    %gather3A_37 = tpu.vector_load_idx %arg5[%add3A_36] : memref<25600xi32, #tpu.memory_space<vmem>>[vector<16xi32>], vector<16xi32>,
    %swap3A_38 = arith.constant 48 : index
    %swap3A_39 = tpu.vector_load %arg6[%swap3A_38] {strides = array<i32>} : memref<128xi32, #tpu.memory_space<vmem>>, vector<16xi32>,
    tpu.vector_store %arg6[%swap3A_38], %gather3A_37 {strides = array<i32>} : memref<128xi32, #tpu.memory_space<vmem>>, vector<16xi32>,
    %add3A_40 = arith.constant 3200 : i32
    %add3A_41 = vector.broadcast %add3A_40 : i32 to vector<16xi32>
    %add3A_42 = arith.addi %mul3A_3, %add3A_41 : vector<16xi32>
    %gather3A_43 = tpu.vector_load_idx %arg5[%add3A_42] : memref<25600xi32, #tpu.memory_space<vmem>>[vector<16xi32>], vector<16xi32>,
    %swap3A_44 = arith.constant 64 : index
    %swap3A_45 = tpu.vector_load %arg6[%swap3A_44] {strides = array<i32>} : memref<128xi32, #tpu.memory_space<vmem>>, vector<16xi32>,
    tpu.vector_store %arg6[%swap3A_44], %gather3A_43 {strides = array<i32>} : memref<128xi32, #tpu.memory_space<vmem>>, vector<16xi32>,
    %add3A_46 = arith.constant 4000 : i32
    %add3A_47 = vector.broadcast %add3A_46 : i32 to vector<16xi32>
    %add3A_48 = arith.addi %mul3A_3, %add3A_47 : vector<16xi32>
    %gather3A_49 = tpu.vector_load_idx %arg5[%add3A_48] : memref<25600xi32, #tpu.memory_space<vmem>>[vector<16xi32>], vector<16xi32>,
    %swap3A_50 = arith.constant 80 : index
    %swap3A_51 = tpu.vector_load %arg6[%swap3A_50] {strides = array<i32>} : memref<128xi32, #tpu.memory_space<vmem>>, vector<16xi32>,
    tpu.vector_store %arg6[%swap3A_50], %gather3A_49 {strides = array<i32>} : memref<128xi32, #tpu.memory_space<vmem>>, vector<16xi32>,
    %add3A_52 = arith.constant 4800 : i32
    %add3A_53 = vector.broadcast %add3A_52 : i32 to vector<16xi32>
    %add3A_54 = arith.addi %mul3A_3, %add3A_53 : vector<16xi32>
    %gather3A_55 = tpu.vector_load_idx %arg5[%add3A_54] : memref<25600xi32, #tpu.memory_space<vmem>>[vector<16xi32>], vector<16xi32>,
    %swap3A_56 = arith.constant 96 : index
    %swap3A_57 = tpu.vector_load %arg6[%swap3A_56] {strides = array<i32>} : memref<128xi32, #tpu.memory_space<vmem>>, vector<16xi32>,
    tpu.vector_store %arg6[%swap3A_56], %gather3A_55 {strides = array<i32>} : memref<128xi32, #tpu.memory_space<vmem>>, vector<16xi32>,
    %add3A_58 = arith.constant 5600 : i32
    %add3A_59 = vector.broadcast %add3A_58 : i32 to vector<16xi32>
    %add3A_60 = arith.addi %mul3A_3, %add3A_59 : vector<16xi32>
    %gather3A_61 = tpu.vector_load_idx %arg5[%add3A_60] : memref<25600xi32, #tpu.memory_space<vmem>>[vector<16xi32>], vector<16xi32>,
    %swap3A_62 = arith.constant 112 : index
    %swap3A_63 = tpu.vector_load %arg6[%swap3A_62] {strides = array<i32>} : memref<128xi32, #tpu.memory_space<vmem>>, vector<16xi32>,
    tpu.vector_store %arg6[%swap3A_62], %gather3A_61 {strides = array<i32>} : memref<128xi32, #tpu.memory_space<vmem>>, vector<16xi32>,
    %dma_start3A = arith.constant 0 : i32
    %dma_start3A_64 = arith.constant 0 : i32
    %dma_start3A_65 = tpu.memref_slice %arg3[%dma_start3A, %dma_start3A_64] : memref<1000000x64xf32, #tpu.memory_space<hbm>> -> memref<1000000x64xf32, #tpu.memory_space<hbm>>
    tpu.enqueue_indirect_dma source(%dma_start3A_65 : memref<1000000x64xf32, #tpu.memory_space<hbm>>) target(%arg8 : memref<128x64xf32, #tpu.memory_space<vmem>>) offsets(%arg6 : memref<128xi32, #tpu.memory_space<vmem>>) semaphore(%arg12 : memref<!tpu.dma_semaphore, #tpu.memory_space<semaphore_mem>>)
    %scan3A = arith.constant 0 : i32
    %scan3A_66 = arith.constant 0 : i32
    %scan3A_67 = arith.constant 0 : i32
    %scan3A_68 = arith.constant 100 : i32
    %scan3A_69 = arith.addi %scan3A_67, %scan3A_68 : i32
    %scan3A_70 = arith.constant 1 : i32
    %scan3A_71:2 = scf.for %scan3A_344 = %scan3A_67 to %scan3A_69 step %scan3A_70 iter_args(%scan3A_345 = %scan3A, %scan3A_346 = %scan3A_66) -> (i32, i32)  : i32 {
      %mul3A_347 = arith.constant 2 : i32
      %mul3A_348 = arith.muli %scan3A_344, %mul3A_347 : i32
      %add3A_349 = arith.constant 0 : i32
      %add3A_350 = arith.addi %mul3A_348, %add3A_349 : i32
      %add3A_351 = arith.constant 1 : i32
      %add3A_352 = arith.addi %scan3A_345, %add3A_351 : i32
      %eq3A = arith.constant 50 : i32
      %eq3A_353 = arith.cmpi eq, %add3A_352, %eq3A : i32
      %jit3A = arith.constant 0 : i32
      %select_n3A = arith.select %eq3A_353, %jit3A, %add3A_352 : i32
      %add3A_354 = arith.constant 1 : i32
      %add3A_355 = arith.addi %scan3A_346, %add3A_354 : i32
      %select_n3A_356 = arith.select %eq3A_353, %add3A_355, %scan3A_346 : i32
      %lt3A = arith.constant 199 : i32
      %lt3A_357 = arith.cmpi slt, %add3A_350, %lt3A : i32
      %convert_element_type3A = arith.extui %lt3A_357 : i1 to i32
      %cond3A = arith.constant 0 : i32
      %cond3A_358 = arith.cmpi ne, %convert_element_type3A, %cond3A : i32
      scf.if %cond3A_358 {
        %mul3A_643 = arith.constant 6400 : i32
        %mul3A_644 = arith.muli %select_n3A_356, %mul3A_643 : i32
        %add3A_645 = arith.addi %mul3A_644, %select_n3A : i32
        %add3A_646 = arith.constant 0 : i32
        %add3A_647 = arith.addi %add3A_645, %add3A_646 : i32
        %add3A_648 = vector.broadcast %add3A_647 : i32 to vector<16xi32>
        %add3A_649 = arith.addi %mul3A_3, %add3A_648 : vector<16xi32>
        %gather3A_650 = tpu.vector_load_idx %arg5[%add3A_649] : memref<25600xi32, #tpu.memory_space<vmem>>[vector<16xi32>], vector<16xi32>,
        %swap3A_651 = arith.constant 0 : index
        %swap3A_652 = tpu.vector_load %arg7[%swap3A_651] {strides = array<i32>} : memref<128xi32, #tpu.memory_space<vmem>>, vector<16xi32>,
        tpu.vector_store %arg7[%swap3A_651], %gather3A_650 {strides = array<i32>} : memref<128xi32, #tpu.memory_space<vmem>>, vector<16xi32>,
        %add3A_653 = arith.constant 800 : i32
        %add3A_654 = arith.addi %add3A_645, %add3A_653 : i32
        %add3A_655 = vector.broadcast %add3A_654 : i32 to vector<16xi32>
        %add3A_656 = arith.addi %mul3A_3, %add3A_655 : vector<16xi32>
        %gather3A_657 = tpu.vector_load_idx %arg5[%add3A_656] : memref<25600xi32, #tpu.memory_space<vmem>>[vector<16xi32>], vector<16xi32>,
        %swap3A_658 = arith.constant 16 : index
        %swap3A_659 = tpu.vector_load %arg7[%swap3A_658] {strides = array<i32>} : memref<128xi32, #tpu.memory_space<vmem>>, vector<16xi32>,
        tpu.vector_store %arg7[%swap3A_658], %gather3A_657 {strides = array<i32>} : memref<128xi32, #tpu.memory_space<vmem>>, vector<16xi32>,
        %add3A_660 = arith.constant 1600 : i32
        %add3A_661 = arith.addi %add3A_645, %add3A_660 : i32
        %add3A_662 = vector.broadcast %add3A_661 : i32 to vector<16xi32>
        %add3A_663 = arith.addi %mul3A_3, %add3A_662 : vector<16xi32>
        %gather3A_664 = tpu.vector_load_idx %arg5[%add3A_663] : memref<25600xi32, #tpu.memory_space<vmem>>[vector<16xi32>], vector<16xi32>,
        %swap3A_665 = arith.constant 32 : index
        %swap3A_666 = tpu.vector_load %arg7[%swap3A_665] {strides = array<i32>} : memref<128xi32, #tpu.memory_space<vmem>>, vector<16xi32>,
        tpu.vector_store %arg7[%swap3A_665], %gather3A_664 {strides = array<i32>} : memref<128xi32, #tpu.memory_space<vmem>>, vector<16xi32>,
        %add3A_667 = arith.constant 2400 : i32
        %add3A_668 = arith.addi %add3A_645, %add3A_667 : i32
        %add3A_669 = vector.broadcast %add3A_668 : i32 to vector<16xi32>
        %add3A_670 = arith.addi %mul3A_3, %add3A_669 : vector<16xi32>
        %gather3A_671 = tpu.vector_load_idx %arg5[%add3A_670] : memref<25600xi32, #tpu.memory_space<vmem>>[vector<16xi32>], vector<16xi32>,
        %swap3A_672 = arith.constant 48 : index
        %swap3A_673 = tpu.vector_load %arg7[%swap3A_672] {strides = array<i32>} : memref<128xi32, #tpu.memory_space<vmem>>, vector<16xi32>,
        tpu.vector_store %arg7[%swap3A_672], %gather3A_671 {strides = array<i32>} : memref<128xi32, #tpu.memory_space<vmem>>, vector<16xi32>,
        %add3A_674 = arith.constant 3200 : i32
        %add3A_675 = arith.addi %add3A_645, %add3A_674 : i32
        %add3A_676 = vector.broadcast %add3A_675 : i32 to vector<16xi32>
        %add3A_677 = arith.addi %mul3A_3, %add3A_676 : vector<16xi32>
        %gather3A_678 = tpu.vector_load_idx %arg5[%add3A_677] : memref<25600xi32, #tpu.memory_space<vmem>>[vector<16xi32>], vector<16xi32>,
        %swap3A_679 = arith.constant 64 : index
        %swap3A_680 = tpu.vector_load %arg7[%swap3A_679] {strides = array<i32>} : memref<128xi32, #tpu.memory_space<vmem>>, vector<16xi32>,
        tpu.vector_store %arg7[%swap3A_679], %gather3A_678 {strides = array<i32>} : memref<128xi32, #tpu.memory_space<vmem>>, vector<16xi32>,
        %add3A_681 = arith.constant 4000 : i32
        %add3A_682 = arith.addi %add3A_645, %add3A_681 : i32
        %add3A_683 = vector.broadcast %add3A_682 : i32 to vector<16xi32>
        %add3A_684 = arith.addi %mul3A_3, %add3A_683 : vector<16xi32>
        %gather3A_685 = tpu.vector_load_idx %arg5[%add3A_684] : memref<25600xi32, #tpu.memory_space<vmem>>[vector<16xi32>], vector<16xi32>,
        %swap3A_686 = arith.constant 80 : index
        %swap3A_687 = tpu.vector_load %arg7[%swap3A_686] {strides = array<i32>} : memref<128xi32, #tpu.memory_space<vmem>>, vector<16xi32>,
        tpu.vector_store %arg7[%swap3A_686], %gather3A_685 {strides = array<i32>} : memref<128xi32, #tpu.memory_space<vmem>>, vector<16xi32>,
        %add3A_688 = arith.constant 4800 : i32
        %add3A_689 = arith.addi %add3A_645, %add3A_688 : i32
        %add3A_690 = vector.broadcast %add3A_689 : i32 to vector<16xi32>
        %add3A_691 = arith.addi %mul3A_3, %add3A_690 : vector<16xi32>
        %gather3A_692 = tpu.vector_load_idx %arg5[%add3A_691] : memref<25600xi32, #tpu.memory_space<vmem>>[vector<16xi32>], vector<16xi32>,
        %swap3A_693 = arith.constant 96 : index
        %swap3A_694 = tpu.vector_load %arg7[%swap3A_693] {strides = array<i32>} : memref<128xi32, #tpu.memory_space<vmem>>, vector<16xi32>,
        tpu.vector_store %arg7[%swap3A_693], %gather3A_692 {strides = array<i32>} : memref<128xi32, #tpu.memory_space<vmem>>, vector<16xi32>,
        %add3A_695 = arith.constant 5600 : i32
        %add3A_696 = arith.addi %add3A_645, %add3A_695 : i32
        %add3A_697 = vector.broadcast %add3A_696 : i32 to vector<16xi32>
        %add3A_698 = arith.addi %mul3A_3, %add3A_697 : vector<16xi32>
        %gather3A_699 = tpu.vector_load_idx %arg5[%add3A_698] : memref<25600xi32, #tpu.memory_space<vmem>>[vector<16xi32>], vector<16xi32>,
        %swap3A_700 = arith.constant 112 : index
        %swap3A_701 = tpu.vector_load %arg7[%swap3A_700] {strides = array<i32>} : memref<128xi32, #tpu.memory_space<vmem>>, vector<16xi32>,
        tpu.vector_store %arg7[%swap3A_700], %gather3A_699 {strides = array<i32>} : memref<128xi32, #tpu.memory_space<vmem>>, vector<16xi32>,
        %dma_start3A_702 = arith.constant 0 : i32
        %dma_start3A_703 = arith.constant 0 : i32
        %dma_start3A_704 = tpu.memref_slice %arg3[%dma_start3A_702, %dma_start3A_703] : memref<1000000x64xf32, #tpu.memory_space<hbm>> -> memref<1000000x64xf32, #tpu.memory_space<hbm>>
        tpu.enqueue_indirect_dma source(%dma_start3A_704 : memref<1000000x64xf32, #tpu.memory_space<hbm>>) target(%arg9 : memref<128x64xf32, #tpu.memory_space<vmem>>) offsets(%arg7 : memref<128xi32, #tpu.memory_space<vmem>>) semaphore(%arg13 : memref<!tpu.dma_semaphore, #tpu.memory_space<semaphore_mem>>)
      } else {
      }
      %dma_wait3A_359 = arith.constant 0 : i32
      %dma_wait3A_360 = arith.constant 0 : i32
      %dma_wait3A_361 = tpu.memref_slice %arg3[%dma_wait3A_359, %dma_wait3A_360] : memref<1000000x64xf32, #tpu.memory_space<hbm>> -> memref<1000000x64xf32, #tpu.memory_space<hbm>>
      tpu.wait_indirect_dma semaphore(%arg12 : memref<!tpu.dma_semaphore, #tpu.memory_space<semaphore_mem>>) src(%dma_wait3A_361 : memref<1000000x64xf32, #tpu.memory_space<hbm>>) dst(%arg8 : memref<128x64xf32, #tpu.memory_space<vmem>>)
      %ge3A = arith.constant 2 : i32
      %ge3A_362 = arith.cmpi sge, %add3A_350, %ge3A : i32
      %convert_element_type3A_363 = arith.extui %ge3A_362 : i1 to i32
      %cond3A_364 = arith.constant 0 : i32
      %cond3A_365 = arith.cmpi ne, %convert_element_type3A_363, %cond3A_364 : i32
      scf.if %cond3A_365 {
        %dma_wait3A_643 = arith.constant 0 : i32
        %dma_wait3A_644 = arith.constant 0 : i32
        %dma_wait3A_645 = arith.constant 0 : i32
        %dma_wait3A_646 = arith.constant 0 : i32
        %dma_wait3A_647 = arith.constant 0 : i32
        %dma_wait3A_648 = tpu.memref_slice %arg10[%dma_wait3A_646, %dma_wait3A_647] : memref<64x129xf32, #tpu.memory_space<vmem>> -> memref<8x128xf32, #tpu.memory_space<vmem>>
        %dma_wait3A_649 = arith.constant 0 : i32
        %dma_wait3A_650 = arith.constant 0 : i32
        %dma_wait3A_651 = tpu.memref_slice %arg4[%dma_wait3A_643, %dma_wait3A_644, %dma_wait3A_645, %dma_wait3A_649, %dma_wait3A_650] : memref<50x8x128x8x128xf32, #tpu.memory_space<hbm>> -> memref<1x1x1x8x128xf32, #tpu.memory_space<hbm>>
        %dma_wait3A_652 = tpu.memref_squeeze %dma_wait3A_651 : memref<1x1x1x8x128xf32, #tpu.memory_space<hbm>> -> memref<8x128xf32, #tpu.memory_space<hbm>>
        %dma_wait3A_653 = arith.constant 0 : i32
        %dma_wait3A_654 = arith.constant 0 : i32
        %dma_wait3A_655 = tpu.memref_slice %arg10[%dma_wait3A_653, %dma_wait3A_654] : memref<64x129xf32, #tpu.memory_space<vmem>> -> memref<8x128xf32, #tpu.memory_space<vmem>>
        %dma_wait3A_656 = arith.constant 0 : i32
        %dma_wait3A_657 = arith.constant 0 : i32
        %dma_wait3A_658 = tpu.memref_slice %arg4[%dma_wait3A_643, %dma_wait3A_644, %dma_wait3A_645, %dma_wait3A_656, %dma_wait3A_657] : memref<50x8x128x8x128xf32, #tpu.memory_space<hbm>> -> memref<1x1x1x8x128xf32, #tpu.memory_space<hbm>>
        %dma_wait3A_659 = tpu.memref_squeeze %dma_wait3A_658 : memref<1x1x1x8x128xf32, #tpu.memory_space<hbm>> -> memref<8x128xf32, #tpu.memory_space<hbm>>
        tpu.wait_dma2 semaphore(%arg14 : memref<!tpu.dma_semaphore, #tpu.memory_space<semaphore_mem>>) src(%dma_wait3A_659 : memref<8x128xf32, #tpu.memory_space<hbm>>) dst(%dma_wait3A_655 : memref<8x128xf32, #tpu.memory_space<vmem>>)
        %dma_wait3A_660 = arith.constant 0 : i32
        %dma_wait3A_661 = arith.constant 1 : i32
        %dma_wait3A_662 = arith.constant 0 : i32
        %dma_wait3A_663 = arith.constant 8 : i32
        %dma_wait3A_664 = arith.constant 0 : i32
        %dma_wait3A_665 = tpu.memref_slice %arg10[%dma_wait3A_663, %dma_wait3A_664] : memref<64x129xf32, #tpu.memory_space<vmem>> -> memref<8x128xf32, #tpu.memory_space<vmem>>
        %dma_wait3A_666 = arith.constant 0 : i32
        %dma_wait3A_667 = arith.constant 0 : i32
        %dma_wait3A_668 = tpu.memref_slice %arg4[%dma_wait3A_660, %dma_wait3A_661, %dma_wait3A_662, %dma_wait3A_666, %dma_wait3A_667] : memref<50x8x128x8x128xf32, #tpu.memory_space<hbm>> -> memref<1x1x1x8x128xf32, #tpu.memory_space<hbm>>
        %dma_wait3A_669 = tpu.memref_squeeze %dma_wait3A_668 : memref<1x1x1x8x128xf32, #tpu.memory_space<hbm>> -> memref<8x128xf32, #tpu.memory_space<hbm>>
        %dma_wait3A_670 = arith.constant 8 : i32
        %dma_wait3A_671 = arith.constant 0 : i32
        %dma_wait3A_672 = tpu.memref_slice %arg10[%dma_wait3A_670, %dma_wait3A_671] : memref<64x129xf32, #tpu.memory_space<vmem>> -> memref<8x128xf32, #tpu.memory_space<vmem>>
        %dma_wait3A_673 = arith.constant 0 : i32
        %dma_wait3A_674 = arith.constant 0 : i32
        %dma_wait3A_675 = tpu.memref_slice %arg4[%dma_wait3A_660, %dma_wait3A_661, %dma_wait3A_662, %dma_wait3A_673, %dma_wait3A_674] : memref<50x8x128x8x128xf32, #tpu.memory_space<hbm>> -> memref<1x1x1x8x128xf32, #tpu.memory_space<hbm>>
        %dma_wait3A_676 = tpu.memref_squeeze %dma_wait3A_675 : memref<1x1x1x8x128xf32, #tpu.memory_space<hbm>> -> memref<8x128xf32, #tpu.memory_space<hbm>>
        tpu.wait_dma2 semaphore(%arg14 : memref<!tpu.dma_semaphore, #tpu.memory_space<semaphore_mem>>) src(%dma_wait3A_676 : memref<8x128xf32, #tpu.memory_space<hbm>>) dst(%dma_wait3A_672 : memref<8x128xf32, #tpu.memory_space<vmem>>)
        %dma_wait3A_677 = arith.constant 0 : i32
        %dma_wait3A_678 = arith.constant 2 : i32
        %dma_wait3A_679 = arith.constant 0 : i32
        %dma_wait3A_680 = arith.constant 16 : i32
        %dma_wait3A_681 = arith.constant 0 : i32
        %dma_wait3A_682 = tpu.memref_slice %arg10[%dma_wait3A_680, %dma_wait3A_681] : memref<64x129xf32, #tpu.memory_space<vmem>> -> memref<8x128xf32, #tpu.memory_space<vmem>>
        %dma_wait3A_683 = arith.constant 0 : i32
        %dma_wait3A_684 = arith.constant 0 : i32
        %dma_wait3A_685 = tpu.memref_slice %arg4[%dma_wait3A_677, %dma_wait3A_678, %dma_wait3A_679, %dma_wait3A_683, %dma_wait3A_684] : memref<50x8x128x8x128xf32, #tpu.memory_space<hbm>> -> memref<1x1x1x8x128xf32, #tpu.memory_space<hbm>>
        %dma_wait3A_686 = tpu.memref_squeeze %dma_wait3A_685 : memref<1x1x1x8x128xf32, #tpu.memory_space<hbm>> -> memref<8x128xf32, #tpu.memory_space<hbm>>
        %dma_wait3A_687 = arith.constant 16 : i32
        %dma_wait3A_688 = arith.constant 0 : i32
        %dma_wait3A_689 = tpu.memref_slice %arg10[%dma_wait3A_687, %dma_wait3A_688] : memref<64x129xf32, #tpu.memory_space<vmem>> -> memref<8x128xf32, #tpu.memory_space<vmem>>
        %dma_wait3A_690 = arith.constant 0 : i32
        %dma_wait3A_691 = arith.constant 0 : i32
        %dma_wait3A_692 = tpu.memref_slice %arg4[%dma_wait3A_677, %dma_wait3A_678, %dma_wait3A_679, %dma_wait3A_690, %dma_wait3A_691] : memref<50x8x128x8x128xf32, #tpu.memory_space<hbm>> -> memref<1x1x1x8x128xf32, #tpu.memory_space<hbm>>
        %dma_wait3A_693 = tpu.memref_squeeze %dma_wait3A_692 : memref<1x1x1x8x128xf32, #tpu.memory_space<hbm>> -> memref<8x128xf32, #tpu.memory_space<hbm>>
        tpu.wait_dma2 semaphore(%arg14 : memref<!tpu.dma_semaphore, #tpu.memory_space<semaphore_mem>>) src(%dma_wait3A_693 : memref<8x128xf32, #tpu.memory_space<hbm>>) dst(%dma_wait3A_689 : memref<8x128xf32, #tpu.memory_space<vmem>>)
        %dma_wait3A_694 = arith.constant 0 : i32
        %dma_wait3A_695 = arith.constant 3 : i32
        %dma_wait3A_696 = arith.constant 0 : i32
        %dma_wait3A_697 = arith.constant 24 : i32
        %dma_wait3A_698 = arith.constant 0 : i32
        %dma_wait3A_699 = tpu.memref_slice %arg10[%dma_wait3A_697, %dma_wait3A_698] : memref<64x129xf32, #tpu.memory_space<vmem>> -> memref<8x128xf32, #tpu.memory_space<vmem>>
        %dma_wait3A_700 = arith.constant 0 : i32
        %dma_wait3A_701 = arith.constant 0 : i32
        %dma_wait3A_702 = tpu.memref_slice %arg4[%dma_wait3A_694, %dma_wait3A_695, %dma_wait3A_696, %dma_wait3A_700, %dma_wait3A_701] : memref<50x8x128x8x128xf32, #tpu.memory_space<hbm>> -> memref<1x1x1x8x128xf32, #tpu.memory_space<hbm>>
        %dma_wait3A_703 = tpu.memref_squeeze %dma_wait3A_702 : memref<1x1x1x8x128xf32, #tpu.memory_space<hbm>> -> memref<8x128xf32, #tpu.memory_space<hbm>>
        %dma_wait3A_704 = arith.constant 24 : i32
        %dma_wait3A_705 = arith.constant 0 : i32
        %dma_wait3A_706 = tpu.memref_slice %arg10[%dma_wait3A_704, %dma_wait3A_705] : memref<64x129xf32, #tpu.memory_space<vmem>> -> memref<8x128xf32, #tpu.memory_space<vmem>>
        %dma_wait3A_707 = arith.constant 0 : i32
        %dma_wait3A_708 = arith.constant 0 : i32
        %dma_wait3A_709 = tpu.memref_slice %arg4[%dma_wait3A_694, %dma_wait3A_695, %dma_wait3A_696, %dma_wait3A_707, %dma_wait3A_708] : memref<50x8x128x8x128xf32, #tpu.memory_space<hbm>> -> memref<1x1x1x8x128xf32, #tpu.memory_space<hbm>>
        %dma_wait3A_710 = tpu.memref_squeeze %dma_wait3A_709 : memref<1x1x1x8x128xf32, #tpu.memory_space<hbm>> -> memref<8x128xf32, #tpu.memory_space<hbm>>
        tpu.wait_dma2 semaphore(%arg14 : memref<!tpu.dma_semaphore, #tpu.memory_space<semaphore_mem>>) src(%dma_wait3A_710 : memref<8x128xf32, #tpu.memory_space<hbm>>) dst(%dma_wait3A_706 : memref<8x128xf32, #tpu.memory_space<vmem>>)
        %dma_wait3A_711 = arith.constant 0 : i32
        %dma_wait3A_712 = arith.constant 4 : i32
        %dma_wait3A_713 = arith.constant 0 : i32
        %dma_wait3A_714 = arith.constant 32 : i32
        %dma_wait3A_715 = arith.constant 0 : i32
        %dma_wait3A_716 = tpu.memref_slice %arg10[%dma_wait3A_714, %dma_wait3A_715] : memref<64x129xf32, #tpu.memory_space<vmem>> -> memref<8x128xf32, #tpu.memory_space<vmem>>
        %dma_wait3A_717 = arith.constant 0 : i32
        %dma_wait3A_718 = arith.constant 0 : i32
        %dma_wait3A_719 = tpu.memref_slice %arg4[%dma_wait3A_711, %dma_wait3A_712, %dma_wait3A_713, %dma_wait3A_717, %dma_wait3A_718] : memref<50x8x128x8x128xf32, #tpu.memory_space<hbm>> -> memref<1x1x1x8x128xf32, #tpu.memory_space<hbm>>
        %dma_wait3A_720 = tpu.memref_squeeze %dma_wait3A_719 : memref<1x1x1x8x128xf32, #tpu.memory_space<hbm>> -> memref<8x128xf32, #tpu.memory_space<hbm>>
        %dma_wait3A_721 = arith.constant 32 : i32
        %dma_wait3A_722 = arith.constant 0 : i32
        %dma_wait3A_723 = tpu.memref_slice %arg10[%dma_wait3A_721, %dma_wait3A_722] : memref<64x129xf32, #tpu.memory_space<vmem>> -> memref<8x128xf32, #tpu.memory_space<vmem>>
        %dma_wait3A_724 = arith.constant 0 : i32
        %dma_wait3A_725 = arith.constant 0 : i32
        %dma_wait3A_726 = tpu.memref_slice %arg4[%dma_wait3A_711, %dma_wait3A_712, %dma_wait3A_713, %dma_wait3A_724, %dma_wait3A_725] : memref<50x8x128x8x128xf32, #tpu.memory_space<hbm>> -> memref<1x1x1x8x128xf32, #tpu.memory_space<hbm>>
        %dma_wait3A_727 = tpu.memref_squeeze %dma_wait3A_726 : memref<1x1x1x8x128xf32, #tpu.memory_space<hbm>> -> memref<8x128xf32, #tpu.memory_space<hbm>>
        tpu.wait_dma2 semaphore(%arg14 : memref<!tpu.dma_semaphore, #tpu.memory_space<semaphore_mem>>) src(%dma_wait3A_727 : memref<8x128xf32, #tpu.memory_space<hbm>>) dst(%dma_wait3A_723 : memref<8x128xf32, #tpu.memory_space<vmem>>)
        %dma_wait3A_728 = arith.constant 0 : i32
        %dma_wait3A_729 = arith.constant 5 : i32
        %dma_wait3A_730 = arith.constant 0 : i32
        %dma_wait3A_731 = arith.constant 40 : i32
        %dma_wait3A_732 = arith.constant 0 : i32
        %dma_wait3A_733 = tpu.memref_slice %arg10[%dma_wait3A_731, %dma_wait3A_732] : memref<64x129xf32, #tpu.memory_space<vmem>> -> memref<8x128xf32, #tpu.memory_space<vmem>>
        %dma_wait3A_734 = arith.constant 0 : i32
        %dma_wait3A_735 = arith.constant 0 : i32
        %dma_wait3A_736 = tpu.memref_slice %arg4[%dma_wait3A_728, %dma_wait3A_729, %dma_wait3A_730, %dma_wait3A_734, %dma_wait3A_735] : memref<50x8x128x8x128xf32, #tpu.memory_space<hbm>> -> memref<1x1x1x8x128xf32, #tpu.memory_space<hbm>>
        %dma_wait3A_737 = tpu.memref_squeeze %dma_wait3A_736 : memref<1x1x1x8x128xf32, #tpu.memory_space<hbm>> -> memref<8x128xf32, #tpu.memory_space<hbm>>
        %dma_wait3A_738 = arith.constant 40 : i32
        %dma_wait3A_739 = arith.constant 0 : i32
        %dma_wait3A_740 = tpu.memref_slice %arg10[%dma_wait3A_738, %dma_wait3A_739] : memref<64x129xf32, #tpu.memory_space<vmem>> -> memref<8x128xf32, #tpu.memory_space<vmem>>
        %dma_wait3A_741 = arith.constant 0 : i32
        %dma_wait3A_742 = arith.constant 0 : i32
        %dma_wait3A_743 = tpu.memref_slice %arg4[%dma_wait3A_728, %dma_wait3A_729, %dma_wait3A_730, %dma_wait3A_741, %dma_wait3A_742] : memref<50x8x128x8x128xf32, #tpu.memory_space<hbm>> -> memref<1x1x1x8x128xf32, #tpu.memory_space<hbm>>
        %dma_wait3A_744 = tpu.memref_squeeze %dma_wait3A_743 : memref<1x1x1x8x128xf32, #tpu.memory_space<hbm>> -> memref<8x128xf32, #tpu.memory_space<hbm>>
        tpu.wait_dma2 semaphore(%arg14 : memref<!tpu.dma_semaphore, #tpu.memory_space<semaphore_mem>>) src(%dma_wait3A_744 : memref<8x128xf32, #tpu.memory_space<hbm>>) dst(%dma_wait3A_740 : memref<8x128xf32, #tpu.memory_space<vmem>>)
        %dma_wait3A_745 = arith.constant 0 : i32
        %dma_wait3A_746 = arith.constant 6 : i32
        %dma_wait3A_747 = arith.constant 0 : i32
        %dma_wait3A_748 = arith.constant 48 : i32
        %dma_wait3A_749 = arith.constant 0 : i32
        %dma_wait3A_750 = tpu.memref_slice %arg10[%dma_wait3A_748, %dma_wait3A_749] : memref<64x129xf32, #tpu.memory_space<vmem>> -> memref<8x128xf32, #tpu.memory_space<vmem>>
        %dma_wait3A_751 = arith.constant 0 : i32
        %dma_wait3A_752 = arith.constant 0 : i32
        %dma_wait3A_753 = tpu.memref_slice %arg4[%dma_wait3A_745, %dma_wait3A_746, %dma_wait3A_747, %dma_wait3A_751, %dma_wait3A_752] : memref<50x8x128x8x128xf32, #tpu.memory_space<hbm>> -> memref<1x1x1x8x128xf32, #tpu.memory_space<hbm>>
        %dma_wait3A_754 = tpu.memref_squeeze %dma_wait3A_753 : memref<1x1x1x8x128xf32, #tpu.memory_space<hbm>> -> memref<8x128xf32, #tpu.memory_space<hbm>>
        %dma_wait3A_755 = arith.constant 48 : i32
        %dma_wait3A_756 = arith.constant 0 : i32
        %dma_wait3A_757 = tpu.memref_slice %arg10[%dma_wait3A_755, %dma_wait3A_756] : memref<64x129xf32, #tpu.memory_space<vmem>> -> memref<8x128xf32, #tpu.memory_space<vmem>>
        %dma_wait3A_758 = arith.constant 0 : i32
        %dma_wait3A_759 = arith.constant 0 : i32
        %dma_wait3A_760 = tpu.memref_slice %arg4[%dma_wait3A_745, %dma_wait3A_746, %dma_wait3A_747, %dma_wait3A_758, %dma_wait3A_759] : memref<50x8x128x8x128xf32, #tpu.memory_space<hbm>> -> memref<1x1x1x8x128xf32, #tpu.memory_space<hbm>>
        %dma_wait3A_761 = tpu.memref_squeeze %dma_wait3A_760 : memref<1x1x1x8x128xf32, #tpu.memory_space<hbm>> -> memref<8x128xf32, #tpu.memory_space<hbm>>
        tpu.wait_dma2 semaphore(%arg14 : memref<!tpu.dma_semaphore, #tpu.memory_space<semaphore_mem>>) src(%dma_wait3A_761 : memref<8x128xf32, #tpu.memory_space<hbm>>) dst(%dma_wait3A_757 : memref<8x128xf32, #tpu.memory_space<vmem>>)
        %dma_wait3A_762 = arith.constant 0 : i32
        %dma_wait3A_763 = arith.constant 7 : i32
        %dma_wait3A_764 = arith.constant 0 : i32
        %dma_wait3A_765 = arith.constant 56 : i32
        %dma_wait3A_766 = arith.constant 0 : i32
        %dma_wait3A_767 = tpu.memref_slice %arg10[%dma_wait3A_765, %dma_wait3A_766] : memref<64x129xf32, #tpu.memory_space<vmem>> -> memref<8x128xf32, #tpu.memory_space<vmem>>
        %dma_wait3A_768 = arith.constant 0 : i32
        %dma_wait3A_769 = arith.constant 0 : i32
        %dma_wait3A_770 = tpu.memref_slice %arg4[%dma_wait3A_762, %dma_wait3A_763, %dma_wait3A_764, %dma_wait3A_768, %dma_wait3A_769] : memref<50x8x128x8x128xf32, #tpu.memory_space<hbm>> -> memref<1x1x1x8x128xf32, #tpu.memory_space<hbm>>
        %dma_wait3A_771 = tpu.memref_squeeze %dma_wait3A_770 : memref<1x1x1x8x128xf32, #tpu.memory_space<hbm>> -> memref<8x128xf32, #tpu.memory_space<hbm>>
        %dma_wait3A_772 = arith.constant 56 : i32
        %dma_wait3A_773 = arith.constant 0 : i32
        %dma_wait3A_774 = tpu.memref_slice %arg10[%dma_wait3A_772, %dma_wait3A_773] : memref<64x129xf32, #tpu.memory_space<vmem>> -> memref<8x128xf32, #tpu.memory_space<vmem>>
        %dma_wait3A_775 = arith.constant 0 : i32
        %dma_wait3A_776 = arith.constant 0 : i32
        %dma_wait3A_777 = tpu.memref_slice %arg4[%dma_wait3A_762, %dma_wait3A_763, %dma_wait3A_764, %dma_wait3A_775, %dma_wait3A_776] : memref<50x8x128x8x128xf32, #tpu.memory_space<hbm>> -> memref<1x1x1x8x128xf32, #tpu.memory_space<hbm>>
        %dma_wait3A_778 = tpu.memref_squeeze %dma_wait3A_777 : memref<1x1x1x8x128xf32, #tpu.memory_space<hbm>> -> memref<8x128xf32, #tpu.memory_space<hbm>>
        tpu.wait_dma2 semaphore(%arg14 : memref<!tpu.dma_semaphore, #tpu.memory_space<semaphore_mem>>) src(%dma_wait3A_778 : memref<8x128xf32, #tpu.memory_space<hbm>>) dst(%dma_wait3A_774 : memref<8x128xf32, #tpu.memory_space<vmem>>)
      } else {
      }
      %parallel_loop3A = arith.constant 0 : i32
      %parallel_loop3A_366 = arith.constant 128 : i32
      %parallel_loop3A_367 = arith.constant 1 : i32
      scf.for %parallel_loop3A_643 = %parallel_loop3A to %parallel_loop3A_366 step %parallel_loop3A_367  : i32 {
        %parallel_loop3A_644 = arith.constant 0 : i32
        %parallel_loop3A_645 = vector.broadcast %parallel_loop3A_644 : i32 to vector<16xi32>
        %parallel_loop3A_646 = vector.broadcast %parallel_loop3A_643 : i32 to vector<16xi32>
        %parallel_loop3A_647 = arith.addi %parallel_loop3A_645, %parallel_loop3A_646 : vector<16xi32>
        %parallel_loop3A_648 = arith.index_cast %parallel_loop3A_643 : i32 to index
        %parallel_loop3A_649 = arith.constant 0 : index
        %parallel_loop3A_650 = tpu.vector_load %arg8[%parallel_loop3A_648, %parallel_loop3A_649] {strides = array<i32>} : memref<128x64xf32, #tpu.memory_space<vmem>>, vector<16xf32>,
        tpu.vector_store_idx %arg10[%add3A_6, %parallel_loop3A_647], %parallel_loop3A_650 : memref<64x129xf32, #tpu.memory_space<vmem>>[vector<16xi32>, vector<16xi32>], vector<16xf32>,
        %parallel_loop3A_651 = arith.index_cast %parallel_loop3A_643 : i32 to index
        %parallel_loop3A_652 = arith.constant 16 : index
        %parallel_loop3A_653 = tpu.vector_load %arg8[%parallel_loop3A_651, %parallel_loop3A_652] {strides = array<i32>} : memref<128x64xf32, #tpu.memory_space<vmem>>, vector<16xf32>,
        tpu.vector_store_idx %arg10[%add3A_9, %parallel_loop3A_647], %parallel_loop3A_653 : memref<64x129xf32, #tpu.memory_space<vmem>>[vector<16xi32>, vector<16xi32>], vector<16xf32>,
        %parallel_loop3A_654 = arith.index_cast %parallel_loop3A_643 : i32 to index
        %parallel_loop3A_655 = arith.constant 32 : index
        %parallel_loop3A_656 = tpu.vector_load %arg8[%parallel_loop3A_654, %parallel_loop3A_655] {strides = array<i32>} : memref<128x64xf32, #tpu.memory_space<vmem>>, vector<16xf32>,
        tpu.vector_store_idx %arg10[%add3A_12, %parallel_loop3A_647], %parallel_loop3A_656 : memref<64x129xf32, #tpu.memory_space<vmem>>[vector<16xi32>, vector<16xi32>], vector<16xf32>,
        %parallel_loop3A_657 = arith.index_cast %parallel_loop3A_643 : i32 to index
        %parallel_loop3A_658 = arith.constant 48 : index
        %parallel_loop3A_659 = tpu.vector_load %arg8[%parallel_loop3A_657, %parallel_loop3A_658] {strides = array<i32>} : memref<128x64xf32, #tpu.memory_space<vmem>>, vector<16xf32>,
        tpu.vector_store_idx %arg10[%add3A_15, %parallel_loop3A_647], %parallel_loop3A_659 : memref<64x129xf32, #tpu.memory_space<vmem>>[vector<16xi32>, vector<16xi32>], vector<16xf32>,
      } {sc.loop_unroll_factor = 16 : i64, sc.parallel_access}
      %mul3A_368 = arith.constant 4 : i32
      %mul3A_369 = arith.muli %add3A, %mul3A_368 : i32
      %add3A_370 = arith.addi %mul3A_369, %scan3A_346 : i32
      %dma_start3A_371 = arith.constant 0 : i32
      %dma_start3A_372 = arith.constant 0 : i32
      %dma_start3A_373 = arith.constant 0 : i32
      %dma_start3A_374 = tpu.memref_slice %arg10[%dma_start3A_372, %dma_start3A_373] : memref<64x129xf32, #tpu.memory_space<vmem>> -> memref<8x128xf32, #tpu.memory_space<vmem>>
      %dma_start3A_375 = arith.constant 0 : i32
      %dma_start3A_376 = arith.constant 0 : i32
      %dma_start3A_377 = tpu.memref_slice %arg4[%scan3A_345, %dma_start3A_371, %add3A_370, %dma_start3A_375, %dma_start3A_376] : memref<50x8x128x8x128xf32, #tpu.memory_space<hbm>> -> memref<1x1x1x8x128xf32, #tpu.memory_space<hbm>>
      %dma_start3A_378 = tpu.memref_squeeze %dma_start3A_377 : memref<1x1x1x8x128xf32, #tpu.memory_space<hbm>> -> memref<8x128xf32, #tpu.memory_space<hbm>>
      %dma_start3A_379 = arith.constant 0 : i32
      %dma_start3A_380 = arith.constant 0 : i32
      %dma_start3A_381 = tpu.memref_slice %arg4[%scan3A_345, %dma_start3A_371, %add3A_370, %dma_start3A_379, %dma_start3A_380] : memref<50x8x128x8x128xf32, #tpu.memory_space<hbm>> -> memref<1x1x1x8x128xf32, #tpu.memory_space<hbm>>
      %dma_start3A_382 = tpu.memref_squeeze %dma_start3A_381 : memref<1x1x1x8x128xf32, #tpu.memory_space<hbm>> -> memref<8x128xf32, #tpu.memory_space<hbm>>
      %dma_start3A_383 = arith.constant 0 : i32
      %dma_start3A_384 = arith.constant 0 : i32
      %dma_start3A_385 = tpu.memref_slice %arg10[%dma_start3A_383, %dma_start3A_384] : memref<64x129xf32, #tpu.memory_space<vmem>> -> memref<8x128xf32, #tpu.memory_space<vmem>>
      tpu.enqueue_dma source(%dma_start3A_385 : memref<8x128xf32, #tpu.memory_space<vmem>>) target(%dma_start3A_382 : memref<8x128xf32, #tpu.memory_space<hbm>>) target_semaphore(%arg14 : memref<!tpu.dma_semaphore, #tpu.memory_space<semaphore_mem>>)
      %dma_start3A_386 = arith.constant 1 : i32
      %dma_start3A_387 = arith.constant 8 : i32
      %dma_start3A_388 = arith.constant 0 : i32
      %dma_start3A_389 = tpu.memref_slice %arg10[%dma_start3A_387, %dma_start3A_388] : memref<64x129xf32, #tpu.memory_space<vmem>> -> memref<8x128xf32, #tpu.memory_space<vmem>>
      %dma_start3A_390 = arith.constant 0 : i32
      %dma_start3A_391 = arith.constant 0 : i32
      %dma_start3A_392 = tpu.memref_slice %arg4[%scan3A_345, %dma_start3A_386, %add3A_370, %dma_start3A_390, %dma_start3A_391] : memref<50x8x128x8x128xf32, #tpu.memory_space<hbm>> -> memref<1x1x1x8x128xf32, #tpu.memory_space<hbm>>
      %dma_start3A_393 = tpu.memref_squeeze %dma_start3A_392 : memref<1x1x1x8x128xf32, #tpu.memory_space<hbm>> -> memref<8x128xf32, #tpu.memory_space<hbm>>
      %dma_start3A_394 = arith.constant 0 : i32
      %dma_start3A_395 = arith.constant 0 : i32
      %dma_start3A_396 = tpu.memref_slice %arg4[%scan3A_345, %dma_start3A_386, %add3A_370, %dma_start3A_394, %dma_start3A_395] : memref<50x8x128x8x128xf32, #tpu.memory_space<hbm>> -> memref<1x1x1x8x128xf32, #tpu.memory_space<hbm>>
      %dma_start3A_397 = tpu.memref_squeeze %dma_start3A_396 : memref<1x1x1x8x128xf32, #tpu.memory_space<hbm>> -> memref<8x128xf32, #tpu.memory_space<hbm>>
      %dma_start3A_398 = arith.constant 8 : i32
      %dma_start3A_399 = arith.constant 0 : i32
      %dma_start3A_400 = tpu.memref_slice %arg10[%dma_start3A_398, %dma_start3A_399] : memref<64x129xf32, #tpu.memory_space<vmem>> -> memref<8x128xf32, #tpu.memory_space<vmem>>
      tpu.enqueue_dma source(%dma_start3A_400 : memref<8x128xf32, #tpu.memory_space<vmem>>) target(%dma_start3A_397 : memref<8x128xf32, #tpu.memory_space<hbm>>) target_semaphore(%arg14 : memref<!tpu.dma_semaphore, #tpu.memory_space<semaphore_mem>>)
      %dma_start3A_401 = arith.constant 2 : i32
      %dma_start3A_402 = arith.constant 16 : i32
      %dma_start3A_403 = arith.constant 0 : i32
      %dma_start3A_404 = tpu.memref_slice %arg10[%dma_start3A_402, %dma_start3A_403] : memref<64x129xf32, #tpu.memory_space<vmem>> -> memref<8x128xf32, #tpu.memory_space<vmem>>
      %dma_start3A_405 = arith.constant 0 : i32
      %dma_start3A_406 = arith.constant 0 : i32
      %dma_start3A_407 = tpu.memref_slice %arg4[%scan3A_345, %dma_start3A_401, %add3A_370, %dma_start3A_405, %dma_start3A_406] : memref<50x8x128x8x128xf32, #tpu.memory_space<hbm>> -> memref<1x1x1x8x128xf32, #tpu.memory_space<hbm>>
      %dma_start3A_408 = tpu.memref_squeeze %dma_start3A_407 : memref<1x1x1x8x128xf32, #tpu.memory_space<hbm>> -> memref<8x128xf32, #tpu.memory_space<hbm>>
      %dma_start3A_409 = arith.constant 0 : i32
      %dma_start3A_410 = arith.constant 0 : i32
      %dma_start3A_411 = tpu.memref_slice %arg4[%scan3A_345, %dma_start3A_401, %add3A_370, %dma_start3A_409, %dma_start3A_410] : memref<50x8x128x8x128xf32, #tpu.memory_space<hbm>> -> memref<1x1x1x8x128xf32, #tpu.memory_space<hbm>>
      %dma_start3A_412 = tpu.memref_squeeze %dma_start3A_411 : memref<1x1x1x8x128xf32, #tpu.memory_space<hbm>> -> memref<8x128xf32, #tpu.memory_space<hbm>>
      %dma_start3A_413 = arith.constant 16 : i32
      %dma_start3A_414 = arith.constant 0 : i32
      %dma_start3A_415 = tpu.memref_slice %arg10[%dma_start3A_413, %dma_start3A_414] : memref<64x129xf32, #tpu.memory_space<vmem>> -> memref<8x128xf32, #tpu.memory_space<vmem>>
      tpu.enqueue_dma source(%dma_start3A_415 : memref<8x128xf32, #tpu.memory_space<vmem>>) target(%dma_start3A_412 : memref<8x128xf32, #tpu.memory_space<hbm>>) target_semaphore(%arg14 : memref<!tpu.dma_semaphore, #tpu.memory_space<semaphore_mem>>)
      %dma_start3A_416 = arith.constant 3 : i32
      %dma_start3A_417 = arith.constant 24 : i32
      %dma_start3A_418 = arith.constant 0 : i32
      %dma_start3A_419 = tpu.memref_slice %arg10[%dma_start3A_417, %dma_start3A_418] : memref<64x129xf32, #tpu.memory_space<vmem>> -> memref<8x128xf32, #tpu.memory_space<vmem>>
      %dma_start3A_420 = arith.constant 0 : i32
      %dma_start3A_421 = arith.constant 0 : i32
      %dma_start3A_422 = tpu.memref_slice %arg4[%scan3A_345, %dma_start3A_416, %add3A_370, %dma_start3A_420, %dma_start3A_421] : memref<50x8x128x8x128xf32, #tpu.memory_space<hbm>> -> memref<1x1x1x8x128xf32, #tpu.memory_space<hbm>>
      %dma_start3A_423 = tpu.memref_squeeze %dma_start3A_422 : memref<1x1x1x8x128xf32, #tpu.memory_space<hbm>> -> memref<8x128xf32, #tpu.memory_space<hbm>>
      %dma_start3A_424 = arith.constant 0 : i32
      %dma_start3A_425 = arith.constant 0 : i32
      %dma_start3A_426 = tpu.memref_slice %arg4[%scan3A_345, %dma_start3A_416, %add3A_370, %dma_start3A_424, %dma_start3A_425] : memref<50x8x128x8x128xf32, #tpu.memory_space<hbm>> -> memref<1x1x1x8x128xf32, #tpu.memory_space<hbm>>
      %dma_start3A_427 = tpu.memref_squeeze %dma_start3A_426 : memref<1x1x1x8x128xf32, #tpu.memory_space<hbm>> -> memref<8x128xf32, #tpu.memory_space<hbm>>
      %dma_start3A_428 = arith.constant 24 : i32
      %dma_start3A_429 = arith.constant 0 : i32
      %dma_start3A_430 = tpu.memref_slice %arg10[%dma_start3A_428, %dma_start3A_429] : memref<64x129xf32, #tpu.memory_space<vmem>> -> memref<8x128xf32, #tpu.memory_space<vmem>>
      tpu.enqueue_dma source(%dma_start3A_430 : memref<8x128xf32, #tpu.memory_space<vmem>>) target(%dma_start3A_427 : memref<8x128xf32, #tpu.memory_space<hbm>>) target_semaphore(%arg14 : memref<!tpu.dma_semaphore, #tpu.memory_space<semaphore_mem>>)
      %dma_start3A_431 = arith.constant 4 : i32
      %dma_start3A_432 = arith.constant 32 : i32
      %dma_start3A_433 = arith.constant 0 : i32
      %dma_start3A_434 = tpu.memref_slice %arg10[%dma_start3A_432, %dma_start3A_433] : memref<64x129xf32, #tpu.memory_space<vmem>> -> memref<8x128xf32, #tpu.memory_space<vmem>>
      %dma_start3A_435 = arith.constant 0 : i32
      %dma_start3A_436 = arith.constant 0 : i32
      %dma_start3A_437 = tpu.memref_slice %arg4[%scan3A_345, %dma_start3A_431, %add3A_370, %dma_start3A_435, %dma_start3A_436] : memref<50x8x128x8x128xf32, #tpu.memory_space<hbm>> -> memref<1x1x1x8x128xf32, #tpu.memory_space<hbm>>
      %dma_start3A_438 = tpu.memref_squeeze %dma_start3A_437 : memref<1x1x1x8x128xf32, #tpu.memory_space<hbm>> -> memref<8x128xf32, #tpu.memory_space<hbm>>
      %dma_start3A_439 = arith.constant 0 : i32
      %dma_start3A_440 = arith.constant 0 : i32
      %dma_start3A_441 = tpu.memref_slice %arg4[%scan3A_345, %dma_start3A_431, %add3A_370, %dma_start3A_439, %dma_start3A_440] : memref<50x8x128x8x128xf32, #tpu.memory_space<hbm>> -> memref<1x1x1x8x128xf32, #tpu.memory_space<hbm>>
      %dma_start3A_442 = tpu.memref_squeeze %dma_start3A_441 : memref<1x1x1x8x128xf32, #tpu.memory_space<hbm>> -> memref<8x128xf32, #tpu.memory_space<hbm>>
      %dma_start3A_443 = arith.constant 32 : i32
      %dma_start3A_444 = arith.constant 0 : i32
      %dma_start3A_445 = tpu.memref_slice %arg10[%dma_start3A_443, %dma_start3A_444] : memref<64x129xf32, #tpu.memory_space<vmem>> -> memref<8x128xf32, #tpu.memory_space<vmem>>
      tpu.enqueue_dma source(%dma_start3A_445 : memref<8x128xf32, #tpu.memory_space<vmem>>) target(%dma_start3A_442 : memref<8x128xf32, #tpu.memory_space<hbm>>) target_semaphore(%arg14 : memref<!tpu.dma_semaphore, #tpu.memory_space<semaphore_mem>>)
      %dma_start3A_446 = arith.constant 5 : i32
      %dma_start3A_447 = arith.constant 40 : i32
      %dma_start3A_448 = arith.constant 0 : i32
      %dma_start3A_449 = tpu.memref_slice %arg10[%dma_start3A_447, %dma_start3A_448] : memref<64x129xf32, #tpu.memory_space<vmem>> -> memref<8x128xf32, #tpu.memory_space<vmem>>
      %dma_start3A_450 = arith.constant 0 : i32
      %dma_start3A_451 = arith.constant 0 : i32
      %dma_start3A_452 = tpu.memref_slice %arg4[%scan3A_345, %dma_start3A_446, %add3A_370, %dma_start3A_450, %dma_start3A_451] : memref<50x8x128x8x128xf32, #tpu.memory_space<hbm>> -> memref<1x1x1x8x128xf32, #tpu.memory_space<hbm>>
      %dma_start3A_453 = tpu.memref_squeeze %dma_start3A_452 : memref<1x1x1x8x128xf32, #tpu.memory_space<hbm>> -> memref<8x128xf32, #tpu.memory_space<hbm>>
      %dma_start3A_454 = arith.constant 0 : i32
      %dma_start3A_455 = arith.constant 0 : i32
      %dma_start3A_456 = tpu.memref_slice %arg4[%scan3A_345, %dma_start3A_446, %add3A_370, %dma_start3A_454, %dma_start3A_455] : memref<50x8x128x8x128xf32, #tpu.memory_space<hbm>> -> memref<1x1x1x8x128xf32, #tpu.memory_space<hbm>>
      %dma_start3A_457 = tpu.memref_squeeze %dma_start3A_456 : memref<1x1x1x8x128xf32, #tpu.memory_space<hbm>> -> memref<8x128xf32, #tpu.memory_space<hbm>>
      %dma_start3A_458 = arith.constant 40 : i32
      %dma_start3A_459 = arith.constant 0 : i32
      %dma_start3A_460 = tpu.memref_slice %arg10[%dma_start3A_458, %dma_start3A_459] : memref<64x129xf32, #tpu.memory_space<vmem>> -> memref<8x128xf32, #tpu.memory_space<vmem>>
      tpu.enqueue_dma source(%dma_start3A_460 : memref<8x128xf32, #tpu.memory_space<vmem>>) target(%dma_start3A_457 : memref<8x128xf32, #tpu.memory_space<hbm>>) target_semaphore(%arg14 : memref<!tpu.dma_semaphore, #tpu.memory_space<semaphore_mem>>)
      %dma_start3A_461 = arith.constant 6 : i32
      %dma_start3A_462 = arith.constant 48 : i32
      %dma_start3A_463 = arith.constant 0 : i32
      %dma_start3A_464 = tpu.memref_slice %arg10[%dma_start3A_462, %dma_start3A_463] : memref<64x129xf32, #tpu.memory_space<vmem>> -> memref<8x128xf32, #tpu.memory_space<vmem>>
      %dma_start3A_465 = arith.constant 0 : i32
      %dma_start3A_466 = arith.constant 0 : i32
      %dma_start3A_467 = tpu.memref_slice %arg4[%scan3A_345, %dma_start3A_461, %add3A_370, %dma_start3A_465, %dma_start3A_466] : memref<50x8x128x8x128xf32, #tpu.memory_space<hbm>> -> memref<1x1x1x8x128xf32, #tpu.memory_space<hbm>>
      %dma_start3A_468 = tpu.memref_squeeze %dma_start3A_467 : memref<1x1x1x8x128xf32, #tpu.memory_space<hbm>> -> memref<8x128xf32, #tpu.memory_space<hbm>>
      %dma_start3A_469 = arith.constant 0 : i32
      %dma_start3A_470 = arith.constant 0 : i32
      %dma_start3A_471 = tpu.memref_slice %arg4[%scan3A_345, %dma_start3A_461, %add3A_370, %dma_start3A_469, %dma_start3A_470] : memref<50x8x128x8x128xf32, #tpu.memory_space<hbm>> -> memref<1x1x1x8x128xf32, #tpu.memory_space<hbm>>
      %dma_start3A_472 = tpu.memref_squeeze %dma_start3A_471 : memref<1x1x1x8x128xf32, #tpu.memory_space<hbm>> -> memref<8x128xf32, #tpu.memory_space<hbm>>
      %dma_start3A_473 = arith.constant 48 : i32
      %dma_start3A_474 = arith.constant 0 : i32
      %dma_start3A_475 = tpu.memref_slice %arg10[%dma_start3A_473, %dma_start3A_474] : memref<64x129xf32, #tpu.memory_space<vmem>> -> memref<8x128xf32, #tpu.memory_space<vmem>>
      tpu.enqueue_dma source(%dma_start3A_475 : memref<8x128xf32, #tpu.memory_space<vmem>>) target(%dma_start3A_472 : memref<8x128xf32, #tpu.memory_space<hbm>>) target_semaphore(%arg14 : memref<!tpu.dma_semaphore, #tpu.memory_space<semaphore_mem>>)
      %dma_start3A_476 = arith.constant 7 : i32
      %dma_start3A_477 = arith.constant 56 : i32
      %dma_start3A_478 = arith.constant 0 : i32
      %dma_start3A_479 = tpu.memref_slice %arg10[%dma_start3A_477, %dma_start3A_478] : memref<64x129xf32, #tpu.memory_space<vmem>> -> memref<8x128xf32, #tpu.memory_space<vmem>>
      %dma_start3A_480 = arith.constant 0 : i32
      %dma_start3A_481 = arith.constant 0 : i32
      %dma_start3A_482 = tpu.memref_slice %arg4[%scan3A_345, %dma_start3A_476, %add3A_370, %dma_start3A_480, %dma_start3A_481] : memref<50x8x128x8x128xf32, #tpu.memory_space<hbm>> -> memref<1x1x1x8x128xf32, #tpu.memory_space<hbm>>
      %dma_start3A_483 = tpu.memref_squeeze %dma_start3A_482 : memref<1x1x1x8x128xf32, #tpu.memory_space<hbm>> -> memref<8x128xf32, #tpu.memory_space<hbm>>
      %dma_start3A_484 = arith.constant 0 : i32
      %dma_start3A_485 = arith.constant 0 : i32
      %dma_start3A_486 = tpu.memref_slice %arg4[%scan3A_345, %dma_start3A_476, %add3A_370, %dma_start3A_484, %dma_start3A_485] : memref<50x8x128x8x128xf32, #tpu.memory_space<hbm>> -> memref<1x1x1x8x128xf32, #tpu.memory_space<hbm>>
      %dma_start3A_487 = tpu.memref_squeeze %dma_start3A_486 : memref<1x1x1x8x128xf32, #tpu.memory_space<hbm>> -> memref<8x128xf32, #tpu.memory_space<hbm>>
      %dma_start3A_488 = arith.constant 56 : i32
      %dma_start3A_489 = arith.constant 0 : i32
      %dma_start3A_490 = tpu.memref_slice %arg10[%dma_start3A_488, %dma_start3A_489] : memref<64x129xf32, #tpu.memory_space<vmem>> -> memref<8x128xf32, #tpu.memory_space<vmem>>
      tpu.enqueue_dma source(%dma_start3A_490 : memref<8x128xf32, #tpu.memory_space<vmem>>) target(%dma_start3A_487 : memref<8x128xf32, #tpu.memory_space<hbm>>) target_semaphore(%arg14 : memref<!tpu.dma_semaphore, #tpu.memory_space<semaphore_mem>>)
      %mul3A_491 = arith.constant 2 : i32
      %mul3A_492 = arith.muli %scan3A_344, %mul3A_491 : i32
      %add3A_493 = arith.constant 1 : i32
      %add3A_494 = arith.addi %mul3A_492, %add3A_493 : i32
      %add3A_495 = arith.constant 1 : i32
      %add3A_496 = arith.addi %select_n3A, %add3A_495 : i32
      %eq3A_497 = arith.constant 50 : i32
      %eq3A_498 = arith.cmpi eq, %add3A_496, %eq3A_497 : i32
      %jit3A_499 = arith.constant 0 : i32
      %select_n3A_500 = arith.select %eq3A_498, %jit3A_499, %add3A_496 : i32
      %add3A_501 = arith.constant 1 : i32
      %add3A_502 = arith.addi %select_n3A_356, %add3A_501 : i32
      %select_n3A_503 = arith.select %eq3A_498, %add3A_502, %select_n3A_356 : i32
      %lt3A_504 = arith.constant 199 : i32
      %lt3A_505 = arith.cmpi slt, %add3A_494, %lt3A_504 : i32
      %convert_element_type3A_506 = arith.extui %lt3A_505 : i1 to i32
      %cond3A_507 = arith.constant 0 : i32
      %cond3A_508 = arith.cmpi ne, %convert_element_type3A_506, %cond3A_507 : i32
      scf.if %cond3A_508 {
        %mul3A_643 = arith.constant 6400 : i32
        %mul3A_644 = arith.muli %select_n3A_503, %mul3A_643 : i32
        %add3A_645 = arith.addi %mul3A_644, %select_n3A_500 : i32
        %add3A_646 = arith.constant 0 : i32
        %add3A_647 = arith.addi %add3A_645, %add3A_646 : i32
        %add3A_648 = vector.broadcast %add3A_647 : i32 to vector<16xi32>
        %add3A_649 = arith.addi %mul3A_3, %add3A_648 : vector<16xi32>
        %gather3A_650 = tpu.vector_load_idx %arg5[%add3A_649] : memref<25600xi32, #tpu.memory_space<vmem>>[vector<16xi32>], vector<16xi32>,
        %swap3A_651 = arith.constant 0 : index
        %swap3A_652 = tpu.vector_load %arg6[%swap3A_651] {strides = array<i32>} : memref<128xi32, #tpu.memory_space<vmem>>, vector<16xi32>,
        tpu.vector_store %arg6[%swap3A_651], %gather3A_650 {strides = array<i32>} : memref<128xi32, #tpu.memory_space<vmem>>, vector<16xi32>,
        %add3A_653 = arith.constant 800 : i32
        %add3A_654 = arith.addi %add3A_645, %add3A_653 : i32
        %add3A_655 = vector.broadcast %add3A_654 : i32 to vector<16xi32>
        %add3A_656 = arith.addi %mul3A_3, %add3A_655 : vector<16xi32>
        %gather3A_657 = tpu.vector_load_idx %arg5[%add3A_656] : memref<25600xi32, #tpu.memory_space<vmem>>[vector<16xi32>], vector<16xi32>,
        %swap3A_658 = arith.constant 16 : index
        %swap3A_659 = tpu.vector_load %arg6[%swap3A_658] {strides = array<i32>} : memref<128xi32, #tpu.memory_space<vmem>>, vector<16xi32>,
        tpu.vector_store %arg6[%swap3A_658], %gather3A_657 {strides = array<i32>} : memref<128xi32, #tpu.memory_space<vmem>>, vector<16xi32>,
        %add3A_660 = arith.constant 1600 : i32
        %add3A_661 = arith.addi %add3A_645, %add3A_660 : i32
        %add3A_662 = vector.broadcast %add3A_661 : i32 to vector<16xi32>
        %add3A_663 = arith.addi %mul3A_3, %add3A_662 : vector<16xi32>
        %gather3A_664 = tpu.vector_load_idx %arg5[%add3A_663] : memref<25600xi32, #tpu.memory_space<vmem>>[vector<16xi32>], vector<16xi32>,
        %swap3A_665 = arith.constant 32 : index
        %swap3A_666 = tpu.vector_load %arg6[%swap3A_665] {strides = array<i32>} : memref<128xi32, #tpu.memory_space<vmem>>, vector<16xi32>,
        tpu.vector_store %arg6[%swap3A_665], %gather3A_664 {strides = array<i32>} : memref<128xi32, #tpu.memory_space<vmem>>, vector<16xi32>,
        %add3A_667 = arith.constant 2400 : i32
        %add3A_668 = arith.addi %add3A_645, %add3A_667 : i32
        %add3A_669 = vector.broadcast %add3A_668 : i32 to vector<16xi32>
        %add3A_670 = arith.addi %mul3A_3, %add3A_669 : vector<16xi32>
        %gather3A_671 = tpu.vector_load_idx %arg5[%add3A_670] : memref<25600xi32, #tpu.memory_space<vmem>>[vector<16xi32>], vector<16xi32>,
        %swap3A_672 = arith.constant 48 : index
        %swap3A_673 = tpu.vector_load %arg6[%swap3A_672] {strides = array<i32>} : memref<128xi32, #tpu.memory_space<vmem>>, vector<16xi32>,
        tpu.vector_store %arg6[%swap3A_672], %gather3A_671 {strides = array<i32>} : memref<128xi32, #tpu.memory_space<vmem>>, vector<16xi32>,
        %add3A_674 = arith.constant 3200 : i32
        %add3A_675 = arith.addi %add3A_645, %add3A_674 : i32
        %add3A_676 = vector.broadcast %add3A_675 : i32 to vector<16xi32>
        %add3A_677 = arith.addi %mul3A_3, %add3A_676 : vector<16xi32>
        %gather3A_678 = tpu.vector_load_idx %arg5[%add3A_677] : memref<25600xi32, #tpu.memory_space<vmem>>[vector<16xi32>], vector<16xi32>,
        %swap3A_679 = arith.constant 64 : index
        %swap3A_680 = tpu.vector_load %arg6[%swap3A_679] {strides = array<i32>} : memref<128xi32, #tpu.memory_space<vmem>>, vector<16xi32>,
        tpu.vector_store %arg6[%swap3A_679], %gather3A_678 {strides = array<i32>} : memref<128xi32, #tpu.memory_space<vmem>>, vector<16xi32>,
        %add3A_681 = arith.constant 4000 : i32
        %add3A_682 = arith.addi %add3A_645, %add3A_681 : i32
        %add3A_683 = vector.broadcast %add3A_682 : i32 to vector<16xi32>
        %add3A_684 = arith.addi %mul3A_3, %add3A_683 : vector<16xi32>
        %gather3A_685 = tpu.vector_load_idx %arg5[%add3A_684] : memref<25600xi32, #tpu.memory_space<vmem>>[vector<16xi32>], vector<16xi32>,
        %swap3A_686 = arith.constant 80 : index
        %swap3A_687 = tpu.vector_load %arg6[%swap3A_686] {strides = array<i32>} : memref<128xi32, #tpu.memory_space<vmem>>, vector<16xi32>,
        tpu.vector_store %arg6[%swap3A_686], %gather3A_685 {strides = array<i32>} : memref<128xi32, #tpu.memory_space<vmem>>, vector<16xi32>,
        %add3A_688 = arith.constant 4800 : i32
        %add3A_689 = arith.addi %add3A_645, %add3A_688 : i32
        %add3A_690 = vector.broadcast %add3A_689 : i32 to vector<16xi32>
        %add3A_691 = arith.addi %mul3A_3, %add3A_690 : vector<16xi32>
        %gather3A_692 = tpu.vector_load_idx %arg5[%add3A_691] : memref<25600xi32, #tpu.memory_space<vmem>>[vector<16xi32>], vector<16xi32>,
        %swap3A_693 = arith.constant 96 : index
        %swap3A_694 = tpu.vector_load %arg6[%swap3A_693] {strides = array<i32>} : memref<128xi32, #tpu.memory_space<vmem>>, vector<16xi32>,
        tpu.vector_store %arg6[%swap3A_693], %gather3A_692 {strides = array<i32>} : memref<128xi32, #tpu.memory_space<vmem>>, vector<16xi32>,
        %add3A_695 = arith.constant 5600 : i32
        %add3A_696 = arith.addi %add3A_645, %add3A_695 : i32
        %add3A_697 = vector.broadcast %add3A_696 : i32 to vector<16xi32>
        %add3A_698 = arith.addi %mul3A_3, %add3A_697 : vector<16xi32>
        %gather3A_699 = tpu.vector_load_idx %arg5[%add3A_698] : memref<25600xi32, #tpu.memory_space<vmem>>[vector<16xi32>], vector<16xi32>,
        %swap3A_700 = arith.constant 112 : index
        %swap3A_701 = tpu.vector_load %arg6[%swap3A_700] {strides = array<i32>} : memref<128xi32, #tpu.memory_space<vmem>>, vector<16xi32>,
        tpu.vector_store %arg6[%swap3A_700], %gather3A_699 {strides = array<i32>} : memref<128xi32, #tpu.memory_space<vmem>>, vector<16xi32>,
        %dma_start3A_702 = arith.constant 0 : i32
        %dma_start3A_703 = arith.constant 0 : i32
        %dma_start3A_704 = tpu.memref_slice %arg3[%dma_start3A_702, %dma_start3A_703] : memref<1000000x64xf32, #tpu.memory_space<hbm>> -> memref<1000000x64xf32, #tpu.memory_space<hbm>>
        tpu.enqueue_indirect_dma source(%dma_start3A_704 : memref<1000000x64xf32, #tpu.memory_space<hbm>>) target(%arg8 : memref<128x64xf32, #tpu.memory_space<vmem>>) offsets(%arg6 : memref<128xi32, #tpu.memory_space<vmem>>) semaphore(%arg12 : memref<!tpu.dma_semaphore, #tpu.memory_space<semaphore_mem>>)
      } else {
      }
      %dma_wait3A_509 = arith.constant 0 : i32
      %dma_wait3A_510 = arith.constant 0 : i32
      %dma_wait3A_511 = tpu.memref_slice %arg3[%dma_wait3A_509, %dma_wait3A_510] : memref<1000000x64xf32, #tpu.memory_space<hbm>> -> memref<1000000x64xf32, #tpu.memory_space<hbm>>
      tpu.wait_indirect_dma semaphore(%arg13 : memref<!tpu.dma_semaphore, #tpu.memory_space<semaphore_mem>>) src(%dma_wait3A_511 : memref<1000000x64xf32, #tpu.memory_space<hbm>>) dst(%arg9 : memref<128x64xf32, #tpu.memory_space<vmem>>)
      %ge3A_512 = arith.constant 2 : i32
      %ge3A_513 = arith.cmpi sge, %add3A_494, %ge3A_512 : i32
      %convert_element_type3A_514 = arith.extui %ge3A_513 : i1 to i32
      %cond3A_515 = arith.constant 0 : i32
      %cond3A_516 = arith.cmpi ne, %convert_element_type3A_514, %cond3A_515 : i32
      scf.if %cond3A_516 {
        %dma_wait3A_643 = arith.constant 0 : i32
        %dma_wait3A_644 = arith.constant 0 : i32
        %dma_wait3A_645 = arith.constant 0 : i32
        %dma_wait3A_646 = arith.constant 0 : i32
        %dma_wait3A_647 = arith.constant 0 : i32
        %dma_wait3A_648 = tpu.memref_slice %arg11[%dma_wait3A_646, %dma_wait3A_647] : memref<64x129xf32, #tpu.memory_space<vmem>> -> memref<8x128xf32, #tpu.memory_space<vmem>>
        %dma_wait3A_649 = arith.constant 0 : i32
        %dma_wait3A_650 = arith.constant 0 : i32
        %dma_wait3A_651 = tpu.memref_slice %arg4[%dma_wait3A_643, %dma_wait3A_644, %dma_wait3A_645, %dma_wait3A_649, %dma_wait3A_650] : memref<50x8x128x8x128xf32, #tpu.memory_space<hbm>> -> memref<1x1x1x8x128xf32, #tpu.memory_space<hbm>>
        %dma_wait3A_652 = tpu.memref_squeeze %dma_wait3A_651 : memref<1x1x1x8x128xf32, #tpu.memory_space<hbm>> -> memref<8x128xf32, #tpu.memory_space<hbm>>
        %dma_wait3A_653 = arith.constant 0 : i32
        %dma_wait3A_654 = arith.constant 0 : i32
        %dma_wait3A_655 = tpu.memref_slice %arg11[%dma_wait3A_653, %dma_wait3A_654] : memref<64x129xf32, #tpu.memory_space<vmem>> -> memref<8x128xf32, #tpu.memory_space<vmem>>
        %dma_wait3A_656 = arith.constant 0 : i32
        %dma_wait3A_657 = arith.constant 0 : i32
        %dma_wait3A_658 = tpu.memref_slice %arg4[%dma_wait3A_643, %dma_wait3A_644, %dma_wait3A_645, %dma_wait3A_656, %dma_wait3A_657] : memref<50x8x128x8x128xf32, #tpu.memory_space<hbm>> -> memref<1x1x1x8x128xf32, #tpu.memory_space<hbm>>
        %dma_wait3A_659 = tpu.memref_squeeze %dma_wait3A_658 : memref<1x1x1x8x128xf32, #tpu.memory_space<hbm>> -> memref<8x128xf32, #tpu.memory_space<hbm>>
        tpu.wait_dma2 semaphore(%arg15 : memref<!tpu.dma_semaphore, #tpu.memory_space<semaphore_mem>>) src(%dma_wait3A_659 : memref<8x128xf32, #tpu.memory_space<hbm>>) dst(%dma_wait3A_655 : memref<8x128xf32, #tpu.memory_space<vmem>>)
        %dma_wait3A_660 = arith.constant 0 : i32
        %dma_wait3A_661 = arith.constant 1 : i32
        %dma_wait3A_662 = arith.constant 0 : i32
        %dma_wait3A_663 = arith.constant 8 : i32
        %dma_wait3A_664 = arith.constant 0 : i32
        %dma_wait3A_665 = tpu.memref_slice %arg11[%dma_wait3A_663, %dma_wait3A_664] : memref<64x129xf32, #tpu.memory_space<vmem>> -> memref<8x128xf32, #tpu.memory_space<vmem>>
        %dma_wait3A_666 = arith.constant 0 : i32
        %dma_wait3A_667 = arith.constant 0 : i32
        %dma_wait3A_668 = tpu.memref_slice %arg4[%dma_wait3A_660, %dma_wait3A_661, %dma_wait3A_662, %dma_wait3A_666, %dma_wait3A_667] : memref<50x8x128x8x128xf32, #tpu.memory_space<hbm>> -> memref<1x1x1x8x128xf32, #tpu.memory_space<hbm>>
        %dma_wait3A_669 = tpu.memref_squeeze %dma_wait3A_668 : memref<1x1x1x8x128xf32, #tpu.memory_space<hbm>> -> memref<8x128xf32, #tpu.memory_space<hbm>>
        %dma_wait3A_670 = arith.constant 8 : i32
        %dma_wait3A_671 = arith.constant 0 : i32
        %dma_wait3A_672 = tpu.memref_slice %arg11[%dma_wait3A_670, %dma_wait3A_671] : memref<64x129xf32, #tpu.memory_space<vmem>> -> memref<8x128xf32, #tpu.memory_space<vmem>>
        %dma_wait3A_673 = arith.constant 0 : i32
        %dma_wait3A_674 = arith.constant 0 : i32
        %dma_wait3A_675 = tpu.memref_slice %arg4[%dma_wait3A_660, %dma_wait3A_661, %dma_wait3A_662, %dma_wait3A_673, %dma_wait3A_674] : memref<50x8x128x8x128xf32, #tpu.memory_space<hbm>> -> memref<1x1x1x8x128xf32, #tpu.memory_space<hbm>>
        %dma_wait3A_676 = tpu.memref_squeeze %dma_wait3A_675 : memref<1x1x1x8x128xf32, #tpu.memory_space<hbm>> -> memref<8x128xf32, #tpu.memory_space<hbm>>
        tpu.wait_dma2 semaphore(%arg15 : memref<!tpu.dma_semaphore, #tpu.memory_space<semaphore_mem>>) src(%dma_wait3A_676 : memref<8x128xf32, #tpu.memory_space<hbm>>) dst(%dma_wait3A_672 : memref<8x128xf32, #tpu.memory_space<vmem>>)
        %dma_wait3A_677 = arith.constant 0 : i32
        %dma_wait3A_678 = arith.constant 2 : i32
        %dma_wait3A_679 = arith.constant 0 : i32
        %dma_wait3A_680 = arith.constant 16 : i32
        %dma_wait3A_681 = arith.constant 0 : i32
        %dma_wait3A_682 = tpu.memref_slice %arg11[%dma_wait3A_680, %dma_wait3A_681] : memref<64x129xf32, #tpu.memory_space<vmem>> -> memref<8x128xf32, #tpu.memory_space<vmem>>
        %dma_wait3A_683 = arith.constant 0 : i32
        %dma_wait3A_684 = arith.constant 0 : i32
        %dma_wait3A_685 = tpu.memref_slice %arg4[%dma_wait3A_677, %dma_wait3A_678, %dma_wait3A_679, %dma_wait3A_683, %dma_wait3A_684] : memref<50x8x128x8x128xf32, #tpu.memory_space<hbm>> -> memref<1x1x1x8x128xf32, #tpu.memory_space<hbm>>
        %dma_wait3A_686 = tpu.memref_squeeze %dma_wait3A_685 : memref<1x1x1x8x128xf32, #tpu.memory_space<hbm>> -> memref<8x128xf32, #tpu.memory_space<hbm>>
        %dma_wait3A_687 = arith.constant 16 : i32
        %dma_wait3A_688 = arith.constant 0 : i32
        %dma_wait3A_689 = tpu.memref_slice %arg11[%dma_wait3A_687, %dma_wait3A_688] : memref<64x129xf32, #tpu.memory_space<vmem>> -> memref<8x128xf32, #tpu.memory_space<vmem>>
        %dma_wait3A_690 = arith.constant 0 : i32
        %dma_wait3A_691 = arith.constant 0 : i32
        %dma_wait3A_692 = tpu.memref_slice %arg4[%dma_wait3A_677, %dma_wait3A_678, %dma_wait3A_679, %dma_wait3A_690, %dma_wait3A_691] : memref<50x8x128x8x128xf32, #tpu.memory_space<hbm>> -> memref<1x1x1x8x128xf32, #tpu.memory_space<hbm>>
        %dma_wait3A_693 = tpu.memref_squeeze %dma_wait3A_692 : memref<1x1x1x8x128xf32, #tpu.memory_space<hbm>> -> memref<8x128xf32, #tpu.memory_space<hbm>>
        tpu.wait_dma2 semaphore(%arg15 : memref<!tpu.dma_semaphore, #tpu.memory_space<semaphore_mem>>) src(%dma_wait3A_693 : memref<8x128xf32, #tpu.memory_space<hbm>>) dst(%dma_wait3A_689 : memref<8x128xf32, #tpu.memory_space<vmem>>)
        %dma_wait3A_694 = arith.constant 0 : i32
        %dma_wait3A_695 = arith.constant 3 : i32
        %dma_wait3A_696 = arith.constant 0 : i32
        %dma_wait3A_697 = arith.constant 24 : i32
        %dma_wait3A_698 = arith.constant 0 : i32
        %dma_wait3A_699 = tpu.memref_slice %arg11[%dma_wait3A_697, %dma_wait3A_698] : memref<64x129xf32, #tpu.memory_space<vmem>> -> memref<8x128xf32, #tpu.memory_space<vmem>>
        %dma_wait3A_700 = arith.constant 0 : i32
        %dma_wait3A_701 = arith.constant 0 : i32
        %dma_wait3A_702 = tpu.memref_slice %arg4[%dma_wait3A_694, %dma_wait3A_695, %dma_wait3A_696, %dma_wait3A_700, %dma_wait3A_701] : memref<50x8x128x8x128xf32, #tpu.memory_space<hbm>> -> memref<1x1x1x8x128xf32, #tpu.memory_space<hbm>>
        %dma_wait3A_703 = tpu.memref_squeeze %dma_wait3A_702 : memref<1x1x1x8x128xf32, #tpu.memory_space<hbm>> -> memref<8x128xf32, #tpu.memory_space<hbm>>
        %dma_wait3A_704 = arith.constant 24 : i32
        %dma_wait3A_705 = arith.constant 0 : i32
        %dma_wait3A_706 = tpu.memref_slice %arg11[%dma_wait3A_704, %dma_wait3A_705] : memref<64x129xf32, #tpu.memory_space<vmem>> -> memref<8x128xf32, #tpu.memory_space<vmem>>
        %dma_wait3A_707 = arith.constant 0 : i32
        %dma_wait3A_708 = arith.constant 0 : i32
        %dma_wait3A_709 = tpu.memref_slice %arg4[%dma_wait3A_694, %dma_wait3A_695, %dma_wait3A_696, %dma_wait3A_707, %dma_wait3A_708] : memref<50x8x128x8x128xf32, #tpu.memory_space<hbm>> -> memref<1x1x1x8x128xf32, #tpu.memory_space<hbm>>
        %dma_wait3A_710 = tpu.memref_squeeze %dma_wait3A_709 : memref<1x1x1x8x128xf32, #tpu.memory_space<hbm>> -> memref<8x128xf32, #tpu.memory_space<hbm>>
        tpu.wait_dma2 semaphore(%arg15 : memref<!tpu.dma_semaphore, #tpu.memory_space<semaphore_mem>>) src(%dma_wait3A_710 : memref<8x128xf32, #tpu.memory_space<hbm>>) dst(%dma_wait3A_706 : memref<8x128xf32, #tpu.memory_space<vmem>>)
        %dma_wait3A_711 = arith.constant 0 : i32
        %dma_wait3A_712 = arith.constant 4 : i32
        %dma_wait3A_713 = arith.constant 0 : i32
        %dma_wait3A_714 = arith.constant 32 : i32
        %dma_wait3A_715 = arith.constant 0 : i32
        %dma_wait3A_716 = tpu.memref_slice %arg11[%dma_wait3A_714, %dma_wait3A_715] : memref<64x129xf32, #tpu.memory_space<vmem>> -> memref<8x128xf32, #tpu.memory_space<vmem>>
        %dma_wait3A_717 = arith.constant 0 : i32
        %dma_wait3A_718 = arith.constant 0 : i32
        %dma_wait3A_719 = tpu.memref_slice %arg4[%dma_wait3A_711, %dma_wait3A_712, %dma_wait3A_713, %dma_wait3A_717, %dma_wait3A_718] : memref<50x8x128x8x128xf32, #tpu.memory_space<hbm>> -> memref<1x1x1x8x128xf32, #tpu.memory_space<hbm>>
        %dma_wait3A_720 = tpu.memref_squeeze %dma_wait3A_719 : memref<1x1x1x8x128xf32, #tpu.memory_space<hbm>> -> memref<8x128xf32, #tpu.memory_space<hbm>>
        %dma_wait3A_721 = arith.constant 32 : i32
        %dma_wait3A_722 = arith.constant 0 : i32
        %dma_wait3A_723 = tpu.memref_slice %arg11[%dma_wait3A_721, %dma_wait3A_722] : memref<64x129xf32, #tpu.memory_space<vmem>> -> memref<8x128xf32, #tpu.memory_space<vmem>>
        %dma_wait3A_724 = arith.constant 0 : i32
        %dma_wait3A_725 = arith.constant 0 : i32
        %dma_wait3A_726 = tpu.memref_slice %arg4[%dma_wait3A_711, %dma_wait3A_712, %dma_wait3A_713, %dma_wait3A_724, %dma_wait3A_725] : memref<50x8x128x8x128xf32, #tpu.memory_space<hbm>> -> memref<1x1x1x8x128xf32, #tpu.memory_space<hbm>>
        %dma_wait3A_727 = tpu.memref_squeeze %dma_wait3A_726 : memref<1x1x1x8x128xf32, #tpu.memory_space<hbm>> -> memref<8x128xf32, #tpu.memory_space<hbm>>
        tpu.wait_dma2 semaphore(%arg15 : memref<!tpu.dma_semaphore, #tpu.memory_space<semaphore_mem>>) src(%dma_wait3A_727 : memref<8x128xf32, #tpu.memory_space<hbm>>) dst(%dma_wait3A_723 : memref<8x128xf32, #tpu.memory_space<vmem>>)
        %dma_wait3A_728 = arith.constant 0 : i32
        %dma_wait3A_729 = arith.constant 5 : i32
        %dma_wait3A_730 = arith.constant 0 : i32
        %dma_wait3A_731 = arith.constant 40 : i32
        %dma_wait3A_732 = arith.constant 0 : i32
        %dma_wait3A_733 = tpu.memref_slice %arg11[%dma_wait3A_731, %dma_wait3A_732] : memref<64x129xf32, #tpu.memory_space<vmem>> -> memref<8x128xf32, #tpu.memory_space<vmem>>
        %dma_wait3A_734 = arith.constant 0 : i32
        %dma_wait3A_735 = arith.constant 0 : i32
        %dma_wait3A_736 = tpu.memref_slice %arg4[%dma_wait3A_728, %dma_wait3A_729, %dma_wait3A_730, %dma_wait3A_734, %dma_wait3A_735] : memref<50x8x128x8x128xf32, #tpu.memory_space<hbm>> -> memref<1x1x1x8x128xf32, #tpu.memory_space<hbm>>
        %dma_wait3A_737 = tpu.memref_squeeze %dma_wait3A_736 : memref<1x1x1x8x128xf32, #tpu.memory_space<hbm>> -> memref<8x128xf32, #tpu.memory_space<hbm>>
        %dma_wait3A_738 = arith.constant 40 : i32
        %dma_wait3A_739 = arith.constant 0 : i32
        %dma_wait3A_740 = tpu.memref_slice %arg11[%dma_wait3A_738, %dma_wait3A_739] : memref<64x129xf32, #tpu.memory_space<vmem>> -> memref<8x128xf32, #tpu.memory_space<vmem>>
        %dma_wait3A_741 = arith.constant 0 : i32
        %dma_wait3A_742 = arith.constant 0 : i32
        %dma_wait3A_743 = tpu.memref_slice %arg4[%dma_wait3A_728, %dma_wait3A_729, %dma_wait3A_730, %dma_wait3A_741, %dma_wait3A_742] : memref<50x8x128x8x128xf32, #tpu.memory_space<hbm>> -> memref<1x1x1x8x128xf32, #tpu.memory_space<hbm>>
        %dma_wait3A_744 = tpu.memref_squeeze %dma_wait3A_743 : memref<1x1x1x8x128xf32, #tpu.memory_space<hbm>> -> memref<8x128xf32, #tpu.memory_space<hbm>>
        tpu.wait_dma2 semaphore(%arg15 : memref<!tpu.dma_semaphore, #tpu.memory_space<semaphore_mem>>) src(%dma_wait3A_744 : memref<8x128xf32, #tpu.memory_space<hbm>>) dst(%dma_wait3A_740 : memref<8x128xf32, #tpu.memory_space<vmem>>)
        %dma_wait3A_745 = arith.constant 0 : i32
        %dma_wait3A_746 = arith.constant 6 : i32
        %dma_wait3A_747 = arith.constant 0 : i32
        %dma_wait3A_748 = arith.constant 48 : i32
        %dma_wait3A_749 = arith.constant 0 : i32
        %dma_wait3A_750 = tpu.memref_slice %arg11[%dma_wait3A_748, %dma_wait3A_749] : memref<64x129xf32, #tpu.memory_space<vmem>> -> memref<8x128xf32, #tpu.memory_space<vmem>>
        %dma_wait3A_751 = arith.constant 0 : i32
        %dma_wait3A_752 = arith.constant 0 : i32
        %dma_wait3A_753 = tpu.memref_slice %arg4[%dma_wait3A_745, %dma_wait3A_746, %dma_wait3A_747, %dma_wait3A_751, %dma_wait3A_752] : memref<50x8x128x8x128xf32, #tpu.memory_space<hbm>> -> memref<1x1x1x8x128xf32, #tpu.memory_space<hbm>>
        %dma_wait3A_754 = tpu.memref_squeeze %dma_wait3A_753 : memref<1x1x1x8x128xf32, #tpu.memory_space<hbm>> -> memref<8x128xf32, #tpu.memory_space<hbm>>
        %dma_wait3A_755 = arith.constant 48 : i32
        %dma_wait3A_756 = arith.constant 0 : i32
        %dma_wait3A_757 = tpu.memref_slice %arg11[%dma_wait3A_755, %dma_wait3A_756] : memref<64x129xf32, #tpu.memory_space<vmem>> -> memref<8x128xf32, #tpu.memory_space<vmem>>
        %dma_wait3A_758 = arith.constant 0 : i32
        %dma_wait3A_759 = arith.constant 0 : i32
        %dma_wait3A_760 = tpu.memref_slice %arg4[%dma_wait3A_745, %dma_wait3A_746, %dma_wait3A_747, %dma_wait3A_758, %dma_wait3A_759] : memref<50x8x128x8x128xf32, #tpu.memory_space<hbm>> -> memref<1x1x1x8x128xf32, #tpu.memory_space<hbm>>
        %dma_wait3A_761 = tpu.memref_squeeze %dma_wait3A_760 : memref<1x1x1x8x128xf32, #tpu.memory_space<hbm>> -> memref<8x128xf32, #tpu.memory_space<hbm>>
        tpu.wait_dma2 semaphore(%arg15 : memref<!tpu.dma_semaphore, #tpu.memory_space<semaphore_mem>>) src(%dma_wait3A_761 : memref<8x128xf32, #tpu.memory_space<hbm>>) dst(%dma_wait3A_757 : memref<8x128xf32, #tpu.memory_space<vmem>>)
        %dma_wait3A_762 = arith.constant 0 : i32
        %dma_wait3A_763 = arith.constant 7 : i32
        %dma_wait3A_764 = arith.constant 0 : i32
        %dma_wait3A_765 = arith.constant 56 : i32
        %dma_wait3A_766 = arith.constant 0 : i32
        %dma_wait3A_767 = tpu.memref_slice %arg11[%dma_wait3A_765, %dma_wait3A_766] : memref<64x129xf32, #tpu.memory_space<vmem>> -> memref<8x128xf32, #tpu.memory_space<vmem>>
        %dma_wait3A_768 = arith.constant 0 : i32
        %dma_wait3A_769 = arith.constant 0 : i32
        %dma_wait3A_770 = tpu.memref_slice %arg4[%dma_wait3A_762, %dma_wait3A_763, %dma_wait3A_764, %dma_wait3A_768, %dma_wait3A_769] : memref<50x8x128x8x128xf32, #tpu.memory_space<hbm>> -> memref<1x1x1x8x128xf32, #tpu.memory_space<hbm>>
        %dma_wait3A_771 = tpu.memref_squeeze %dma_wait3A_770 : memref<1x1x1x8x128xf32, #tpu.memory_space<hbm>> -> memref<8x128xf32, #tpu.memory_space<hbm>>
        %dma_wait3A_772 = arith.constant 56 : i32
        %dma_wait3A_773 = arith.constant 0 : i32
        %dma_wait3A_774 = tpu.memref_slice %arg11[%dma_wait3A_772, %dma_wait3A_773] : memref<64x129xf32, #tpu.memory_space<vmem>> -> memref<8x128xf32, #tpu.memory_space<vmem>>
        %dma_wait3A_775 = arith.constant 0 : i32
        %dma_wait3A_776 = arith.constant 0 : i32
        %dma_wait3A_777 = tpu.memref_slice %arg4[%dma_wait3A_762, %dma_wait3A_763, %dma_wait3A_764, %dma_wait3A_775, %dma_wait3A_776] : memref<50x8x128x8x128xf32, #tpu.memory_space<hbm>> -> memref<1x1x1x8x128xf32, #tpu.memory_space<hbm>>
        %dma_wait3A_778 = tpu.memref_squeeze %dma_wait3A_777 : memref<1x1x1x8x128xf32, #tpu.memory_space<hbm>> -> memref<8x128xf32, #tpu.memory_space<hbm>>
        tpu.wait_dma2 semaphore(%arg15 : memref<!tpu.dma_semaphore, #tpu.memory_space<semaphore_mem>>) src(%dma_wait3A_778 : memref<8x128xf32, #tpu.memory_space<hbm>>) dst(%dma_wait3A_774 : memref<8x128xf32, #tpu.memory_space<vmem>>)
      } else {
      }
      %parallel_loop3A_517 = arith.constant 0 : i32
      %parallel_loop3A_518 = arith.constant 128 : i32
      %parallel_loop3A_519 = arith.constant 1 : i32
      scf.for %parallel_loop3A_643 = %parallel_loop3A_517 to %parallel_loop3A_518 step %parallel_loop3A_519  : i32 {
        %parallel_loop3A_644 = arith.constant 0 : i32
        %parallel_loop3A_645 = vector.broadcast %parallel_loop3A_644 : i32 to vector<16xi32>
        %parallel_loop3A_646 = vector.broadcast %parallel_loop3A_643 : i32 to vector<16xi32>
        %parallel_loop3A_647 = arith.addi %parallel_loop3A_645, %parallel_loop3A_646 : vector<16xi32>
        %parallel_loop3A_648 = arith.index_cast %parallel_loop3A_643 : i32 to index
        %parallel_loop3A_649 = arith.constant 0 : index
        %parallel_loop3A_650 = tpu.vector_load %arg9[%parallel_loop3A_648, %parallel_loop3A_649] {strides = array<i32>} : memref<128x64xf32, #tpu.memory_space<vmem>>, vector<16xf32>,
        tpu.vector_store_idx %arg11[%add3A_6, %parallel_loop3A_647], %parallel_loop3A_650 : memref<64x129xf32, #tpu.memory_space<vmem>>[vector<16xi32>, vector<16xi32>], vector<16xf32>,
        %parallel_loop3A_651 = arith.index_cast %parallel_loop3A_643 : i32 to index
        %parallel_loop3A_652 = arith.constant 16 : index
        %parallel_loop3A_653 = tpu.vector_load %arg9[%parallel_loop3A_651, %parallel_loop3A_652] {strides = array<i32>} : memref<128x64xf32, #tpu.memory_space<vmem>>, vector<16xf32>,
        tpu.vector_store_idx %arg11[%add3A_9, %parallel_loop3A_647], %parallel_loop3A_653 : memref<64x129xf32, #tpu.memory_space<vmem>>[vector<16xi32>, vector<16xi32>], vector<16xf32>,
        %parallel_loop3A_654 = arith.index_cast %parallel_loop3A_643 : i32 to index
        %parallel_loop3A_655 = arith.constant 32 : index
        %parallel_loop3A_656 = tpu.vector_load %arg9[%parallel_loop3A_654, %parallel_loop3A_655] {strides = array<i32>} : memref<128x64xf32, #tpu.memory_space<vmem>>, vector<16xf32>,
        tpu.vector_store_idx %arg11[%add3A_12, %parallel_loop3A_647], %parallel_loop3A_656 : memref<64x129xf32, #tpu.memory_space<vmem>>[vector<16xi32>, vector<16xi32>], vector<16xf32>,
        %parallel_loop3A_657 = arith.index_cast %parallel_loop3A_643 : i32 to index
        %parallel_loop3A_658 = arith.constant 48 : index
        %parallel_loop3A_659 = tpu.vector_load %arg9[%parallel_loop3A_657, %parallel_loop3A_658] {strides = array<i32>} : memref<128x64xf32, #tpu.memory_space<vmem>>, vector<16xf32>,
        tpu.vector_store_idx %arg11[%add3A_15, %parallel_loop3A_647], %parallel_loop3A_659 : memref<64x129xf32, #tpu.memory_space<vmem>>[vector<16xi32>, vector<16xi32>], vector<16xf32>,
      } {sc.loop_unroll_factor = 16 : i64, sc.parallel_access}
      %mul3A_520 = arith.constant 4 : i32
      %mul3A_521 = arith.muli %add3A, %mul3A_520 : i32
      %add3A_522 = arith.addi %mul3A_521, %select_n3A_356 : i32
      %dma_start3A_523 = arith.constant 0 : i32
      %dma_start3A_524 = arith.constant 0 : i32
      %dma_start3A_525 = arith.constant 0 : i32
      %dma_start3A_526 = tpu.memref_slice %arg11[%dma_start3A_524, %dma_start3A_525] : memref<64x129xf32, #tpu.memory_space<vmem>> -> memref<8x128xf32, #tpu.memory_space<vmem>>
      %dma_start3A_527 = arith.constant 0 : i32
      %dma_start3A_528 = arith.constant 0 : i32
      %dma_start3A_529 = tpu.memref_slice %arg4[%select_n3A, %dma_start3A_523, %add3A_522, %dma_start3A_527, %dma_start3A_528] : memref<50x8x128x8x128xf32, #tpu.memory_space<hbm>> -> memref<1x1x1x8x128xf32, #tpu.memory_space<hbm>>
      %dma_start3A_530 = tpu.memref_squeeze %dma_start3A_529 : memref<1x1x1x8x128xf32, #tpu.memory_space<hbm>> -> memref<8x128xf32, #tpu.memory_space<hbm>>
      %dma_start3A_531 = arith.constant 0 : i32
      %dma_start3A_532 = arith.constant 0 : i32
      %dma_start3A_533 = tpu.memref_slice %arg4[%select_n3A, %dma_start3A_523, %add3A_522, %dma_start3A_531, %dma_start3A_532] : memref<50x8x128x8x128xf32, #tpu.memory_space<hbm>> -> memref<1x1x1x8x128xf32, #tpu.memory_space<hbm>>
      %dma_start3A_534 = tpu.memref_squeeze %dma_start3A_533 : memref<1x1x1x8x128xf32, #tpu.memory_space<hbm>> -> memref<8x128xf32, #tpu.memory_space<hbm>>
      %dma_start3A_535 = arith.constant 0 : i32
      %dma_start3A_536 = arith.constant 0 : i32
      %dma_start3A_537 = tpu.memref_slice %arg11[%dma_start3A_535, %dma_start3A_536] : memref<64x129xf32, #tpu.memory_space<vmem>> -> memref<8x128xf32, #tpu.memory_space<vmem>>
      tpu.enqueue_dma source(%dma_start3A_537 : memref<8x128xf32, #tpu.memory_space<vmem>>) target(%dma_start3A_534 : memref<8x128xf32, #tpu.memory_space<hbm>>) target_semaphore(%arg15 : memref<!tpu.dma_semaphore, #tpu.memory_space<semaphore_mem>>)
      %dma_start3A_538 = arith.constant 1 : i32
      %dma_start3A_539 = arith.constant 8 : i32
      %dma_start3A_540 = arith.constant 0 : i32
      %dma_start3A_541 = tpu.memref_slice %arg11[%dma_start3A_539, %dma_start3A_540] : memref<64x129xf32, #tpu.memory_space<vmem>> -> memref<8x128xf32, #tpu.memory_space<vmem>>
      %dma_start3A_542 = arith.constant 0 : i32
      %dma_start3A_543 = arith.constant 0 : i32
      %dma_start3A_544 = tpu.memref_slice %arg4[%select_n3A, %dma_start3A_538, %add3A_522, %dma_start3A_542, %dma_start3A_543] : memref<50x8x128x8x128xf32, #tpu.memory_space<hbm>> -> memref<1x1x1x8x128xf32, #tpu.memory_space<hbm>>
      %dma_start3A_545 = tpu.memref_squeeze %dma_start3A_544 : memref<1x1x1x8x128xf32, #tpu.memory_space<hbm>> -> memref<8x128xf32, #tpu.memory_space<hbm>>
      %dma_start3A_546 = arith.constant 0 : i32
      %dma_start3A_547 = arith.constant 0 : i32
      %dma_start3A_548 = tpu.memref_slice %arg4[%select_n3A, %dma_start3A_538, %add3A_522, %dma_start3A_546, %dma_start3A_547] : memref<50x8x128x8x128xf32, #tpu.memory_space<hbm>> -> memref<1x1x1x8x128xf32, #tpu.memory_space<hbm>>
      %dma_start3A_549 = tpu.memref_squeeze %dma_start3A_548 : memref<1x1x1x8x128xf32, #tpu.memory_space<hbm>> -> memref<8x128xf32, #tpu.memory_space<hbm>>
      %dma_start3A_550 = arith.constant 8 : i32
      %dma_start3A_551 = arith.constant 0 : i32
      %dma_start3A_552 = tpu.memref_slice %arg11[%dma_start3A_550, %dma_start3A_551] : memref<64x129xf32, #tpu.memory_space<vmem>> -> memref<8x128xf32, #tpu.memory_space<vmem>>
      tpu.enqueue_dma source(%dma_start3A_552 : memref<8x128xf32, #tpu.memory_space<vmem>>) target(%dma_start3A_549 : memref<8x128xf32, #tpu.memory_space<hbm>>) target_semaphore(%arg15 : memref<!tpu.dma_semaphore, #tpu.memory_space<semaphore_mem>>)
      %dma_start3A_553 = arith.constant 2 : i32
      %dma_start3A_554 = arith.constant 16 : i32
      %dma_start3A_555 = arith.constant 0 : i32
      %dma_start3A_556 = tpu.memref_slice %arg11[%dma_start3A_554, %dma_start3A_555] : memref<64x129xf32, #tpu.memory_space<vmem>> -> memref<8x128xf32, #tpu.memory_space<vmem>>
      %dma_start3A_557 = arith.constant 0 : i32
      %dma_start3A_558 = arith.constant 0 : i32
      %dma_start3A_559 = tpu.memref_slice %arg4[%select_n3A, %dma_start3A_553, %add3A_522, %dma_start3A_557, %dma_start3A_558] : memref<50x8x128x8x128xf32, #tpu.memory_space<hbm>> -> memref<1x1x1x8x128xf32, #tpu.memory_space<hbm>>
      %dma_start3A_560 = tpu.memref_squeeze %dma_start3A_559 : memref<1x1x1x8x128xf32, #tpu.memory_space<hbm>> -> memref<8x128xf32, #tpu.memory_space<hbm>>
      %dma_start3A_561 = arith.constant 0 : i32
      %dma_start3A_562 = arith.constant 0 : i32
      %dma_start3A_563 = tpu.memref_slice %arg4[%select_n3A, %dma_start3A_553, %add3A_522, %dma_start3A_561, %dma_start3A_562] : memref<50x8x128x8x128xf32, #tpu.memory_space<hbm>> -> memref<1x1x1x8x128xf32, #tpu.memory_space<hbm>>
      %dma_start3A_564 = tpu.memref_squeeze %dma_start3A_563 : memref<1x1x1x8x128xf32, #tpu.memory_space<hbm>> -> memref<8x128xf32, #tpu.memory_space<hbm>>
      %dma_start3A_565 = arith.constant 16 : i32
      %dma_start3A_566 = arith.constant 0 : i32
      %dma_start3A_567 = tpu.memref_slice %arg11[%dma_start3A_565, %dma_start3A_566] : memref<64x129xf32, #tpu.memory_space<vmem>> -> memref<8x128xf32, #tpu.memory_space<vmem>>
      tpu.enqueue_dma source(%dma_start3A_567 : memref<8x128xf32, #tpu.memory_space<vmem>>) target(%dma_start3A_564 : memref<8x128xf32, #tpu.memory_space<hbm>>) target_semaphore(%arg15 : memref<!tpu.dma_semaphore, #tpu.memory_space<semaphore_mem>>)
      %dma_start3A_568 = arith.constant 3 : i32
      %dma_start3A_569 = arith.constant 24 : i32
      %dma_start3A_570 = arith.constant 0 : i32
      %dma_start3A_571 = tpu.memref_slice %arg11[%dma_start3A_569, %dma_start3A_570] : memref<64x129xf32, #tpu.memory_space<vmem>> -> memref<8x128xf32, #tpu.memory_space<vmem>>
      %dma_start3A_572 = arith.constant 0 : i32
      %dma_start3A_573 = arith.constant 0 : i32
      %dma_start3A_574 = tpu.memref_slice %arg4[%select_n3A, %dma_start3A_568, %add3A_522, %dma_start3A_572, %dma_start3A_573] : memref<50x8x128x8x128xf32, #tpu.memory_space<hbm>> -> memref<1x1x1x8x128xf32, #tpu.memory_space<hbm>>
      %dma_start3A_575 = tpu.memref_squeeze %dma_start3A_574 : memref<1x1x1x8x128xf32, #tpu.memory_space<hbm>> -> memref<8x128xf32, #tpu.memory_space<hbm>>
      %dma_start3A_576 = arith.constant 0 : i32
      %dma_start3A_577 = arith.constant 0 : i32
      %dma_start3A_578 = tpu.memref_slice %arg4[%select_n3A, %dma_start3A_568, %add3A_522, %dma_start3A_576, %dma_start3A_577] : memref<50x8x128x8x128xf32, #tpu.memory_space<hbm>> -> memref<1x1x1x8x128xf32, #tpu.memory_space<hbm>>
      %dma_start3A_579 = tpu.memref_squeeze %dma_start3A_578 : memref<1x1x1x8x128xf32, #tpu.memory_space<hbm>> -> memref<8x128xf32, #tpu.memory_space<hbm>>
      %dma_start3A_580 = arith.constant 24 : i32
      %dma_start3A_581 = arith.constant 0 : i32
      %dma_start3A_582 = tpu.memref_slice %arg11[%dma_start3A_580, %dma_start3A_581] : memref<64x129xf32, #tpu.memory_space<vmem>> -> memref<8x128xf32, #tpu.memory_space<vmem>>
      tpu.enqueue_dma source(%dma_start3A_582 : memref<8x128xf32, #tpu.memory_space<vmem>>) target(%dma_start3A_579 : memref<8x128xf32, #tpu.memory_space<hbm>>) target_semaphore(%arg15 : memref<!tpu.dma_semaphore, #tpu.memory_space<semaphore_mem>>)
      %dma_start3A_583 = arith.constant 4 : i32
      %dma_start3A_584 = arith.constant 32 : i32
      %dma_start3A_585 = arith.constant 0 : i32
      %dma_start3A_586 = tpu.memref_slice %arg11[%dma_start3A_584, %dma_start3A_585] : memref<64x129xf32, #tpu.memory_space<vmem>> -> memref<8x128xf32, #tpu.memory_space<vmem>>
      %dma_start3A_587 = arith.constant 0 : i32
      %dma_start3A_588 = arith.constant 0 : i32
      %dma_start3A_589 = tpu.memref_slice %arg4[%select_n3A, %dma_start3A_583, %add3A_522, %dma_start3A_587, %dma_start3A_588] : memref<50x8x128x8x128xf32, #tpu.memory_space<hbm>> -> memref<1x1x1x8x128xf32, #tpu.memory_space<hbm>>
      %dma_start3A_590 = tpu.memref_squeeze %dma_start3A_589 : memref<1x1x1x8x128xf32, #tpu.memory_space<hbm>> -> memref<8x128xf32, #tpu.memory_space<hbm>>
      %dma_start3A_591 = arith.constant 0 : i32
      %dma_start3A_592 = arith.constant 0 : i32
      %dma_start3A_593 = tpu.memref_slice %arg4[%select_n3A, %dma_start3A_583, %add3A_522, %dma_start3A_591, %dma_start3A_592] : memref<50x8x128x8x128xf32, #tpu.memory_space<hbm>> -> memref<1x1x1x8x128xf32, #tpu.memory_space<hbm>>
      %dma_start3A_594 = tpu.memref_squeeze %dma_start3A_593 : memref<1x1x1x8x128xf32, #tpu.memory_space<hbm>> -> memref<8x128xf32, #tpu.memory_space<hbm>>
      %dma_start3A_595 = arith.constant 32 : i32
      %dma_start3A_596 = arith.constant 0 : i32
      %dma_start3A_597 = tpu.memref_slice %arg11[%dma_start3A_595, %dma_start3A_596] : memref<64x129xf32, #tpu.memory_space<vmem>> -> memref<8x128xf32, #tpu.memory_space<vmem>>
      tpu.enqueue_dma source(%dma_start3A_597 : memref<8x128xf32, #tpu.memory_space<vmem>>) target(%dma_start3A_594 : memref<8x128xf32, #tpu.memory_space<hbm>>) target_semaphore(%arg15 : memref<!tpu.dma_semaphore, #tpu.memory_space<semaphore_mem>>)
      %dma_start3A_598 = arith.constant 5 : i32
      %dma_start3A_599 = arith.constant 40 : i32
      %dma_start3A_600 = arith.constant 0 : i32
      %dma_start3A_601 = tpu.memref_slice %arg11[%dma_start3A_599, %dma_start3A_600] : memref<64x129xf32, #tpu.memory_space<vmem>> -> memref<8x128xf32, #tpu.memory_space<vmem>>
      %dma_start3A_602 = arith.constant 0 : i32
      %dma_start3A_603 = arith.constant 0 : i32
      %dma_start3A_604 = tpu.memref_slice %arg4[%select_n3A, %dma_start3A_598, %add3A_522, %dma_start3A_602, %dma_start3A_603] : memref<50x8x128x8x128xf32, #tpu.memory_space<hbm>> -> memref<1x1x1x8x128xf32, #tpu.memory_space<hbm>>
      %dma_start3A_605 = tpu.memref_squeeze %dma_start3A_604 : memref<1x1x1x8x128xf32, #tpu.memory_space<hbm>> -> memref<8x128xf32, #tpu.memory_space<hbm>>
      %dma_start3A_606 = arith.constant 0 : i32
      %dma_start3A_607 = arith.constant 0 : i32
      %dma_start3A_608 = tpu.memref_slice %arg4[%select_n3A, %dma_start3A_598, %add3A_522, %dma_start3A_606, %dma_start3A_607] : memref<50x8x128x8x128xf32, #tpu.memory_space<hbm>> -> memref<1x1x1x8x128xf32, #tpu.memory_space<hbm>>
      %dma_start3A_609 = tpu.memref_squeeze %dma_start3A_608 : memref<1x1x1x8x128xf32, #tpu.memory_space<hbm>> -> memref<8x128xf32, #tpu.memory_space<hbm>>
      %dma_start3A_610 = arith.constant 40 : i32
      %dma_start3A_611 = arith.constant 0 : i32
      %dma_start3A_612 = tpu.memref_slice %arg11[%dma_start3A_610, %dma_start3A_611] : memref<64x129xf32, #tpu.memory_space<vmem>> -> memref<8x128xf32, #tpu.memory_space<vmem>>
      tpu.enqueue_dma source(%dma_start3A_612 : memref<8x128xf32, #tpu.memory_space<vmem>>) target(%dma_start3A_609 : memref<8x128xf32, #tpu.memory_space<hbm>>) target_semaphore(%arg15 : memref<!tpu.dma_semaphore, #tpu.memory_space<semaphore_mem>>)
      %dma_start3A_613 = arith.constant 6 : i32
      %dma_start3A_614 = arith.constant 48 : i32
      %dma_start3A_615 = arith.constant 0 : i32
      %dma_start3A_616 = tpu.memref_slice %arg11[%dma_start3A_614, %dma_start3A_615] : memref<64x129xf32, #tpu.memory_space<vmem>> -> memref<8x128xf32, #tpu.memory_space<vmem>>
      %dma_start3A_617 = arith.constant 0 : i32
      %dma_start3A_618 = arith.constant 0 : i32
      %dma_start3A_619 = tpu.memref_slice %arg4[%select_n3A, %dma_start3A_613, %add3A_522, %dma_start3A_617, %dma_start3A_618] : memref<50x8x128x8x128xf32, #tpu.memory_space<hbm>> -> memref<1x1x1x8x128xf32, #tpu.memory_space<hbm>>
      %dma_start3A_620 = tpu.memref_squeeze %dma_start3A_619 : memref<1x1x1x8x128xf32, #tpu.memory_space<hbm>> -> memref<8x128xf32, #tpu.memory_space<hbm>>
      %dma_start3A_621 = arith.constant 0 : i32
      %dma_start3A_622 = arith.constant 0 : i32
      %dma_start3A_623 = tpu.memref_slice %arg4[%select_n3A, %dma_start3A_613, %add3A_522, %dma_start3A_621, %dma_start3A_622] : memref<50x8x128x8x128xf32, #tpu.memory_space<hbm>> -> memref<1x1x1x8x128xf32, #tpu.memory_space<hbm>>
      %dma_start3A_624 = tpu.memref_squeeze %dma_start3A_623 : memref<1x1x1x8x128xf32, #tpu.memory_space<hbm>> -> memref<8x128xf32, #tpu.memory_space<hbm>>
      %dma_start3A_625 = arith.constant 48 : i32
      %dma_start3A_626 = arith.constant 0 : i32
      %dma_start3A_627 = tpu.memref_slice %arg11[%dma_start3A_625, %dma_start3A_626] : memref<64x129xf32, #tpu.memory_space<vmem>> -> memref<8x128xf32, #tpu.memory_space<vmem>>
      tpu.enqueue_dma source(%dma_start3A_627 : memref<8x128xf32, #tpu.memory_space<vmem>>) target(%dma_start3A_624 : memref<8x128xf32, #tpu.memory_space<hbm>>) target_semaphore(%arg15 : memref<!tpu.dma_semaphore, #tpu.memory_space<semaphore_mem>>)
      %dma_start3A_628 = arith.constant 7 : i32
      %dma_start3A_629 = arith.constant 56 : i32
      %dma_start3A_630 = arith.constant 0 : i32
      %dma_start3A_631 = tpu.memref_slice %arg11[%dma_start3A_629, %dma_start3A_630] : memref<64x129xf32, #tpu.memory_space<vmem>> -> memref<8x128xf32, #tpu.memory_space<vmem>>
      %dma_start3A_632 = arith.constant 0 : i32
      %dma_start3A_633 = arith.constant 0 : i32
      %dma_start3A_634 = tpu.memref_slice %arg4[%select_n3A, %dma_start3A_628, %add3A_522, %dma_start3A_632, %dma_start3A_633] : memref<50x8x128x8x128xf32, #tpu.memory_space<hbm>> -> memref<1x1x1x8x128xf32, #tpu.memory_space<hbm>>
      %dma_start3A_635 = tpu.memref_squeeze %dma_start3A_634 : memref<1x1x1x8x128xf32, #tpu.memory_space<hbm>> -> memref<8x128xf32, #tpu.memory_space<hbm>>
      %dma_start3A_636 = arith.constant 0 : i32
      %dma_start3A_637 = arith.constant 0 : i32
      %dma_start3A_638 = tpu.memref_slice %arg4[%select_n3A, %dma_start3A_628, %add3A_522, %dma_start3A_636, %dma_start3A_637] : memref<50x8x128x8x128xf32, #tpu.memory_space<hbm>> -> memref<1x1x1x8x128xf32, #tpu.memory_space<hbm>>
      %dma_start3A_639 = tpu.memref_squeeze %dma_start3A_638 : memref<1x1x1x8x128xf32, #tpu.memory_space<hbm>> -> memref<8x128xf32, #tpu.memory_space<hbm>>
      %dma_start3A_640 = arith.constant 56 : i32
      %dma_start3A_641 = arith.constant 0 : i32
      %dma_start3A_642 = tpu.memref_slice %arg11[%dma_start3A_640, %dma_start3A_641] : memref<64x129xf32, #tpu.memory_space<vmem>> -> memref<8x128xf32, #tpu.memory_space<vmem>>
      tpu.enqueue_dma source(%dma_start3A_642 : memref<8x128xf32, #tpu.memory_space<vmem>>) target(%dma_start3A_639 : memref<8x128xf32, #tpu.memory_space<hbm>>) target_semaphore(%arg15 : memref<!tpu.dma_semaphore, #tpu.memory_space<semaphore_mem>>)
      scf.yield %select_n3A_500, %select_n3A_503 : i32, i32
    }
    %scan3A_72 = arith.constant 100 : i32
    %dma_wait3A = arith.constant 0 : i32
    %dma_wait3A_73 = arith.constant 0 : i32
    %dma_wait3A_74 = arith.constant 0 : i32
    %dma_wait3A_75 = arith.constant 0 : i32
    %dma_wait3A_76 = arith.constant 0 : i32
    %dma_wait3A_77 = tpu.memref_slice %arg10[%dma_wait3A_75, %dma_wait3A_76] : memref<64x129xf32, #tpu.memory_space<vmem>> -> memref<8x128xf32, #tpu.memory_space<vmem>>
    %dma_wait3A_78 = arith.constant 0 : i32
    %dma_wait3A_79 = arith.constant 0 : i32
    %dma_wait3A_80 = tpu.memref_slice %arg4[%dma_wait3A, %dma_wait3A_73, %dma_wait3A_74, %dma_wait3A_78, %dma_wait3A_79] : memref<50x8x128x8x128xf32, #tpu.memory_space<hbm>> -> memref<1x1x1x8x128xf32, #tpu.memory_space<hbm>>
    %dma_wait3A_81 = tpu.memref_squeeze %dma_wait3A_80 : memref<1x1x1x8x128xf32, #tpu.memory_space<hbm>> -> memref<8x128xf32, #tpu.memory_space<hbm>>
    %dma_wait3A_82 = arith.constant 0 : i32
    %dma_wait3A_83 = arith.constant 0 : i32
    %dma_wait3A_84 = tpu.memref_slice %arg10[%dma_wait3A_82, %dma_wait3A_83] : memref<64x129xf32, #tpu.memory_space<vmem>> -> memref<8x128xf32, #tpu.memory_space<vmem>>
    %dma_wait3A_85 = arith.constant 0 : i32
    %dma_wait3A_86 = arith.constant 0 : i32
    %dma_wait3A_87 = tpu.memref_slice %arg4[%dma_wait3A, %dma_wait3A_73, %dma_wait3A_74, %dma_wait3A_85, %dma_wait3A_86] : memref<50x8x128x8x128xf32, #tpu.memory_space<hbm>> -> memref<1x1x1x8x128xf32, #tpu.memory_space<hbm>>
    %dma_wait3A_88 = tpu.memref_squeeze %dma_wait3A_87 : memref<1x1x1x8x128xf32, #tpu.memory_space<hbm>> -> memref<8x128xf32, #tpu.memory_space<hbm>>
    tpu.wait_dma2 semaphore(%arg14 : memref<!tpu.dma_semaphore, #tpu.memory_space<semaphore_mem>>) src(%dma_wait3A_88 : memref<8x128xf32, #tpu.memory_space<hbm>>) dst(%dma_wait3A_84 : memref<8x128xf32, #tpu.memory_space<vmem>>)
    %dma_wait3A_89 = arith.constant 0 : i32
    %dma_wait3A_90 = arith.constant 1 : i32
    %dma_wait3A_91 = arith.constant 0 : i32
    %dma_wait3A_92 = arith.constant 8 : i32
    %dma_wait3A_93 = arith.constant 0 : i32
    %dma_wait3A_94 = tpu.memref_slice %arg10[%dma_wait3A_92, %dma_wait3A_93] : memref<64x129xf32, #tpu.memory_space<vmem>> -> memref<8x128xf32, #tpu.memory_space<vmem>>
    %dma_wait3A_95 = arith.constant 0 : i32
    %dma_wait3A_96 = arith.constant 0 : i32
    %dma_wait3A_97 = tpu.memref_slice %arg4[%dma_wait3A_89, %dma_wait3A_90, %dma_wait3A_91, %dma_wait3A_95, %dma_wait3A_96] : memref<50x8x128x8x128xf32, #tpu.memory_space<hbm>> -> memref<1x1x1x8x128xf32, #tpu.memory_space<hbm>>
    %dma_wait3A_98 = tpu.memref_squeeze %dma_wait3A_97 : memref<1x1x1x8x128xf32, #tpu.memory_space<hbm>> -> memref<8x128xf32, #tpu.memory_space<hbm>>
    %dma_wait3A_99 = arith.constant 8 : i32
    %dma_wait3A_100 = arith.constant 0 : i32
    %dma_wait3A_101 = tpu.memref_slice %arg10[%dma_wait3A_99, %dma_wait3A_100] : memref<64x129xf32, #tpu.memory_space<vmem>> -> memref<8x128xf32, #tpu.memory_space<vmem>>
    %dma_wait3A_102 = arith.constant 0 : i32
    %dma_wait3A_103 = arith.constant 0 : i32
    %dma_wait3A_104 = tpu.memref_slice %arg4[%dma_wait3A_89, %dma_wait3A_90, %dma_wait3A_91, %dma_wait3A_102, %dma_wait3A_103] : memref<50x8x128x8x128xf32, #tpu.memory_space<hbm>> -> memref<1x1x1x8x128xf32, #tpu.memory_space<hbm>>
    %dma_wait3A_105 = tpu.memref_squeeze %dma_wait3A_104 : memref<1x1x1x8x128xf32, #tpu.memory_space<hbm>> -> memref<8x128xf32, #tpu.memory_space<hbm>>
    tpu.wait_dma2 semaphore(%arg14 : memref<!tpu.dma_semaphore, #tpu.memory_space<semaphore_mem>>) src(%dma_wait3A_105 : memref<8x128xf32, #tpu.memory_space<hbm>>) dst(%dma_wait3A_101 : memref<8x128xf32, #tpu.memory_space<vmem>>)
    %dma_wait3A_106 = arith.constant 0 : i32
    %dma_wait3A_107 = arith.constant 2 : i32
    %dma_wait3A_108 = arith.constant 0 : i32
    %dma_wait3A_109 = arith.constant 16 : i32
    %dma_wait3A_110 = arith.constant 0 : i32
    %dma_wait3A_111 = tpu.memref_slice %arg10[%dma_wait3A_109, %dma_wait3A_110] : memref<64x129xf32, #tpu.memory_space<vmem>> -> memref<8x128xf32, #tpu.memory_space<vmem>>
    %dma_wait3A_112 = arith.constant 0 : i32
    %dma_wait3A_113 = arith.constant 0 : i32
    %dma_wait3A_114 = tpu.memref_slice %arg4[%dma_wait3A_106, %dma_wait3A_107, %dma_wait3A_108, %dma_wait3A_112, %dma_wait3A_113] : memref<50x8x128x8x128xf32, #tpu.memory_space<hbm>> -> memref<1x1x1x8x128xf32, #tpu.memory_space<hbm>>
    %dma_wait3A_115 = tpu.memref_squeeze %dma_wait3A_114 : memref<1x1x1x8x128xf32, #tpu.memory_space<hbm>> -> memref<8x128xf32, #tpu.memory_space<hbm>>
    %dma_wait3A_116 = arith.constant 16 : i32
    %dma_wait3A_117 = arith.constant 0 : i32
    %dma_wait3A_118 = tpu.memref_slice %arg10[%dma_wait3A_116, %dma_wait3A_117] : memref<64x129xf32, #tpu.memory_space<vmem>> -> memref<8x128xf32, #tpu.memory_space<vmem>>
    %dma_wait3A_119 = arith.constant 0 : i32
    %dma_wait3A_120 = arith.constant 0 : i32
    %dma_wait3A_121 = tpu.memref_slice %arg4[%dma_wait3A_106, %dma_wait3A_107, %dma_wait3A_108, %dma_wait3A_119, %dma_wait3A_120] : memref<50x8x128x8x128xf32, #tpu.memory_space<hbm>> -> memref<1x1x1x8x128xf32, #tpu.memory_space<hbm>>
    %dma_wait3A_122 = tpu.memref_squeeze %dma_wait3A_121 : memref<1x1x1x8x128xf32, #tpu.memory_space<hbm>> -> memref<8x128xf32, #tpu.memory_space<hbm>>
    tpu.wait_dma2 semaphore(%arg14 : memref<!tpu.dma_semaphore, #tpu.memory_space<semaphore_mem>>) src(%dma_wait3A_122 : memref<8x128xf32, #tpu.memory_space<hbm>>) dst(%dma_wait3A_118 : memref<8x128xf32, #tpu.memory_space<vmem>>)
    %dma_wait3A_123 = arith.constant 0 : i32
    %dma_wait3A_124 = arith.constant 3 : i32
    %dma_wait3A_125 = arith.constant 0 : i32
    %dma_wait3A_126 = arith.constant 24 : i32
    %dma_wait3A_127 = arith.constant 0 : i32
    %dma_wait3A_128 = tpu.memref_slice %arg10[%dma_wait3A_126, %dma_wait3A_127] : memref<64x129xf32, #tpu.memory_space<vmem>> -> memref<8x128xf32, #tpu.memory_space<vmem>>
    %dma_wait3A_129 = arith.constant 0 : i32
    %dma_wait3A_130 = arith.constant 0 : i32
    %dma_wait3A_131 = tpu.memref_slice %arg4[%dma_wait3A_123, %dma_wait3A_124, %dma_wait3A_125, %dma_wait3A_129, %dma_wait3A_130] : memref<50x8x128x8x128xf32, #tpu.memory_space<hbm>> -> memref<1x1x1x8x128xf32, #tpu.memory_space<hbm>>
    %dma_wait3A_132 = tpu.memref_squeeze %dma_wait3A_131 : memref<1x1x1x8x128xf32, #tpu.memory_space<hbm>> -> memref<8x128xf32, #tpu.memory_space<hbm>>
    %dma_wait3A_133 = arith.constant 24 : i32
    %dma_wait3A_134 = arith.constant 0 : i32
    %dma_wait3A_135 = tpu.memref_slice %arg10[%dma_wait3A_133, %dma_wait3A_134] : memref<64x129xf32, #tpu.memory_space<vmem>> -> memref<8x128xf32, #tpu.memory_space<vmem>>
    %dma_wait3A_136 = arith.constant 0 : i32
    %dma_wait3A_137 = arith.constant 0 : i32
    %dma_wait3A_138 = tpu.memref_slice %arg4[%dma_wait3A_123, %dma_wait3A_124, %dma_wait3A_125, %dma_wait3A_136, %dma_wait3A_137] : memref<50x8x128x8x128xf32, #tpu.memory_space<hbm>> -> memref<1x1x1x8x128xf32, #tpu.memory_space<hbm>>
    %dma_wait3A_139 = tpu.memref_squeeze %dma_wait3A_138 : memref<1x1x1x8x128xf32, #tpu.memory_space<hbm>> -> memref<8x128xf32, #tpu.memory_space<hbm>>
    tpu.wait_dma2 semaphore(%arg14 : memref<!tpu.dma_semaphore, #tpu.memory_space<semaphore_mem>>) src(%dma_wait3A_139 : memref<8x128xf32, #tpu.memory_space<hbm>>) dst(%dma_wait3A_135 : memref<8x128xf32, #tpu.memory_space<vmem>>)
    %dma_wait3A_140 = arith.constant 0 : i32
    %dma_wait3A_141 = arith.constant 4 : i32
    %dma_wait3A_142 = arith.constant 0 : i32
    %dma_wait3A_143 = arith.constant 32 : i32
    %dma_wait3A_144 = arith.constant 0 : i32
    %dma_wait3A_145 = tpu.memref_slice %arg10[%dma_wait3A_143, %dma_wait3A_144] : memref<64x129xf32, #tpu.memory_space<vmem>> -> memref<8x128xf32, #tpu.memory_space<vmem>>
    %dma_wait3A_146 = arith.constant 0 : i32
    %dma_wait3A_147 = arith.constant 0 : i32
    %dma_wait3A_148 = tpu.memref_slice %arg4[%dma_wait3A_140, %dma_wait3A_141, %dma_wait3A_142, %dma_wait3A_146, %dma_wait3A_147] : memref<50x8x128x8x128xf32, #tpu.memory_space<hbm>> -> memref<1x1x1x8x128xf32, #tpu.memory_space<hbm>>
    %dma_wait3A_149 = tpu.memref_squeeze %dma_wait3A_148 : memref<1x1x1x8x128xf32, #tpu.memory_space<hbm>> -> memref<8x128xf32, #tpu.memory_space<hbm>>
    %dma_wait3A_150 = arith.constant 32 : i32
    %dma_wait3A_151 = arith.constant 0 : i32
    %dma_wait3A_152 = tpu.memref_slice %arg10[%dma_wait3A_150, %dma_wait3A_151] : memref<64x129xf32, #tpu.memory_space<vmem>> -> memref<8x128xf32, #tpu.memory_space<vmem>>
    %dma_wait3A_153 = arith.constant 0 : i32
    %dma_wait3A_154 = arith.constant 0 : i32
    %dma_wait3A_155 = tpu.memref_slice %arg4[%dma_wait3A_140, %dma_wait3A_141, %dma_wait3A_142, %dma_wait3A_153, %dma_wait3A_154] : memref<50x8x128x8x128xf32, #tpu.memory_space<hbm>> -> memref<1x1x1x8x128xf32, #tpu.memory_space<hbm>>
    %dma_wait3A_156 = tpu.memref_squeeze %dma_wait3A_155 : memref<1x1x1x8x128xf32, #tpu.memory_space<hbm>> -> memref<8x128xf32, #tpu.memory_space<hbm>>
    tpu.wait_dma2 semaphore(%arg14 : memref<!tpu.dma_semaphore, #tpu.memory_space<semaphore_mem>>) src(%dma_wait3A_156 : memref<8x128xf32, #tpu.memory_space<hbm>>) dst(%dma_wait3A_152 : memref<8x128xf32, #tpu.memory_space<vmem>>)
    %dma_wait3A_157 = arith.constant 0 : i32
    %dma_wait3A_158 = arith.constant 5 : i32
    %dma_wait3A_159 = arith.constant 0 : i32
    %dma_wait3A_160 = arith.constant 40 : i32
    %dma_wait3A_161 = arith.constant 0 : i32
    %dma_wait3A_162 = tpu.memref_slice %arg10[%dma_wait3A_160, %dma_wait3A_161] : memref<64x129xf32, #tpu.memory_space<vmem>> -> memref<8x128xf32, #tpu.memory_space<vmem>>
    %dma_wait3A_163 = arith.constant 0 : i32
    %dma_wait3A_164 = arith.constant 0 : i32
    %dma_wait3A_165 = tpu.memref_slice %arg4[%dma_wait3A_157, %dma_wait3A_158, %dma_wait3A_159, %dma_wait3A_163, %dma_wait3A_164] : memref<50x8x128x8x128xf32, #tpu.memory_space<hbm>> -> memref<1x1x1x8x128xf32, #tpu.memory_space<hbm>>
    %dma_wait3A_166 = tpu.memref_squeeze %dma_wait3A_165 : memref<1x1x1x8x128xf32, #tpu.memory_space<hbm>> -> memref<8x128xf32, #tpu.memory_space<hbm>>
    %dma_wait3A_167 = arith.constant 40 : i32
    %dma_wait3A_168 = arith.constant 0 : i32
    %dma_wait3A_169 = tpu.memref_slice %arg10[%dma_wait3A_167, %dma_wait3A_168] : memref<64x129xf32, #tpu.memory_space<vmem>> -> memref<8x128xf32, #tpu.memory_space<vmem>>
    %dma_wait3A_170 = arith.constant 0 : i32
    %dma_wait3A_171 = arith.constant 0 : i32
    %dma_wait3A_172 = tpu.memref_slice %arg4[%dma_wait3A_157, %dma_wait3A_158, %dma_wait3A_159, %dma_wait3A_170, %dma_wait3A_171] : memref<50x8x128x8x128xf32, #tpu.memory_space<hbm>> -> memref<1x1x1x8x128xf32, #tpu.memory_space<hbm>>
    %dma_wait3A_173 = tpu.memref_squeeze %dma_wait3A_172 : memref<1x1x1x8x128xf32, #tpu.memory_space<hbm>> -> memref<8x128xf32, #tpu.memory_space<hbm>>
    tpu.wait_dma2 semaphore(%arg14 : memref<!tpu.dma_semaphore, #tpu.memory_space<semaphore_mem>>) src(%dma_wait3A_173 : memref<8x128xf32, #tpu.memory_space<hbm>>) dst(%dma_wait3A_169 : memref<8x128xf32, #tpu.memory_space<vmem>>)
    %dma_wait3A_174 = arith.constant 0 : i32
    %dma_wait3A_175 = arith.constant 6 : i32
    %dma_wait3A_176 = arith.constant 0 : i32
    %dma_wait3A_177 = arith.constant 48 : i32
    %dma_wait3A_178 = arith.constant 0 : i32
    %dma_wait3A_179 = tpu.memref_slice %arg10[%dma_wait3A_177, %dma_wait3A_178] : memref<64x129xf32, #tpu.memory_space<vmem>> -> memref<8x128xf32, #tpu.memory_space<vmem>>
    %dma_wait3A_180 = arith.constant 0 : i32
    %dma_wait3A_181 = arith.constant 0 : i32
    %dma_wait3A_182 = tpu.memref_slice %arg4[%dma_wait3A_174, %dma_wait3A_175, %dma_wait3A_176, %dma_wait3A_180, %dma_wait3A_181] : memref<50x8x128x8x128xf32, #tpu.memory_space<hbm>> -> memref<1x1x1x8x128xf32, #tpu.memory_space<hbm>>
    %dma_wait3A_183 = tpu.memref_squeeze %dma_wait3A_182 : memref<1x1x1x8x128xf32, #tpu.memory_space<hbm>> -> memref<8x128xf32, #tpu.memory_space<hbm>>
    %dma_wait3A_184 = arith.constant 48 : i32
    %dma_wait3A_185 = arith.constant 0 : i32
    %dma_wait3A_186 = tpu.memref_slice %arg10[%dma_wait3A_184, %dma_wait3A_185] : memref<64x129xf32, #tpu.memory_space<vmem>> -> memref<8x128xf32, #tpu.memory_space<vmem>>
    %dma_wait3A_187 = arith.constant 0 : i32
    %dma_wait3A_188 = arith.constant 0 : i32
    %dma_wait3A_189 = tpu.memref_slice %arg4[%dma_wait3A_174, %dma_wait3A_175, %dma_wait3A_176, %dma_wait3A_187, %dma_wait3A_188] : memref<50x8x128x8x128xf32, #tpu.memory_space<hbm>> -> memref<1x1x1x8x128xf32, #tpu.memory_space<hbm>>
    %dma_wait3A_190 = tpu.memref_squeeze %dma_wait3A_189 : memref<1x1x1x8x128xf32, #tpu.memory_space<hbm>> -> memref<8x128xf32, #tpu.memory_space<hbm>>
    tpu.wait_dma2 semaphore(%arg14 : memref<!tpu.dma_semaphore, #tpu.memory_space<semaphore_mem>>) src(%dma_wait3A_190 : memref<8x128xf32, #tpu.memory_space<hbm>>) dst(%dma_wait3A_186 : memref<8x128xf32, #tpu.memory_space<vmem>>)
    %dma_wait3A_191 = arith.constant 0 : i32
    %dma_wait3A_192 = arith.constant 7 : i32
    %dma_wait3A_193 = arith.constant 0 : i32
    %dma_wait3A_194 = arith.constant 56 : i32
    %dma_wait3A_195 = arith.constant 0 : i32
    %dma_wait3A_196 = tpu.memref_slice %arg10[%dma_wait3A_194, %dma_wait3A_195] : memref<64x129xf32, #tpu.memory_space<vmem>> -> memref<8x128xf32, #tpu.memory_space<vmem>>
    %dma_wait3A_197 = arith.constant 0 : i32
    %dma_wait3A_198 = arith.constant 0 : i32
    %dma_wait3A_199 = tpu.memref_slice %arg4[%dma_wait3A_191, %dma_wait3A_192, %dma_wait3A_193, %dma_wait3A_197, %dma_wait3A_198] : memref<50x8x128x8x128xf32, #tpu.memory_space<hbm>> -> memref<1x1x1x8x128xf32, #tpu.memory_space<hbm>>
    %dma_wait3A_200 = tpu.memref_squeeze %dma_wait3A_199 : memref<1x1x1x8x128xf32, #tpu.memory_space<hbm>> -> memref<8x128xf32, #tpu.memory_space<hbm>>
    %dma_wait3A_201 = arith.constant 56 : i32
    %dma_wait3A_202 = arith.constant 0 : i32
    %dma_wait3A_203 = tpu.memref_slice %arg10[%dma_wait3A_201, %dma_wait3A_202] : memref<64x129xf32, #tpu.memory_space<vmem>> -> memref<8x128xf32, #tpu.memory_space<vmem>>
    %dma_wait3A_204 = arith.constant 0 : i32
    %dma_wait3A_205 = arith.constant 0 : i32
    %dma_wait3A_206 = tpu.memref_slice %arg4[%dma_wait3A_191, %dma_wait3A_192, %dma_wait3A_193, %dma_wait3A_204, %dma_wait3A_205] : memref<50x8x128x8x128xf32, #tpu.memory_space<hbm>> -> memref<1x1x1x8x128xf32, #tpu.memory_space<hbm>>
    %dma_wait3A_207 = tpu.memref_squeeze %dma_wait3A_206 : memref<1x1x1x8x128xf32, #tpu.memory_space<hbm>> -> memref<8x128xf32, #tpu.memory_space<hbm>>
    tpu.wait_dma2 semaphore(%arg14 : memref<!tpu.dma_semaphore, #tpu.memory_space<semaphore_mem>>) src(%dma_wait3A_207 : memref<8x128xf32, #tpu.memory_space<hbm>>) dst(%dma_wait3A_203 : memref<8x128xf32, #tpu.memory_space<vmem>>)
    %dma_wait3A_208 = arith.constant 0 : i32
    %dma_wait3A_209 = arith.constant 0 : i32
    %dma_wait3A_210 = arith.constant 0 : i32
    %dma_wait3A_211 = arith.constant 0 : i32
    %dma_wait3A_212 = arith.constant 0 : i32
    %dma_wait3A_213 = tpu.memref_slice %arg11[%dma_wait3A_211, %dma_wait3A_212] : memref<64x129xf32, #tpu.memory_space<vmem>> -> memref<8x128xf32, #tpu.memory_space<vmem>>
    %dma_wait3A_214 = arith.constant 0 : i32
    %dma_wait3A_215 = arith.constant 0 : i32
    %dma_wait3A_216 = tpu.memref_slice %arg4[%dma_wait3A_208, %dma_wait3A_209, %dma_wait3A_210, %dma_wait3A_214, %dma_wait3A_215] : memref<50x8x128x8x128xf32, #tpu.memory_space<hbm>> -> memref<1x1x1x8x128xf32, #tpu.memory_space<hbm>>
    %dma_wait3A_217 = tpu.memref_squeeze %dma_wait3A_216 : memref<1x1x1x8x128xf32, #tpu.memory_space<hbm>> -> memref<8x128xf32, #tpu.memory_space<hbm>>
    %dma_wait3A_218 = arith.constant 0 : i32
    %dma_wait3A_219 = arith.constant 0 : i32
    %dma_wait3A_220 = tpu.memref_slice %arg11[%dma_wait3A_218, %dma_wait3A_219] : memref<64x129xf32, #tpu.memory_space<vmem>> -> memref<8x128xf32, #tpu.memory_space<vmem>>
    %dma_wait3A_221 = arith.constant 0 : i32
    %dma_wait3A_222 = arith.constant 0 : i32
    %dma_wait3A_223 = tpu.memref_slice %arg4[%dma_wait3A_208, %dma_wait3A_209, %dma_wait3A_210, %dma_wait3A_221, %dma_wait3A_222] : memref<50x8x128x8x128xf32, #tpu.memory_space<hbm>> -> memref<1x1x1x8x128xf32, #tpu.memory_space<hbm>>
    %dma_wait3A_224 = tpu.memref_squeeze %dma_wait3A_223 : memref<1x1x1x8x128xf32, #tpu.memory_space<hbm>> -> memref<8x128xf32, #tpu.memory_space<hbm>>
    tpu.wait_dma2 semaphore(%arg15 : memref<!tpu.dma_semaphore, #tpu.memory_space<semaphore_mem>>) src(%dma_wait3A_224 : memref<8x128xf32, #tpu.memory_space<hbm>>) dst(%dma_wait3A_220 : memref<8x128xf32, #tpu.memory_space<vmem>>)
    %dma_wait3A_225 = arith.constant 0 : i32
    %dma_wait3A_226 = arith.constant 1 : i32
    %dma_wait3A_227 = arith.constant 0 : i32
    %dma_wait3A_228 = arith.constant 8 : i32
    %dma_wait3A_229 = arith.constant 0 : i32
    %dma_wait3A_230 = tpu.memref_slice %arg11[%dma_wait3A_228, %dma_wait3A_229] : memref<64x129xf32, #tpu.memory_space<vmem>> -> memref<8x128xf32, #tpu.memory_space<vmem>>
    %dma_wait3A_231 = arith.constant 0 : i32
    %dma_wait3A_232 = arith.constant 0 : i32
    %dma_wait3A_233 = tpu.memref_slice %arg4[%dma_wait3A_225, %dma_wait3A_226, %dma_wait3A_227, %dma_wait3A_231, %dma_wait3A_232] : memref<50x8x128x8x128xf32, #tpu.memory_space<hbm>> -> memref<1x1x1x8x128xf32, #tpu.memory_space<hbm>>
    %dma_wait3A_234 = tpu.memref_squeeze %dma_wait3A_233 : memref<1x1x1x8x128xf32, #tpu.memory_space<hbm>> -> memref<8x128xf32, #tpu.memory_space<hbm>>
    %dma_wait3A_235 = arith.constant 8 : i32
    %dma_wait3A_236 = arith.constant 0 : i32
    %dma_wait3A_237 = tpu.memref_slice %arg11[%dma_wait3A_235, %dma_wait3A_236] : memref<64x129xf32, #tpu.memory_space<vmem>> -> memref<8x128xf32, #tpu.memory_space<vmem>>
    %dma_wait3A_238 = arith.constant 0 : i32
    %dma_wait3A_239 = arith.constant 0 : i32
    %dma_wait3A_240 = tpu.memref_slice %arg4[%dma_wait3A_225, %dma_wait3A_226, %dma_wait3A_227, %dma_wait3A_238, %dma_wait3A_239] : memref<50x8x128x8x128xf32, #tpu.memory_space<hbm>> -> memref<1x1x1x8x128xf32, #tpu.memory_space<hbm>>
    %dma_wait3A_241 = tpu.memref_squeeze %dma_wait3A_240 : memref<1x1x1x8x128xf32, #tpu.memory_space<hbm>> -> memref<8x128xf32, #tpu.memory_space<hbm>>
    tpu.wait_dma2 semaphore(%arg15 : memref<!tpu.dma_semaphore, #tpu.memory_space<semaphore_mem>>) src(%dma_wait3A_241 : memref<8x128xf32, #tpu.memory_space<hbm>>) dst(%dma_wait3A_237 : memref<8x128xf32, #tpu.memory_space<vmem>>)
    %dma_wait3A_242 = arith.constant 0 : i32
    %dma_wait3A_243 = arith.constant 2 : i32
    %dma_wait3A_244 = arith.constant 0 : i32
    %dma_wait3A_245 = arith.constant 16 : i32
    %dma_wait3A_246 = arith.constant 0 : i32
    %dma_wait3A_247 = tpu.memref_slice %arg11[%dma_wait3A_245, %dma_wait3A_246] : memref<64x129xf32, #tpu.memory_space<vmem>> -> memref<8x128xf32, #tpu.memory_space<vmem>>
    %dma_wait3A_248 = arith.constant 0 : i32
    %dma_wait3A_249 = arith.constant 0 : i32
    %dma_wait3A_250 = tpu.memref_slice %arg4[%dma_wait3A_242, %dma_wait3A_243, %dma_wait3A_244, %dma_wait3A_248, %dma_wait3A_249] : memref<50x8x128x8x128xf32, #tpu.memory_space<hbm>> -> memref<1x1x1x8x128xf32, #tpu.memory_space<hbm>>
    %dma_wait3A_251 = tpu.memref_squeeze %dma_wait3A_250 : memref<1x1x1x8x128xf32, #tpu.memory_space<hbm>> -> memref<8x128xf32, #tpu.memory_space<hbm>>
    %dma_wait3A_252 = arith.constant 16 : i32
    %dma_wait3A_253 = arith.constant 0 : i32
    %dma_wait3A_254 = tpu.memref_slice %arg11[%dma_wait3A_252, %dma_wait3A_253] : memref<64x129xf32, #tpu.memory_space<vmem>> -> memref<8x128xf32, #tpu.memory_space<vmem>>
    %dma_wait3A_255 = arith.constant 0 : i32
    %dma_wait3A_256 = arith.constant 0 : i32
    %dma_wait3A_257 = tpu.memref_slice %arg4[%dma_wait3A_242, %dma_wait3A_243, %dma_wait3A_244, %dma_wait3A_255, %dma_wait3A_256] : memref<50x8x128x8x128xf32, #tpu.memory_space<hbm>> -> memref<1x1x1x8x128xf32, #tpu.memory_space<hbm>>
    %dma_wait3A_258 = tpu.memref_squeeze %dma_wait3A_257 : memref<1x1x1x8x128xf32, #tpu.memory_space<hbm>> -> memref<8x128xf32, #tpu.memory_space<hbm>>
    tpu.wait_dma2 semaphore(%arg15 : memref<!tpu.dma_semaphore, #tpu.memory_space<semaphore_mem>>) src(%dma_wait3A_258 : memref<8x128xf32, #tpu.memory_space<hbm>>) dst(%dma_wait3A_254 : memref<8x128xf32, #tpu.memory_space<vmem>>)
    %dma_wait3A_259 = arith.constant 0 : i32
    %dma_wait3A_260 = arith.constant 3 : i32
    %dma_wait3A_261 = arith.constant 0 : i32
    %dma_wait3A_262 = arith.constant 24 : i32
    %dma_wait3A_263 = arith.constant 0 : i32
    %dma_wait3A_264 = tpu.memref_slice %arg11[%dma_wait3A_262, %dma_wait3A_263] : memref<64x129xf32, #tpu.memory_space<vmem>> -> memref<8x128xf32, #tpu.memory_space<vmem>>
    %dma_wait3A_265 = arith.constant 0 : i32
    %dma_wait3A_266 = arith.constant 0 : i32
    %dma_wait3A_267 = tpu.memref_slice %arg4[%dma_wait3A_259, %dma_wait3A_260, %dma_wait3A_261, %dma_wait3A_265, %dma_wait3A_266] : memref<50x8x128x8x128xf32, #tpu.memory_space<hbm>> -> memref<1x1x1x8x128xf32, #tpu.memory_space<hbm>>
    %dma_wait3A_268 = tpu.memref_squeeze %dma_wait3A_267 : memref<1x1x1x8x128xf32, #tpu.memory_space<hbm>> -> memref<8x128xf32, #tpu.memory_space<hbm>>
    %dma_wait3A_269 = arith.constant 24 : i32
    %dma_wait3A_270 = arith.constant 0 : i32
    %dma_wait3A_271 = tpu.memref_slice %arg11[%dma_wait3A_269, %dma_wait3A_270] : memref<64x129xf32, #tpu.memory_space<vmem>> -> memref<8x128xf32, #tpu.memory_space<vmem>>
    %dma_wait3A_272 = arith.constant 0 : i32
    %dma_wait3A_273 = arith.constant 0 : i32
    %dma_wait3A_274 = tpu.memref_slice %arg4[%dma_wait3A_259, %dma_wait3A_260, %dma_wait3A_261, %dma_wait3A_272, %dma_wait3A_273] : memref<50x8x128x8x128xf32, #tpu.memory_space<hbm>> -> memref<1x1x1x8x128xf32, #tpu.memory_space<hbm>>
    %dma_wait3A_275 = tpu.memref_squeeze %dma_wait3A_274 : memref<1x1x1x8x128xf32, #tpu.memory_space<hbm>> -> memref<8x128xf32, #tpu.memory_space<hbm>>
    tpu.wait_dma2 semaphore(%arg15 : memref<!tpu.dma_semaphore, #tpu.memory_space<semaphore_mem>>) src(%dma_wait3A_275 : memref<8x128xf32, #tpu.memory_space<hbm>>) dst(%dma_wait3A_271 : memref<8x128xf32, #tpu.memory_space<vmem>>)
    %dma_wait3A_276 = arith.constant 0 : i32
    %dma_wait3A_277 = arith.constant 4 : i32
    %dma_wait3A_278 = arith.constant 0 : i32
    %dma_wait3A_279 = arith.constant 32 : i32
    %dma_wait3A_280 = arith.constant 0 : i32
    %dma_wait3A_281 = tpu.memref_slice %arg11[%dma_wait3A_279, %dma_wait3A_280] : memref<64x129xf32, #tpu.memory_space<vmem>> -> memref<8x128xf32, #tpu.memory_space<vmem>>
    %dma_wait3A_282 = arith.constant 0 : i32
    %dma_wait3A_283 = arith.constant 0 : i32
    %dma_wait3A_284 = tpu.memref_slice %arg4[%dma_wait3A_276, %dma_wait3A_277, %dma_wait3A_278, %dma_wait3A_282, %dma_wait3A_283] : memref<50x8x128x8x128xf32, #tpu.memory_space<hbm>> -> memref<1x1x1x8x128xf32, #tpu.memory_space<hbm>>
    %dma_wait3A_285 = tpu.memref_squeeze %dma_wait3A_284 : memref<1x1x1x8x128xf32, #tpu.memory_space<hbm>> -> memref<8x128xf32, #tpu.memory_space<hbm>>
    %dma_wait3A_286 = arith.constant 32 : i32
    %dma_wait3A_287 = arith.constant 0 : i32
    %dma_wait3A_288 = tpu.memref_slice %arg11[%dma_wait3A_286, %dma_wait3A_287] : memref<64x129xf32, #tpu.memory_space<vmem>> -> memref<8x128xf32, #tpu.memory_space<vmem>>
    %dma_wait3A_289 = arith.constant 0 : i32
    %dma_wait3A_290 = arith.constant 0 : i32
    %dma_wait3A_291 = tpu.memref_slice %arg4[%dma_wait3A_276, %dma_wait3A_277, %dma_wait3A_278, %dma_wait3A_289, %dma_wait3A_290] : memref<50x8x128x8x128xf32, #tpu.memory_space<hbm>> -> memref<1x1x1x8x128xf32, #tpu.memory_space<hbm>>
    %dma_wait3A_292 = tpu.memref_squeeze %dma_wait3A_291 : memref<1x1x1x8x128xf32, #tpu.memory_space<hbm>> -> memref<8x128xf32, #tpu.memory_space<hbm>>
    tpu.wait_dma2 semaphore(%arg15 : memref<!tpu.dma_semaphore, #tpu.memory_space<semaphore_mem>>) src(%dma_wait3A_292 : memref<8x128xf32, #tpu.memory_space<hbm>>) dst(%dma_wait3A_288 : memref<8x128xf32, #tpu.memory_space<vmem>>)
    %dma_wait3A_293 = arith.constant 0 : i32
    %dma_wait3A_294 = arith.constant 5 : i32
    %dma_wait3A_295 = arith.constant 0 : i32
    %dma_wait3A_296 = arith.constant 40 : i32
    %dma_wait3A_297 = arith.constant 0 : i32
    %dma_wait3A_298 = tpu.memref_slice %arg11[%dma_wait3A_296, %dma_wait3A_297] : memref<64x129xf32, #tpu.memory_space<vmem>> -> memref<8x128xf32, #tpu.memory_space<vmem>>
    %dma_wait3A_299 = arith.constant 0 : i32
    %dma_wait3A_300 = arith.constant 0 : i32
    %dma_wait3A_301 = tpu.memref_slice %arg4[%dma_wait3A_293, %dma_wait3A_294, %dma_wait3A_295, %dma_wait3A_299, %dma_wait3A_300] : memref<50x8x128x8x128xf32, #tpu.memory_space<hbm>> -> memref<1x1x1x8x128xf32, #tpu.memory_space<hbm>>
    %dma_wait3A_302 = tpu.memref_squeeze %dma_wait3A_301 : memref<1x1x1x8x128xf32, #tpu.memory_space<hbm>> -> memref<8x128xf32, #tpu.memory_space<hbm>>
    %dma_wait3A_303 = arith.constant 40 : i32
    %dma_wait3A_304 = arith.constant 0 : i32
    %dma_wait3A_305 = tpu.memref_slice %arg11[%dma_wait3A_303, %dma_wait3A_304] : memref<64x129xf32, #tpu.memory_space<vmem>> -> memref<8x128xf32, #tpu.memory_space<vmem>>
    %dma_wait3A_306 = arith.constant 0 : i32
    %dma_wait3A_307 = arith.constant 0 : i32
    %dma_wait3A_308 = tpu.memref_slice %arg4[%dma_wait3A_293, %dma_wait3A_294, %dma_wait3A_295, %dma_wait3A_306, %dma_wait3A_307] : memref<50x8x128x8x128xf32, #tpu.memory_space<hbm>> -> memref<1x1x1x8x128xf32, #tpu.memory_space<hbm>>
    %dma_wait3A_309 = tpu.memref_squeeze %dma_wait3A_308 : memref<1x1x1x8x128xf32, #tpu.memory_space<hbm>> -> memref<8x128xf32, #tpu.memory_space<hbm>>
    tpu.wait_dma2 semaphore(%arg15 : memref<!tpu.dma_semaphore, #tpu.memory_space<semaphore_mem>>) src(%dma_wait3A_309 : memref<8x128xf32, #tpu.memory_space<hbm>>) dst(%dma_wait3A_305 : memref<8x128xf32, #tpu.memory_space<vmem>>)
    %dma_wait3A_310 = arith.constant 0 : i32
    %dma_wait3A_311 = arith.constant 6 : i32
    %dma_wait3A_312 = arith.constant 0 : i32
    %dma_wait3A_313 = arith.constant 48 : i32
    %dma_wait3A_314 = arith.constant 0 : i32
    %dma_wait3A_315 = tpu.memref_slice %arg11[%dma_wait3A_313, %dma_wait3A_314] : memref<64x129xf32, #tpu.memory_space<vmem>> -> memref<8x128xf32, #tpu.memory_space<vmem>>
    %dma_wait3A_316 = arith.constant 0 : i32
    %dma_wait3A_317 = arith.constant 0 : i32
    %dma_wait3A_318 = tpu.memref_slice %arg4[%dma_wait3A_310, %dma_wait3A_311, %dma_wait3A_312, %dma_wait3A_316, %dma_wait3A_317] : memref<50x8x128x8x128xf32, #tpu.memory_space<hbm>> -> memref<1x1x1x8x128xf32, #tpu.memory_space<hbm>>
    %dma_wait3A_319 = tpu.memref_squeeze %dma_wait3A_318 : memref<1x1x1x8x128xf32, #tpu.memory_space<hbm>> -> memref<8x128xf32, #tpu.memory_space<hbm>>
    %dma_wait3A_320 = arith.constant 48 : i32
    %dma_wait3A_321 = arith.constant 0 : i32
    %dma_wait3A_322 = tpu.memref_slice %arg11[%dma_wait3A_320, %dma_wait3A_321] : memref<64x129xf32, #tpu.memory_space<vmem>> -> memref<8x128xf32, #tpu.memory_space<vmem>>
    %dma_wait3A_323 = arith.constant 0 : i32
    %dma_wait3A_324 = arith.constant 0 : i32
    %dma_wait3A_325 = tpu.memref_slice %arg4[%dma_wait3A_310, %dma_wait3A_311, %dma_wait3A_312, %dma_wait3A_323, %dma_wait3A_324] : memref<50x8x128x8x128xf32, #tpu.memory_space<hbm>> -> memref<1x1x1x8x128xf32, #tpu.memory_space<hbm>>
    %dma_wait3A_326 = tpu.memref_squeeze %dma_wait3A_325 : memref<1x1x1x8x128xf32, #tpu.memory_space<hbm>> -> memref<8x128xf32, #tpu.memory_space<hbm>>
    tpu.wait_dma2 semaphore(%arg15 : memref<!tpu.dma_semaphore, #tpu.memory_space<semaphore_mem>>) src(%dma_wait3A_326 : memref<8x128xf32, #tpu.memory_space<hbm>>) dst(%dma_wait3A_322 : memref<8x128xf32, #tpu.memory_space<vmem>>)
    %dma_wait3A_327 = arith.constant 0 : i32
    %dma_wait3A_328 = arith.constant 7 : i32
    %dma_wait3A_329 = arith.constant 0 : i32
    %dma_wait3A_330 = arith.constant 56 : i32
    %dma_wait3A_331 = arith.constant 0 : i32
    %dma_wait3A_332 = tpu.memref_slice %arg11[%dma_wait3A_330, %dma_wait3A_331] : memref<64x129xf32, #tpu.memory_space<vmem>> -> memref<8x128xf32, #tpu.memory_space<vmem>>
    %dma_wait3A_333 = arith.constant 0 : i32
    %dma_wait3A_334 = arith.constant 0 : i32
    %dma_wait3A_335 = tpu.memref_slice %arg4[%dma_wait3A_327, %dma_wait3A_328, %dma_wait3A_329, %dma_wait3A_333, %dma_wait3A_334] : memref<50x8x128x8x128xf32, #tpu.memory_space<hbm>> -> memref<1x1x1x8x128xf32, #tpu.memory_space<hbm>>
    %dma_wait3A_336 = tpu.memref_squeeze %dma_wait3A_335 : memref<1x1x1x8x128xf32, #tpu.memory_space<hbm>> -> memref<8x128xf32, #tpu.memory_space<hbm>>
    %dma_wait3A_337 = arith.constant 56 : i32
    %dma_wait3A_338 = arith.constant 0 : i32
    %dma_wait3A_339 = tpu.memref_slice %arg11[%dma_wait3A_337, %dma_wait3A_338] : memref<64x129xf32, #tpu.memory_space<vmem>> -> memref<8x128xf32, #tpu.memory_space<vmem>>
    %dma_wait3A_340 = arith.constant 0 : i32
    %dma_wait3A_341 = arith.constant 0 : i32
    %dma_wait3A_342 = tpu.memref_slice %arg4[%dma_wait3A_327, %dma_wait3A_328, %dma_wait3A_329, %dma_wait3A_340, %dma_wait3A_341] : memref<50x8x128x8x128xf32, #tpu.memory_space<hbm>> -> memref<1x1x1x8x128xf32, #tpu.memory_space<hbm>>
    %dma_wait3A_343 = tpu.memref_squeeze %dma_wait3A_342 : memref<1x1x1x8x128xf32, #tpu.memory_space<hbm>> -> memref<8x128xf32, #tpu.memory_space<hbm>>
    tpu.wait_dma2 semaphore(%arg15 : memref<!tpu.dma_semaphore, #tpu.memory_space<semaphore_mem>>) src(%dma_wait3A_343 : memref<8x128xf32, #tpu.memory_space<hbm>>) dst(%dma_wait3A_339 : memref<8x128xf32, #tpu.memory_space<vmem>>)
    return
  }
}

</mosaic_0001>

<sc_bundles>
// kernel: kernel.3.cloned.1.call-start
scs
__scs_entry_jumppad:
0x0: {  	(pc) =	sbr.rel $0x88, $3  }
0x1: {  	(tag) =	ssettag $0x0;
	lr =	simm.s32 $0x1  }
0x2: {  	[smem:$0x3F9F] =	sst lr;
	_ =	strace $0xD0000000  }
0x3: {  	_ = 	snop  }
0x4: {  	_ = 	snop  }
0x5: {  	_ = 	snop  }
0x6: {  	_ = 	snop  }
0x7: {  	_ = 	snop  }
__scs_overlays_trampoline_lowered:
0x8: {  	[smem:$0x3FAE] =	sst s0  }
0x9: {  	[smem:$0x3FAF] =	sst s1  }
0xa: {  	[smem:$0x3FB0] =	sst s2  }
0xb: {  	[smem:$0x3FB1] =	sst s3  }
0xc: {  	[smem:$0x3FB2] =	sst s4  }
0xd: {  	[smem:$0x3FB3] =	sst s5  }
0xe: {  	[smem:$0x3FB4] =	sst s6  }
0xf: {  	[smem:$0x3FB5] =	sst s7  }
0x10: {  	[smem:$0x3FB6] =	sst s8  }
0x11: {  	[smem:$0x3FB7] =	sst s9;
	s0 =	simm.s32 @!p0 $0x0  }
0x12: {  	s1 =	sld [smem:$0x3F9D];
	s0 =	simm.s32 @p0 $0x1  }
0x13: {  	[smem:$0x3FB8] =	sst s0;
	s0 =	simm.s32 @!p1 $0x0  }
0x14: {  	s2 =	sld [smem:$0x3F9C];
	s0 =	simm.s32 @p1 $0x1  }
0x15: {  	[smem:$0x3FB9] =	sst s0;
	s0 =	simm.s32 @!p2 $0x0  }
0x16: {  	s3 =	sld [smem:$0x3FDB];
	s0 =	simm.s32 @p2 $0x1  }
0x17: {  	s4 =	simm.s32 $0x1BF5;
	[smem:$0x3FBB] =	sst s0  }
0x18: {  	s0 =	sld [smem:$0x3F9E];
	_ =	swait.ge [sflag:s4], $0x0  }
0x19: {  	s7 =	sld [smem:$0x3F9F]  }
0x1a: {  	s8 =	sadd.s32 $0xFFFFE003, lr  }
0x1b: {  	s9 =	sadd.s32 $0xFFFFFEF7, lr;
	s5 =	simm.s32 $0xFFFFFFFF;
	p2 =	slt.u32 s8, $0xFFFFF086  }
0x1c: {  	p1 =	slt.u32 s9, $0xF7A;
	s5 =	simm.s32 @!p2 $0x0  }
0x1d: {  	s5 =	simm.s32 @p1 $0x1;
	p0 =	seq.s32 s7, s2  }
0x1e: {  	s7 =	smul.u32 @!p0 $0xF7A, s2;
	p2 =	seq.s32 @!p0 s5, $0x0  }
0x1f: {  	s9 =	smul.u32 $0xF7A, s1;
	s8 =	simm.s32 @!p0 $0x1BF5;
	p2 =	por !p2, p0  }
0x20: {  	[sflag:s8] =	ssyncset.s32 @!p0 $0xFFFFF086;
	s6 =	sadd.s32 @!p0 s3, s7;
	s7 =	simm.s32 @!p0 $0x108  }
0x21: {  	s3 =	sadd.s32 s3, s9;
	s6 =	sadd.s32 @!p0 $0x88, s6;
	s7 =	simm.s32 @p2 $0x1082  }
0x22: {  	[simem:s7], [sflag:s8] =	dma.local @!p0 [hbm:s6], $0xF7A  }
0x23: {  	s9 =	sor.u32 $0xD0000000, s2;
	s6 =	simm.s32 $0x108;
	_ =	swait.ge @!p0 [sflag:s8], $0x0  }
0x24: {  	s3 =	sadd.s32 $0x88, s3;
	s6 =	simm.s32 @!p1 $0x1082;
	[sflag:s4] =	ssyncset.s32 $0xFFFFF086  }
0x25: {  	[simem:s6], [sflag:s4] =	dma.local [hbm:s3], $0xF7A  }
0x26: {  	[smem:$0x3F9F] =	sst s1;
	(tag) =	ssettag s2;
	_ =	strace s9  }
0x27: {  	s1 =	sld [smem:$0x3FAF]  }
0x28: {  	s2 =	sld [smem:$0x3FB0]  }
0x29: {  	s4 =	sld [smem:$0x3FB2]  }
0x2a: {  	p0 =	seq.s32 s5, $0x0;
	s5 =	sld [smem:$0x3FB3]  }
0x2b: {  	s6 =	sld [smem:$0x3FB4]  }
0x2c: {  	s7 =	sld [smem:$0x3FB5]  }
0x2d: {  	s3 =	simm.s32 $0x108;
	s8 =	sld [smem:$0x3FB6]  }
0x2e: {  	s3 =	simm.s32 @!p0 $0x1082;
	s9 =	sld [smem:$0x3FB7]  }
0x2f: {  	lr =	sadd.s32 s0, s3;
	s0 =	sld [smem:$0x3FAE]  }
0x30: {  	s3 =	sld [smem:$0x3FB1]  }
0x31: {  	[smem:$0x3FBA] =	sst s10  }
0x32: {  	s10 =	sld [smem:$0x3FB8];
	_ =	sdelay $0x3  }
0x33: {  	p0 =	seq.s32 s10, $0x1;
	s10 =	sld [smem:$0x3FBA];
	_ =	sdelay $0x3  }
0x34: {  	[smem:$0x3FBA] =	sst s10  }
0x35: {  	s10 =	sld [smem:$0x3FB9];
	_ =	sdelay $0x3  }
0x36: {  	p1 =	seq.s32 s10, $0x1;
	s10 =	sld [smem:$0x3FBA];
	_ =	sdelay $0x3  }
0x37: {  	[smem:$0x3FBA] =	sst s10  }
0x38: {  	s10 =	sld [smem:$0x3FBB]  }
0x39: {  	_ = 	snop;
	(pc) =	sbr.ind lr, $3  }
0x3a: {  	_ = 	snop  }
0x3b: {  	_ = 	snop  }
0x3c: {  	p2 =	seq.s32 s10, $0x1;
	s10 =	sld [smem:$0x3FBA]  }
0x3d: {  	_ =	shalt  }
0x3e: {  	_ =	shalt  }
0x3f: {  	_ =	shalt  }
0x40: {  	_ =	shalt  }
0x41: {  	_ =	shalt  }
0x42: {  	_ =	shalt  }
0x43: {  	_ =	shalt  }
0x44: {  	_ =	shalt  }
0x45: {  	_ =	shalt  }
0x46: {  	_ =	shalt  }
0x47: {  	_ =	shalt  }
0x48: {  	_ =	shalt  }
0x49: {  	_ =	shalt  }
0x4a: {  	_ =	shalt  }
0x4b: {  	_ =	shalt  }
0x4c: {  	_ =	shalt  }
0x4d: {  	_ =	shalt  }
0x4e: {  	_ =	shalt  }
0x4f: {  	_ =	shalt  }
0x50: {  	_ =	shalt  }
0x51: {  	_ =	shalt  }
0x52: {  	_ =	shalt  }
0x53: {  	_ =	shalt  }
0x54: {  	_ =	shalt  }
0x55: {  	_ =	shalt  }
0x56: {  	_ =	shalt  }
0x57: {  	_ =	shalt  }
0x58: {  	_ =	shalt  }
0x59: {  	_ =	shalt  }
0x5a: {  	_ =	shalt  }
0x5b: {  	_ =	shalt  }
0x5c: {  	_ =	shalt  }
0x5d: {  	_ =	shalt  }
0x5e: {  	_ =	shalt  }
0x5f: {  	_ =	shalt  }
0x60: {  	_ =	shalt  }
0x61: {  	_ =	shalt  }
0x62: {  	_ =	shalt  }
0x63: {  	_ =	shalt  }
0x64: {  	_ =	shalt  }
0x65: {  	_ =	shalt  }
0x66: {  	_ =	shalt  }
0x67: {  	_ =	shalt  }
0x68: {  	_ =	shalt  }
0x69: {  	_ =	shalt  }
0x6a: {  	_ =	shalt  }
0x6b: {  	_ =	shalt  }
0x6c: {  	_ =	shalt  }
0x6d: {  	_ =	shalt  }
0x6e: {  	_ =	shalt  }
0x6f: {  	_ =	shalt  }
0x70: {  	_ =	shalt  }
0x71: {  	_ =	shalt  }
0x72: {  	_ =	shalt  }
0x73: {  	_ =	shalt  }
0x74: {  	_ =	shalt  }
0x75: {  	_ =	shalt  }
0x76: {  	_ =	shalt  }
0x77: {  	_ =	shalt  }
0x78: {  	_ =	shalt  }
0x79: {  	_ =	shalt  }
0x7a: {  	_ =	shalt  }
0x7b: {  	_ =	shalt  }
0x7c: {  	_ =	shalt  }
0x7d: {  	_ =	shalt  }
0x7e: {  	_ =	shalt  }
0x7f: {  	_ =	shalt  }
0x80: {  	_ =	shalt  }
0x81: {  	_ =	shalt  }
0x82: {  	_ =	shalt  }
0x83: {  	_ =	shalt  }
0x84: {  	_ =	shalt  }
0x85: {  	_ =	shalt  }
0x86: {  	_ =	shalt  }
0x87: {  	_ =	shalt  }
.Lfunc_end0:
.L_simem_size_0:
called_computation_lowered:
.L_overlay_start_0:
0x88: {  	s2 =	sld [smem:$0x3FD9]  }
0x89: {  	s3 =	sld [smem:$0x3FFE];
	_ =	sdelay $0x1  }
0x8a: {  	s1 =	srdreg.scid  }
0x8b: {  	s0 =	sand.u32 $0x1, s1  }
0x8c: {  	s17 =	sshll.u32 s0, $0xA;
	s2 =	sadd.s32 s3, s2  }
0x8d: {  	s2 =	sadd.s32 s2, s17  }
0x8e: {  	[smem:$0x3FC6] =	sst s2  }
0x8f: {  	_ = 	snop  }
0x90: {  	s2 =	sld [smem:$0x3FD0];
	(tm) =	ssettm $0x1  }
0x91: {  	s18 =	sld [smem:$0x3FFB];
	_ =	sdelay $0x3  }
0x92: {  	_ =	strace s18  }
0x93: {  	s3 =	sld [smem:$0x3FFC];
	_ =	sdelay $0x3  }
0x94: {  	_ =	strace s3  }
0x95: {  	s3 =	sld [smem:$0x3FFD];
	_ =	sdelay $0x3  }
0x96: {  	_ =	strace s3  }
0x97: {  	_ =	strace $0x8FFFFFFF  }
0x98: {  	s19 =	sld [smem:$0x3FDB];
	_ =	sdelay $0x1  }
0x99: {  	s4 =	simm.s32 $_scs_section_size  }
0x9a: {  	s5 =	simm.s32 $_size__tile_overlayer_lowered;
	s6 =	simm.s32 $_tile_overlayer_lowered  }
0x9b: {  	s22 =	simm.s32 $0x1BFF;
	s21 =	sshll.u32 s6, $0x1;
	s3 =	sadd.s32 s4, s19  }
0x9c: {  	s7 =	simm.s32 $0x0;
	s20 =	sshll.u32 s5, $0x1;
	s5 =	sadd.s32 s21, s3  }
0x9d: {  	[timem:s7], [sflag:s22] =	dma.local [hbm:s5], s20  }
0x9e: {  	_ =	swait.ge [sflag:s22], s20  }
0x9f: {  	s4 =	ssub.s32 $0x0, s20;
	[sflag:s22] =	ssyncset.done $0x0  }
0xa0: {  	[sflag:s22] =	ssyncadd.s32 s4;
	_ =	sdelay $0x1  }
0xa1: {  	s23 =	simm.s32 $0x1B8B  }
0xa2: {  	_ =	swait.ge [sflag:s23], $0x1  }
0xa3: {  	[sflag:s23] =	ssyncset.done $0x0  }
0xa4: {  	s25 =	simm.s32 $0x1B8E;
	s24 =	sld [smem:$0x3FFE];
	[sflag:s23] =	ssyncadd.s32 $0xFFFFFFFF  }
0xa5: {  	s26 =	simm.s32 $execute0_lowered;
	[smem:$0x3FD2] =	sst s25  }
0xa6: {  	s5 =	sshll.u32 s26, $0x1;
	_ =	strace $0x80000046;
	[dreg:$0x1] =	wrdreg $0xFFFFFFFF  }
0xa7: {  	s28 =	simm.s32 $_size_execute0_lowered;
	s3 =	sadd.s32 s3, s5;
	[dreg:$0x0] =	wrdreg $0x0  }
0xa8: {  	s5 =	sshll.u32 s28, $0x1;
	[dreg:$0x2] =	wrdreg s3  }
0xa9: {  	[dreg:$0x3] =	wrdreg s5  }
0xaa: {  	[dreg:$0x4] =	wrdreg $0xC0  }
0xab: {  	_ =	task [dreg:s7], $0x5FFFF  }
0xac: {  	[dreg:$0x1] =	wrdreg $0xFFFFFFFF  }
0xad: {  	[dreg:$0x0] =	wrdreg $0x60  }
0xae: {  	[dreg:$0x2] =	wrdreg s24  }
0xaf: {  	[dreg:$0x3] =	wrdreg s2  }
0xb0: {  	[dreg:$0x4] =	wrdreg $0x9  }
0xb1: {  	_ =	task.clear_ibuf [dreg:s7], $0x5FFFF;
	_ =	strace $0x90000046  }
0xb2: {  	s29 =	simm.s32 $0x9;
	_ =	strace $0x80000048  }
0xb3: {  	_ =	swait.ge [sflag:s29], $0x1  }
0xb4: {  	[sflag:s29] =	ssyncadd.s32 $0xFFFFFFFF  }
0xb5: {  	_ =	strace $0x90000048  }
0xb6: {  	_ =	sfence  }
0xb7: {  	s30 =	sld [smem:$0x0];
	_ =	sdelay $0x2  }
0xb8: {  	s31 =	sshll.u32 s1, $0xD;
	s1 =	sshrl.u32 s1, $0x2  }
0xb9: {  	s3 =	sand.u32 $0x4000, s31;
	s1 =	sadd.s32 s1, s30  }
0xba: {  	s0 =	sor.u32 s3, s0;
	s1 =	sshll.u32 s1, $0x11  }
0xbb: {  	s0 =	sor.u32 s1, s0  }
0xbc: {  	s0 =	sadd.s32 $0x8F2B, s0  }
0xbd: {  	[sflag:s0] =	ssyncadd.remote.s32 $0x1  }
0xbe: {  	_ =	sfence.sel $0xFFFF  }
0xbf: {  	[dreg:$0x0] =	wrdreg $0xFFFFFFFF;
	(pc) =	sbr.abs _section_cstart, $3  }
0xc0: {  	[dreg:$0x1] =	wrdreg $0xFFFFFFFF  }
0xc1: {  	_ =	task.clear_ibuf [dreg:s7], $0x2FFFF;
	_ =	strace $0x9FFFFFFF  }
0xc2: {  	(tm) =	ssettm $0x7FFFFFFF  }
0xc3: {  	_ =	shalt  }
tec
execute0_lowered:
.L_overlay_start_1:
0x0: {  	(tag) =	ssettag $0x1  }
0x1: {  	s0 =	srdreg.scid;
	s2 =	stileid.u32;
	v0 =	vlaneseq.u32  }
0x2: {  	s0 =	sand.u32 $0x1, s0;
	s3 =	sshll.u32 s2, $0x1;
	v1 =	vmul.u32 $0x32, v0  }
0x3: {  	s1 =	rddreg [dreg:$0x0];
	s5 =	sor.u32 s0, s3;
	s3 =	simm.s32 $0x0  }
0x4: {  	[smem:$0x7FF] =	sst s3;
	v2 =	vadd.s32 $0x320, v1  }
0x5: {  	s2 =	rddreg [dreg:$0x1];
	v54 =	vadd.s32 $0x640, v1;
	_ =	strace $0x80000047;
	[tilespmem:$0x1FE80] =	vst v2  }
0x6: {  	v55 =	vadd.s32 $0x960, v1;
	[tilespmem:$0x1FE90] =	vst v54  }
0x7: {  	v56 =	vadd.s32 $0xC80, v1;
	[tilespmem:$0x1FEA0] =	vst v55  }
0x8: {  	v57 =	vadd.s32 $0xFA0, v1;
	[tilespmem:$0x1FEB0] =	vst v56  }
0x9: {  	v58 =	vmul.u32 $0x88, v0;
	v59 =	vadd.s32 $0x12C0, v1;
	[tilespmem:$0x1FEC0] =	vst v57  }
0xa: {  	[tilespmem:$0x1FED0] =	vst v59  }
0xb: {  	v61 =	vadd.s32 $0x880, v58;
	[tilespmem:$0x1FEE0] =	vst v1  }
0xc: {  	v62 =	vadd.s32 $0x1100, v58;
	[tilespmem:$0x1FF00] =	vst v61  }
0xd: {  	v63 =	vor.u32 $0x1, v58;
	[tilespmem:$0x1FF10] =	vst v62  }
0xe: {  	[tilespmem:$0x1FF20] =	vst v63  }
0xf: {  	v26 =	vadd.s32 $0x1985, v58;
	[tilespmem:$0x1FF30] =	vst v58  }
0x10: {  	v19 =	vadd.s32 $0x1986, v58;
	[tilespmem:$0x1FF40] =	vst v26  }
0x11: {  	v13 =	vor.u32 $0x7, v58;
	[tilespmem:$0x1FF50] =	vst v19  }
0x12: {  	v15 =	vadd.s32 $0x1107, v58;
	[tilespmem:$0x1FF60] =	vst v13  }
0x13: {  	s9 =	simm.s32 $0x80;
	s12 =	simm.s32 $0x1;
	s15 =	simm.s32 $0xA500;
	v48 =	vor.u32 $0x5, v58;
	[tilespmem:$0x1FF70] =	vst v15  }
0x14: {  	v60 =	vimm.s32 $0x0;
	vm0 =	vcmask $0x300;
	s16 =	simm.s32 $0xE2A0;
	s17 =	simm.s32 $0xE328;
	s18 =	simm.s32 $0xE3B0;
	v14 =	vadd.s32 $0x887, v58;
	[tilespmem:$0x1FF80] =	vst v48  }
0x15: {  	s19 =	simm.s32 $0xE438;
	s20 =	simm.s32 $0xE4C0;
	s21 =	simm.s32 $0xE548;
	v9 =	vsel vm0, $0x3, v60;
	v20 =	vadd.s32 $0x1980, v58;
	v16 =	vadd.s32 $0x1987, v58;
	[tilespmem:$0x1FF90] =	vst v14  }
0x16: {  	s22 =	simm.s32 $0xE5D0;
	s23 =	simm.s32 $0xE658;
	s24 =	simm.s32 $0xE6E0;
	v22 =	vadd.s32 $0x881, v58;
	v27 =	vadd.s32 $0x1101, v58;
	v6 =	vor.u32 $0x6, v58;
	[tilespmem:$0x1FFA0] =	vst v16  }
0x17: {  	s25 =	simm.s32 $0xE768;
	s26 =	simm.s32 $0xE7F0;
	s0 =	ssub.s32 $0x2, s0;
	v28 =	vadd.s32 $0x1981, v58;
	v29 =	vor.u32 $0x2, v58;
	v11 =	vadd.s32 $0x1106, v58;
	[tilespmem:$0x1FFC0] =	vst v6  }
0x18: {  	s28 =	simm.s32 $0xE878;
	s4 =	smul.u32 $0xC80, s5;
	s7 =	sshrl.u32 s0, $0x1;
	v30 =	vadd.s32 $0x882, v58;
	v31 =	vadd.s32 $0x1102, v58;
	v10 =	vadd.s32 $0x886, v58;
	[tilespmem:$0x1FFD0] =	vst v11  }
0x19: {  	s29 =	simm.s32 $0x4;
	v32 =	vadd.s32 $0x1982, v58;
	v33 =	vor.u32 $0x3, v58;
	v12 =	vadd.s32 $0x1105, v58;
	s0 =	ssub.s32 s0, s7;
	s7 =	simm.s32 $0x0;
	[tilespmem:$0x1FFE0] =	vst v10  }
0x1a: {  	v34 =	vadd.s32 $0x883, v58;
	v35 =	vadd.s32 $0x1103, v58;
	v1 =	vadd.s32 $0x15E0, v1;
	[tilespmem:$0x1FFF0] =	vst v12;
	s6 =	sadd.s32 s4, s1;
	s4 =	sadd.s32 $0xF42A00, s1;
	s0 =	smax.u32 s0, $0x1  }
0x1b: {  	v36 =	vadd.s32 $0x1983, v58;
	v37 =	vor.u32 $0x4, v58;
	v54 =	vadd.s32 $0x885, v58;
	s1 =	simm.s32 $0x2;
	[tilespmem:$0x1FEF0] =	vst v1;
	s31 =	sadd.s32 $0x600, s6;
	[dreg:$0x4] =	wrdreg s0  }
0x1c: {  	v38 =	vadd.s32 $0x884, v58;
	v39 =	vadd.s32 $0x1104, v58;
	v40 =	vadd.s32 $0x1984, v58;
	[tilespmem:$0x1FFB0] =	vst v54;
	s6 =	sshll.u32 s5, $0x2;
	s0 =	simm.s32 $0xC700;
	[dreg:$0x3] =	wrdreg s31  }
.LBB2_1:
0x1d: {  	[dreg:$0x5] =	wrdreg s7  }
0x1e: {  	s5 =	rddreg [dreg:$0x3];
	s11 =	simm.s32 $0x5  }
0x1f: {  	[tilespmem:s3], [sflag:$0x5] =	stream.linear.gather [hbm4b:s5+s3], $0x6400, $0x38;
	[tilespmem:$0xE900] =	vst v63  }
0x20: {  	_ =	swait.ge [sflag:s11], $0x6400  }
0x21: {  	v0 =	vld [tilespmem:$0x1FEE0];
	_ =	sdelay $0x5  }
0x22: {  	[sflag:s11] =	ssyncset.done $0x0;
	v57 =	vld [tilespmem:$0x1FE80]  }
0x23: {  	[sflag:s11] =	ssyncadd.s32 $0xFFFF9C00  }
0x24: {  	v0 =	vld.idx.msk [tilespmem:v0+s3+$0x0], $0xffff;
	_ =	sdelay $0x3  }
0x25: {  	v58 =	vld [tilespmem:$0x1FE90]  }
0x26: {  	[tilespmem:$0x6400] =	vst v0  }
0x27: {  	v0 =	vld.idx.msk [tilespmem:v57+s3+$0x0], $0xffff;
	_ =	sdelay $0x3  }
0x28: {  	v59 =	vld [tilespmem:$0x1FEA0]  }
0x29: {  	[tilespmem:$0x6410] =	vst v0  }
0x2a: {  	v0 =	vld.idx.msk [tilespmem:v58+s3+$0x0], $0xffff;
	_ =	sdelay $0x3  }
0x2b: {  	v60 =	vld [tilespmem:$0x1FEB0]  }
0x2c: {  	[tilespmem:$0x6420] =	vst v0  }
0x2d: {  	v0 =	vld.idx.msk [tilespmem:v59+s3+$0x0], $0xffff;
	_ =	sdelay $0x3  }
0x2e: {  	v61 =	vld [tilespmem:$0x1FEC0]  }
0x2f: {  	[tilespmem:$0x6430] =	vst v0  }
0x30: {  	v0 =	vld.idx.msk [tilespmem:v60+s3+$0x0], $0xffff;
	_ =	sdelay $0x3  }
0x31: {  	v62 =	vld [tilespmem:$0x1FED0]  }
0x32: {  	[tilespmem:$0x6440] =	vst v0  }
0x33: {  	v0 =	vld.idx.msk [tilespmem:v61+s3+$0x0], $0xffff;
	_ =	sdelay $0x3  }
0x34: {  	v63 =	vld [tilespmem:$0x1FEF0]  }
0x35: {  	[tilespmem:$0x6450] =	vst v0  }
0x36: {  	v0 =	vld.idx.msk [tilespmem:v62+s3+$0x0], $0xffff;
	_ =	sdelay $0x4  }
0x37: {  	[tilespmem:$0x6460] =	vst v0  }
0x38: {  	v0 =	vld.idx.msk [tilespmem:v63+s3+$0x0], $0xffff;
	_ =	sdelay $0x3  }
0x39: {  	s13 =	simm.s32 $0x6400;
	s14 =	simm.s32 $0x6500  }
0x3a: {  	s7 =	simm.s32 $0x0;
	s31 =	simm.s32 $0x0;
	s30 =	simm.s32 $0x0;
	[tilespmem:$0x6470] =	vst v0  }
0x3b: {  	[tilespmem:s14], [sflag:$0x1] =	stream.indirect.gather [hbm4b:s4+s9], $0x40, s13, s9, $0xb8;
	[tilespmem:$0xE900] =	vst v63  }
.LBB2_2:
0x3c: {  	s5 =	sadd.s32 $0x1, s31  }
0x3d: {  	s8 =	simm.s32 $0x1;
	p0 =	seq.s32 s5, $0x32  }
0x3e: {  	v2 =	vld [tilespmem:$0x1FEE0];
	s8 =	simm.s32 @!p0 $0x0  }
0x3f: {  	s8 =	sadd.s32 s8, s7  }
0x40: {  	s10 =	smul.u32 $0x1900, s8  }
0x41: {  	s5 =	simm.s32 @p0 $0x0  }
0x42: {  	s10 =	sadd.s32 s5, s10  }
0x43: {  	v0 =	vadd.s32 s10, v2;
	_ =	sdelay $0x4  }
0x44: {  	s11 =	sadd.s32 $0x320, s10;
	v0 =	vld.idx.msk [tilespmem:v0+s3+$0x0], $0xffff  }
0x45: {  	v1 =	vadd.s32 s11, v2;
	_ =	sdelay $0x3  }
0x46: {  	[tilespmem:$0x6480] =	vst v0  }
0x47: {  	s14 =	sadd.s32 $0x640, s10;
	v0 =	vld.idx.msk [tilespmem:v1+s3+$0x0], $0xffff  }
0x48: {  	v1 =	vadd.s32 s14, v2;
	_ =	sdelay $0x3  }
0x49: {  	[tilespmem:$0x6490] =	vst v0  }
0x4a: {  	s13 =	sadd.s32 $0x960, s10;
	v0 =	vld.idx.msk [tilespmem:v1+s3+$0x0], $0xffff  }
0x4b: {  	v1 =	vadd.s32 s13, v2;
	_ =	sdelay $0x3  }
0x4c: {  	[tilespmem:$0x64A0] =	vst v0  }
0x4d: {  	s14 =	sadd.s32 $0xC80, s10;
	v0 =	vld.idx.msk [tilespmem:v1+s3+$0x0], $0xffff  }
0x4e: {  	v1 =	vadd.s32 s14, v2;
	_ =	sdelay $0x3  }
0x4f: {  	[tilespmem:$0x64B0] =	vst v0  }
0x50: {  	s13 =	sadd.s32 $0xFA0, s10;
	v0 =	vld.idx.msk [tilespmem:v1+s3+$0x0], $0xffff  }
0x51: {  	v1 =	vadd.s32 s13, v2;
	_ =	sdelay $0x3  }
0x52: {  	[tilespmem:$0x64C0] =	vst v0  }
0x53: {  	s14 =	sadd.s32 $0x12C0, s10;
	v0 =	vld.idx.msk [tilespmem:v1+s3+$0x0], $0xffff  }
0x54: {  	v1 =	vadd.s32 s14, v2;
	_ =	sdelay $0x3  }
0x55: {  	[tilespmem:$0x64D0] =	vst v0  }
0x56: {  	s10 =	sadd.s32 $0x15E0, s10;
	v0 =	vld.idx.msk [tilespmem:v1+s3+$0x0], $0xffff  }
0x57: {  	v1 =	vadd.s32 s10, v2;
	_ =	sdelay $0x3  }
0x58: {  	[tilespmem:$0x64E0] =	vst v0  }
0x59: {  	v0 =	vld.idx.msk [tilespmem:v1+s3+$0x0], $0xffff;
	_ =	sdelay $0x4  }
0x5a: {  	s13 =	simm.s32 $0x6480;
	s14 =	simm.s32 $0x8500;
	[tilespmem:$0x64F0] =	vst v0  }
0x5b: {  	[tilespmem:s14], [sflag:$0x2] =	stream.indirect.gather [hbm4b:s4+s9], $0x40, s13, s9, $0xb8;
	[tilespmem:$0xE900] =	vst v63  }
0x5c: {  	_ =	swait.ge [sflag:s12], $0x2000  }
0x5d: {  	p0 =	seq.s32 s30, $0x0;
	[sflag:s12] =	ssyncset.done $0x0  }
0x5e: {  	s10 =	simm.s32 @!p0 $0x3;
	[sflag:s12] =	ssyncadd.s32 $0xFFFFE000  }
0x5f: {  	_ =	swait.ge @!p0 [sflag:s10], $0x400  }
0x60: {  	[sflag:s10] =	ssyncset.done @!p0 $0x0  }
0x61: {  	[sflag:s10] =	ssyncadd.s32 @!p0 $0xFFFFFC00  }
0x62: {  	_ =	swait.ge @!p0 [sflag:s10], $0x400  }
0x63: {  	[sflag:s10] =	ssyncset.done @!p0 $0x0  }
0x64: {  	[sflag:s10] =	ssyncadd.s32 @!p0 $0xFFFFFC00  }
0x65: {  	_ =	swait.ge @!p0 [sflag:s10], $0x400  }
0x66: {  	[sflag:s10] =	ssyncset.done @!p0 $0x0  }
0x67: {  	[sflag:s10] =	ssyncadd.s32 @!p0 $0xFFFFFC00  }
0x68: {  	_ =	swait.ge @!p0 [sflag:s10], $0x400  }
0x69: {  	[sflag:s10] =	ssyncset.done @!p0 $0x0  }
0x6a: {  	[sflag:s10] =	ssyncadd.s32 @!p0 $0xFFFFFC00  }
0x6b: {  	s11 =	simm.s32 $0x0;
	_ =	swait.ge @!p0 [sflag:s10], $0x400  }
0x6c: {  	v0 =	vmov s11;
	s11 =	simm.s32 $0x3;
	s13 =	simm.s32 $0x1;
	[sflag:s10] =	ssyncset.done @!p0 $0x0  }
0x6d: {  	s14 =	simm.s32 $0x2;
	v3 =	vmov s11;
	s11 =	simm.s32 $0x6;
	v0 =	vshrl.u32 v0, $0x3;
	[sflag:s10] =	ssyncadd.s32 @!p0 $0xFFFFFC00  }
0x6e: {  	v1 =	vmov s13;
	v2 =	vmov s14;
	s13 =	simm.s32 $0x4;
	s14 =	simm.s32 $0x5;
	v7 =	vmov s11;
	_ =	swait.ge @!p0 [sflag:s10], $0x400  }
0x6f: {  	s11 =	simm.s32 $0x9;
	v0 =	vshll.u32 v0, v9;
	v3 =	vshrl.u32 v3, $0x3;
	v5 =	vmov s14;
	s14 =	simm.s32 $0x8;
	[sflag:s10] =	ssyncset.done @!p0 $0x0  }
0x70: {  	v4 =	vmov s13;
	v42 =	vmov s11;
	v41 =	vmov s14;
	s14 =	simm.s32 $0xB;
	[sflag:s10] =	ssyncadd.s32 @!p0 $0xFFFFFC00  }
0x71: {  	s13 =	simm.s32 $0x7;
	v1 =	vshrl.u32 v1, $0x3;
	v2 =	vshrl.u32 v2, $0x3;
	v44 =	vmov s14;
	s14 =	simm.s32 $0xD;
	_ =	swait.ge @!p0 [sflag:s10], $0x400  }
0x72: {  	v7 =	vshrl.u32 v7, $0x3;
	v8 =	vmov s13;
	v47 =	vmov s14;
	s14 =	simm.s32 $0xF;
	[sflag:s10] =	ssyncset.done @!p0 $0x0  }
0x73: {  	v4 =	vshrl.u32 v4, $0x3;
	v5 =	vshrl.u32 v5, $0x3;
	v46 =	vmov s14;
	[sflag:s10] =	ssyncadd.s32 @!p0 $0xFFFFFC00  }
0x74: {  	v42 =	vshrl.u32 v42, $0x3;
	v50 =	vshrl.u32 v41, $0x3;
	v46 =	vshrl.u32 v46, $0x3;
	_ =	swait.ge @!p0 [sflag:s10], $0x400  }
0x75: {  	v41 =	vbroadcast v0, $0x0;
	v0 =	vshll.u32 v1, v9;
	v46 =	vshll.u32 v46, v9;
	v21 =	vld [tilespmem:$0x1FF30]  }
0x76: {  	s13 =	simm.s32 $0xA;
	v55 =	vbroadcast v0, $0x0;
	v0 =	vshll.u32 v2, v9;
	v57 =	vbroadcast v46, $0x0;
	[sflag:s10] =	ssyncset.done @!p0 $0x0;
	v23 =	vld [tilespmem:$0x1FF20]  }
0x77: {  	v43 =	vmov s13;
	v8 =	vshrl.u32 v8, $0x3;
	v52 =	vbroadcast v0, $0x0;
	[sflag:s10] =	ssyncadd.s32 @!p0 $0xFFFFFC00;
	s10 =	simm.s32 $0x6700  }
0x78: {  	v5 =	vshll.u32 v5, v9;
	v0 =	vshll.u32 v3, v9;
	v2 =	vadd.s32 v13, v57;
	v1 =	vld [tilespmem:s10+$0x1C0]  }
0x79: {  	s13 =	simm.s32 $0xC;
	v53 =	vbroadcast v0, $0x0;
	v0 =	vshll.u32 v4, v9;
	v58 =	vadd.s32 v29, v52;
	v4 =	vld [tilespmem:s10+$0xFFFFFE80]  }
0x7a: {  	v45 =	vmov s13;
	v17 =	vbroadcast v5, $0x0;
	v46 =	vld [tilespmem:s10+$0xFFFFFE00];
	v49 =	vadd.s32 v21, v41  }
0x7b: {  	v5 =	vshll.u32 v7, v9;
	v25 =	vbroadcast v0, $0x0;
	v3 =	vld [tilespmem:s10+$0xFFFFFE40];
	v51 =	vadd.s32 v23, v55  }
0x7c: {  	v24 =	vbroadcast v5, $0x0;
	v0 =	vshrl.u32 v44, $0x3;
	v59 =	vadd.s32 v33, v53;
	v44 =	vld [tilespmem:s10+$0xFFFFFEC0]  }
0x7d: {  	v43 =	vshrl.u32 v43, $0x3;
	v61 =	vadd.s32 v37, v25;
	v60 =	vld [tilespmem:s10+$0xFFFFFF00];
	[tilespmem:v2+s15+$0x0] =	vst.idx.msk $0xffff, v1;
	v1 =	vshll.u32 v8, v9  }
0x7e: {  	s13 =	simm.s32 $0xE;
	v7 =	vadd.s32 v48, v17;
	[tilespmem:v58+s15+$0x0] =	vst.idx.msk $0xffff, v4;
	v4 =	vld [tilespmem:s10+$0xFFFFFF80];
	v8 =	vadd.s32 v6, v24;
	v63 =	vbroadcast v1, $0x0  }
0x7f: {  	v56 =	vmov s13;
	v5 =	vadd.s32 v14, v57;
	v2 =	vld [tilespmem:s10+$0x1D0];
	v1 =	vshll.u32 v50, v9;
	[tilespmem:v49+s15+$0x0] =	vst.idx.msk $0xffff, v46  }
0x80: {  	[tilespmem:v51+s15+$0x0] =	vst.idx.msk $0xffff, v3;
	v3 =	vld [tilespmem:s10+$0xFFFFFF40];
	v49 =	vbroadcast v1, $0x0;
	v1 =	vshll.u32 v42, v9;
	v58 =	vadd.s32 v13, v63  }
0x81: {  	[tilespmem:v59+s15+$0x0] =	vst.idx.msk $0xffff, v44;
	v44 =	vld [tilespmem:s10+$0xFFFFFFC0];
	v46 =	vbroadcast v1, $0x0;
	v1 =	vshrl.u32 v47, $0x3;
	v47 =	vshll.u32 v43, v9  }
0x82: {  	v45 =	vshrl.u32 v45, $0x3;
	[tilespmem:v61+s15+$0x0] =	vst.idx.msk $0xffff, v60;
	v59 =	vld [tilespmem:s10+$0x0];
	v51 =	vadd.s32 v21, v49;
	v18 =	vbroadcast v47, $0x0  }
0x83: {  	v56 =	vshrl.u32 v56, $0x3;
	v0 =	vshll.u32 v0, v9;
	v50 =	vld [tilespmem:s10+$0x40];
	[tilespmem:v8+s15+$0x0] =	vst.idx.msk $0xffff, v4;
	v62 =	vadd.s32 v23, v46  }
0x84: {  	v42 =	vbroadcast v0, $0x0;
	v0 =	vshll.u32 v45, v9;
	v4 =	vld [tilespmem:s10+$0x80];
	[tilespmem:v5+s15+$0x0] =	vst.idx.msk $0xffff, v2;
	v5 =	vadd.s32 v29, v18  }
0x85: {  	v43 =	vbroadcast v0, $0x0;
	v0 =	vshll.u32 v1, v9;
	v2 =	vld [tilespmem:s10+$0x1E0];
	[tilespmem:v7+s15+$0x0] =	vst.idx.msk $0xffff, v3;
	v3 =	vadd.s32 v15, v57  }
0x86: {  	v1 =	vld [tilespmem:s10+$0xC0];
	[tilespmem:v58+s15+$0x0] =	vst.idx.msk $0xffff, v44;
	v7 =	vadd.s32 v33, v42;
	v44 =	vbroadcast v0, $0x0;
	v0 =	vshll.u32 v56, v9  }
0x87: {  	v8 =	vld [tilespmem:s10+$0x100];
	v45 =	vbroadcast v0, $0x0;
	[tilespmem:v51+s15+$0x0] =	vst.idx.msk $0xffff, v59;
	v51 =	vadd.s32 v37, v43  }
0x88: {  	v0 =	vld [tilespmem:s10+$0x140];
	v47 =	vadd.s32 v48, v44;
	[tilespmem:v62+s15+$0x0] =	vst.idx.msk $0xffff, v50  }
0x89: {  	v48 =	vld [tilespmem:s10+$0x180];
	v50 =	vadd.s32 v6, v45;
	[tilespmem:v5+s15+$0x0] =	vst.idx.msk $0xffff, v4  }
0x8a: {  	v4 =	vld [tilespmem:s10+$0xFFFFFE50];
	v5 =	vadd.s32 v22, v55;
	[tilespmem:v3+s15+$0x0] =	vst.idx.msk $0xffff, v2  }
0x8b: {  	[tilespmem:v7+s15+$0x0] =	vst.idx.msk $0xffff, v1;
	v1 =	vld [tilespmem:s10+$0xFFFFFE90];
	v7 =	vadd.s32 v30, v52  }
0x8c: {  	v3 =	vadd.s32 v16, v57;
	v2 =	vld [tilespmem:s10+$0x1F0];
	[tilespmem:v51+s15+$0x0] =	vst.idx.msk $0xffff, v8  }
0x8d: {  	v8 =	vld [tilespmem:s10+$0xFFFFFED0];
	v51 =	vadd.s32 v34, v53;
	[tilespmem:v47+s15+$0x0] =	vst.idx.msk $0xffff, v0  }
0x8e: {  	v62 =	vld [tilespmem:s10+$0xFFFFFF50];
	[tilespmem:v50+s15+$0x0] =	vst.idx.msk $0xffff, v48  }
0x8f: {  	v0 =	vld [tilespmem:s10+$0xFFFFFF10];
	[tilespmem:v5+s15+$0x0] =	vst.idx.msk $0xffff, v4  }
0x90: {  	v61 =	vadd.s32 v38, v25;
	v47 =	vld [tilespmem:s10+$0x90];
	[tilespmem:v7+s15+$0x0] =	vst.idx.msk $0xffff, v1  }
0x91: {  	v13 =	vmov v63;
	v63 =	vadd.s32 v54, v17;
	v50 =	vld [tilespmem:s10+$0xFFFFFE10];
	[tilespmem:v3+s15+$0x0] =	vst.idx.msk $0xffff, v2  }
0x92: {  	v4 =	vadd.s32 v14, v13;
	v1 =	vld [tilespmem:s10+$0xFFFFFFD0];
	[tilespmem:v51+s15+$0x0] =	vst.idx.msk $0xffff, v8  }
0x93: {  	v48 =	vadd.s32 v30, v18;
	v6 =	vld [tilespmem:$0x1FF00]  }
0x94: {  	v2 =	vld [tilespmem:s10+$0xFFFFFF90];
	v3 =	vadd.s32 v10, v24  }
0x95: {  	v8 =	vadd.s32 v22, v46;
	[tilespmem:v61+s15+$0x0] =	vst.idx.msk $0xffff, v0;
	v0 =	vld [tilespmem:s10+$0x50]  }
0x96: {  	v60 =	vld [tilespmem:s10+$0xFFFFFE60];
	[tilespmem:v63+s15+$0x0] =	vst.idx.msk $0xffff, v62;
	v61 =	vadd.s32 v27, v55  }
0x97: {  	[tilespmem:v4+s15+$0x0] =	vst.idx.msk $0xffff, v1;
	v1 =	vld [tilespmem:s10+$0x110];
	v4 =	vadd.s32 v38, v43  }
0x98: {  	v5 =	vld [tilespmem:s10+$0x10];
	[tilespmem:v48+s15+$0x0] =	vst.idx.msk $0xffff, v47;
	v7 =	vadd.s32 v6, v49  }
0x99: {  	[tilespmem:v3+s15+$0x0] =	vst.idx.msk $0xffff, v2;
	v2 =	vld [tilespmem:s10+$0xD0];
	v3 =	vadd.s32 v34, v42  }
0x9a: {  	[tilespmem:v8+s15+$0x0] =	vst.idx.msk $0xffff, v0;
	v0 =	vld [tilespmem:s10+$0x190];
	v8 =	vadd.s32 v10, v45  }
0x9b: {  	v62 =	vld [tilespmem:s10+$0xFFFFFFA0];
	v51 =	vadd.s32 v6, v41;
	[tilespmem:v61+s15+$0x0] =	vst.idx.msk $0xffff, v60  }
0x9c: {  	[tilespmem:v4+s15+$0x0] =	vst.idx.msk $0xffff, v1;
	v1 =	vld [tilespmem:s10+$0xFFFFFEE0];
	v4 =	vadd.s32 v35, v53  }
0x9d: {  	[tilespmem:v7+s15+$0x0] =	vst.idx.msk $0xffff, v5;
	v5 =	vld [tilespmem:s10+$0x150];
	v7 =	vadd.s32 v54, v44  }
0x9e: {  	[tilespmem:v3+s15+$0x0] =	vst.idx.msk $0xffff, v2;
	v2 =	vld [tilespmem:s10+$0xFFFFFEA0];
	v3 =	vadd.s32 v31, v52  }
0x9f: {  	[tilespmem:v8+s15+$0x0] =	vst.idx.msk $0xffff, v0;
	v0 =	vld [tilespmem:s10+$0xFFFFFF60];
	v8 =	vadd.s32 v12, v17  }
0xa0: {  	v63 =	vadd.s32 v11, v24;
	v56 =	vld [tilespmem:s10+$0xE0];
	[tilespmem:v51+s15+$0x0] =	vst.idx.msk $0xffff, v50  }
0xa1: {  	v57 =	vadd.s32 v35, v42;
	v14 =	vld [tilespmem:s10+$0x1A0];
	[tilespmem:v4+s15+$0x0] =	vst.idx.msk $0xffff, v1  }
0xa2: {  	[tilespmem:v7+s15+$0x0] =	vst.idx.msk $0xffff, v5;
	v5 =	vld [tilespmem:s10+$0xFFFFFF20];
	v7 =	vadd.s32 v39, v25  }
0xa3: {  	[tilespmem:v3+s15+$0x0] =	vst.idx.msk $0xffff, v2;
	v2 =	vld [tilespmem:s10+$0xFFFFFFE0];
	v3 =	vadd.s32 v15, v13  }
0xa4: {  	v15 =	vadd.s32 v11, v45;
	v6 =	vld [tilespmem:$0x1FF10];
	[tilespmem:v8+s15+$0x0] =	vst.idx.msk $0xffff, v0  }
0xa5: {  	v0 =	vld [tilespmem:s10+$0xA0];
	v8 =	vadd.s32 v31, v18;
	[tilespmem:v63+s15+$0x0] =	vst.idx.msk $0xffff, v62  }
0xa6: {  	v54 =	vadd.s32 v12, v44;
	v61 =	vld [tilespmem:s10+$0x160];
	[tilespmem:v57+s15+$0x0] =	vst.idx.msk $0xffff, v56  }
0xa7: {  	[tilespmem:v7+s15+$0x0] =	vst.idx.msk $0xffff, v5;
	v5 =	vld [tilespmem:s10+$0x60];
	v7 =	vadd.s32 v27, v46  }
0xa8: {  	s13 =	simm.s32 $0x10;
	[tilespmem:v3+s15+$0x0] =	vst.idx.msk $0xffff, v2;
	v2 =	vld [tilespmem:s10+$0x120];
	v3 =	vadd.s32 v39, v43  }
0xa9: {  	v12 =	vmov s13;
	s13 =	simm.s32 $0x12;
	v1 =	vld [tilespmem:s10+$0x20];
	[tilespmem:v15+s15+$0x0] =	vst.idx.msk $0xffff, v14;
	v4 =	vadd.s32 v6, v49  }
0xaa: {  	v55 =	vadd.s32 v28, v55;
	v51 =	vmov s13;
	s13 =	simm.s32 $0x14;
	v62 =	vshrl.u32 v12, $0x3;
	[tilespmem:v8+s15+$0x0] =	vst.idx.msk $0xffff, v0;
	v8 =	vld [tilespmem:s10+$0xFFFFFE70]  }
0xab: {  	s14 =	simm.s32 $0x11;
	v50 =	vmov s13;
	v62 =	vshll.u32 v62, v9;
	[tilespmem:v54+s15+$0x0] =	vst.idx.msk $0xffff, v61;
	v12 =	vld [tilespmem:s10+$0xFFFFFF30];
	v0 =	vadd.s32 v40, v25  }
0xac: {  	v59 =	vld [tilespmem:s10+$0xFFFFFE20];
	v63 =	vmov s14;
	s14 =	simm.s32 $0x13;
	v15 =	vadd.s32 v26, v17;
	[tilespmem:v7+s15+$0x0] =	vst.idx.msk $0xffff, v5;
	v5 =	vadd.s32 v6, v41  }
0xad: {  	v23 =	vmovc v46;
	s13 =	simm.s32 $0x16;
	v57 =	vld [tilespmem:s10+$0xFFFFFEB0];
	v46 =	vshrl.u32 v50, $0x3;
	[tilespmem:v3+s15+$0x0] =	vst.idx.msk $0xffff, v2;
	v6 =	vmov s14;
	s14 =	simm.s32 $0x15;
	v7 =	vadd.s32 v32, v52  }
0xae: {  	v21 =	vmovc v49;
	v52 =	vmov s13;
	s13 =	simm.s32 $0x18;
	[tilespmem:v4+s15+$0x0] =	vst.idx.msk $0xffff, v1;
	v10 =	vmov s14;
	v4 =	vld [tilespmem:s10+$0xFFFFFEF0];
	v1 =	vadd.s32 v36, v53  }
0xaf: {  	v14 =	vld [tilespmem:s10+$0xFFFFFF70];
	s14 =	simm.s32 $0x17;
	v61 =	vmov s13;
	[tilespmem:v55+s15+$0x0] =	vst.idx.msk $0xffff, v8;
	v8 =	vadd.s32 v20, v21;
	v48 =	vshrl.u32 v6, $0x3  }
0xb0: {  	v2 =	vld [tilespmem:s10+$0xFFFFFFB0];
	s13 =	simm.s32 $0x1A;
	[tilespmem:v0+s15+$0x0] =	vst.idx.msk $0xffff, v12;
	v0 =	vadd.s32 v28, v23;
	v47 =	vshrl.u32 v52, $0x3;
	v60 =	vmov s14;
	s14 =	simm.s32 $0x19  }
0xb1: {  	v3 =	vld [tilespmem:s10+$0xFFFFFFF0];
	v52 =	vadd.s32 v32, v18;
	v54 =	vmov s13;
	s13 =	simm.s32 $0x1C;
	v53 =	vmov s14;
	s14 =	simm.s32 $0x1B;
	[tilespmem:v5+s15+$0x0] =	vst.idx.msk $0xffff, v59  }
0xb2: {  	v50 =	vld [tilespmem:s10+$0x70];
	v49 =	vshrl.u32 v10, $0x3;
	v58 =	vmov s14;
	s14 =	simm.s32 $0x1D;
	v59 =	vmov s13;
	[tilespmem:v7+s15+$0x0] =	vst.idx.msk $0xffff, v57  }
0xb3: {  	v56 =	vmov s14;
	s14 =	simm.s32 $0x1E;
	v5 =	vadd.s32 v19, v24;
	v7 =	vadd.s32 v16, v13;
	[tilespmem:v1+s15+$0x0] =	vst.idx.msk $0xffff, v4;
	v4 =	vld [tilespmem:s10+$0x30]  }
0xb4: {  	s11 =	simm.s32 $0x20;
	[tilespmem:v15+s15+$0x0] =	vst.idx.msk $0xffff, v14;
	s13 =	simm.s32 $0x1F;
	v57 =	vmov s14;
	v1 =	vshrl.u32 v63, $0x3;
	v63 =	vshrl.u32 v51, $0x3;
	v51 =	vld [tilespmem:s10+$0xB0]  }
.LBB2_3:
0xb5: {  	v6 =	vld [tilespmem:$0x1FF60]  }
0xb6: {  	v12 =	vld [tilespmem:$0x1FF30]  }
0xb7: {  	v11 =	vld [tilespmem:$0x1FF90]  }
0xb8: {  	v10 =	vld [tilespmem:$0x1FF80]  }
0xb9: {  	v13 =	vld [tilespmem:$0x1FFC0]  }
0xba: {  	v14 =	vmov s13;
	v21 =	vld [tilespmem:$0x1FFA0]  }
0xbb: {  	v55 =	vshrl.u32 v60, $0x3;
	v60 =	vshrl.u32 v14, $0x3;
	v14 =	vld [tilespmem:$0x1FF20]  }
0xbc: {  	[tilespmem:v5+s15+$0x0] =	vst.idx.msk $0xffff, v2;
	v2 =	vld [tilespmem:s10+$0xF0]  }
0xbd: {  	v45 =	vadd.s32 v19, v45;
	v5 =	vadd.s32 v36, v42;
	[tilespmem:v7+s15+$0x0] =	vst.idx.msk $0xffff, v3;
	v3 =	vld [tilespmem:s10+$0x130]  }
0xbe: {  	v15 =	vshll.u32 v60, v9;
	v7 =	vadd.s32 v40, v43;
	[tilespmem:v8+s15+$0x0] =	vst.idx.msk $0xffff, v4;
	v4 =	vld [tilespmem:s10+$0x170]  }
0xbf: {  	v1 =	vshll.u32 v1, v9;
	v60 =	vbroadcast v15, $0x0;
	v8 =	vadd.s32 v26, v44;
	[tilespmem:v0+s15+$0x0] =	vst.idx.msk $0xffff, v50;
	v0 =	vld [tilespmem:s10+$0x1B0]  }
0xc0: {  	v42 =	vshrl.u32 v61, $0x3;
	v43 =	vshrl.u32 v53, $0x3;
	v50 =	vld [tilespmem:s10+$0xFFFFFE30];
	v61 =	vadd.s32 v20, v41  }
0xc1: {  	v41 =	vbroadcast v62, $0x0;
	[tilespmem:v52+s15+$0x0] =	vst.idx.msk $0xffff, v51;
	s10 =	sadd.s32 $0x400, s10;
	v53 =	vbroadcast v1, $0x0;
	v1 =	vshll.u32 v63, v9;
	v63 =	vld [tilespmem:$0x1FFE0]  }
0xc2: {  	v44 =	vshrl.u32 v54, $0x3;
	v51 =	vld [tilespmem:s10+$0x1C0];
	v52 =	vadd.s32 v6, v60;
	[tilespmem:v5+s15+$0x0] =	vst.idx.msk $0xffff, v2  }
0xc3: {  	v54 =	vbroadcast v1, $0x0;
	v1 =	vshll.u32 v48, v9;
	v2 =	vld [tilespmem:s10+$0xFFFFFE00];
	v5 =	vadd.s32 v12, v41;
	[tilespmem:v7+s15+$0x0] =	vst.idx.msk $0xffff, v3  }
0xc4: {  	v48 =	vbroadcast v1, $0x0;
	v3 =	vld [tilespmem:s10+$0xFFFFFE40];
	v7 =	vadd.s32 v14, v53;
	[tilespmem:v8+s15+$0x0] =	vst.idx.msk $0xffff, v4  }
0xc5: {  	v47 =	vshll.u32 v47, v9;
	v4 =	vld [tilespmem:s10+$0xFFFFFE80];
	v8 =	vadd.s32 v29, v54;
	[tilespmem:v45+s15+$0x0] =	vst.idx.msk $0xffff, v0  }
0xc6: {  	v1 =	vshll.u32 v46, v9;
	v0 =	vld [tilespmem:s10+$0xFFFFFEC0];
	v45 =	vadd.s32 v33, v48;
	[tilespmem:v61+s15+$0x0] =	vst.idx.msk $0xffff, v50  }
0xc7: {  	v46 =	vbroadcast v1, $0x0;
	v1 =	vshrl.u32 v58, $0x3;
	v58 =	vshrl.u32 v59, $0x3;
	v59 =	vld [tilespmem:s10+$0xFFFFFF00];
	[tilespmem:v52+s15+$0x0] =	vst.idx.msk $0xffff, v51  }
0xc8: {  	v49 =	vshll.u32 v49, v9;
	v47 =	vbroadcast v47, $0x0;
	[tilespmem:v5+s15+$0x0] =	vst.idx.msk $0xffff, v2;
	v5 =	vld [tilespmem:s10+$0x1D0]  }
0xc9: {  	v61 =	vadd.s32 v37, v46;
	v2 =	vshll.u32 v55, v9;
	[tilespmem:v7+s15+$0x0] =	vst.idx.msk $0xffff, v3;
	v3 =	vld [tilespmem:s10+$0xFFFFFF40]  }
0xca: {  	[tilespmem:v8+s15+$0x0] =	vst.idx.msk $0xffff, v4;
	v4 =	vld [tilespmem:s10+$0xFFFFFF80];
	v8 =	vadd.s32 v13, v47;
	v50 =	vbroadcast v2, $0x0;
	v2 =	vshll.u32 v42, v9  }
0xcb: {  	v49 =	vbroadcast v49, $0x0;
	[tilespmem:v45+s15+$0x0] =	vst.idx.msk $0xffff, v0;
	v0 =	vld [tilespmem:s10+$0xFFFFFFC0];
	v51 =	vbroadcast v2, $0x0;
	v2 =	vshll.u32 v43, v9  }
0xcc: {  	v62 =	vadd.s32 v11, v60;
	v52 =	vbroadcast v2, $0x0;
	v2 =	vshrl.u32 v56, $0x3;
	v56 =	vld [tilespmem:s10+$0x0]  }
0xcd: {  	v1 =	vshll.u32 v1, v9;
	v7 =	vadd.s32 v10, v49;
	v45 =	vadd.s32 v6, v50;
	v6 =	vld [tilespmem:$0x1FF70]  }
0xce: {  	[tilespmem:v61+s15+$0x0] =	vst.idx.msk $0xffff, v59;
	v42 =	vbroadcast v1, $0x0;
	v1 =	vshll.u32 v58, v9;
	v59 =	vadd.s32 v12, v51;
	v12 =	vld [tilespmem:s10+$0x40]  }
0xcf: {  	v43 =	vbroadcast v1, $0x0;
	[tilespmem:v8+s15+$0x0] =	vst.idx.msk $0xffff, v4;
	v4 =	vld [tilespmem:s10+$0x80]  }
0xd0: {  	v15 =	vadd.s32 v14, v52;
	v8 =	vld [tilespmem:s10+$0x100]  }
0xd1: {  	[tilespmem:v62+s15+$0x0] =	vst.idx.msk $0xffff, v5;
	v62 =	vadd.s32 v37, v43;
	v14 =	vld [tilespmem:s10+$0x180]  }
0xd2: {  	v57 =	vshrl.u32 v57, $0x3;
	v55 =	vshll.u32 v44, v9;
	[tilespmem:v7+s15+$0x0] =	vst.idx.msk $0xffff, v3;
	v3 =	vld [tilespmem:s10+$0x1E0]  }
0xd3: {  	v55 =	vbroadcast v55, $0x0;
	v1 =	vshll.u32 v2, v9;
	v2 =	vadd.s32 v33, v42;
	[tilespmem:v45+s15+$0x0] =	vst.idx.msk $0xffff, v0;
	v0 =	vld [tilespmem:s10+$0xC0]  }
0xd4: {  	v44 =	vbroadcast v1, $0x0;
	v1 =	vshll.u32 v57, v9;
	v61 =	vld [tilespmem:s10+$0xFFFFFF50];
	v5 =	vadd.s32 v6, v60  }
0xd5: {  	v7 =	vadd.s32 v29, v55;
	v45 =	vbroadcast v1, $0x0;
	v1 =	vld [tilespmem:s10+$0x140];
	[tilespmem:v15+s15+$0x0] =	vst.idx.msk $0xffff, v12  }
0xd6: {  	v12 =	vadd.s32 v10, v44;
	[tilespmem:v62+s15+$0x0] =	vst.idx.msk $0xffff, v8;
	v8 =	vld [tilespmem:s10+$0xFFFFFED0]  }
0xd7: {  	[tilespmem:v59+s15+$0x0] =	vst.idx.msk $0xffff, v56;
	v15 =	vadd.s32 v13, v45;
	v10 =	vld [tilespmem:$0x1FFB0]  }
0xd8: {  	[tilespmem:v2+s15+$0x0] =	vst.idx.msk $0xffff, v0;
	v0 =	vld [tilespmem:s10+$0xFFFFFE90];
	v2 =	vadd.s32 v30, v54  }
0xd9: {  	[tilespmem:v5+s15+$0x0] =	vst.idx.msk $0xffff, v3;
	v5 =	vld [tilespmem:s10+$0xFFFFFE50]  }
0xda: {  	[tilespmem:v7+s15+$0x0] =	vst.idx.msk $0xffff, v4;
	v4 =	vadd.s32 v21, v60;
	v3 =	vld [tilespmem:s10+$0x1F0]  }
0xdb: {  	v7 =	vadd.s32 v22, v53;
	[tilespmem:v12+s15+$0x0] =	vst.idx.msk $0xffff, v1;
	v1 =	vld [tilespmem:s10+$0xFFFFFF10]  }
0xdc: {  	v60 =	vadd.s32 v38, v46;
	[tilespmem:v15+s15+$0x0] =	vst.idx.msk $0xffff, v14;
	v14 =	vld [tilespmem:s10+$0x90]  }
0xdd: {  	v56 =	vadd.s32 v34, v48;
	[tilespmem:v2+s15+$0x0] =	vst.idx.msk $0xffff, v0;
	v0 =	vld [tilespmem:s10+$0xFFFFFFD0]  }
0xde: {  	v62 =	vadd.s32 v10, v49;
	v2 =	vadd.s32 v11, v50;
	v11 =	vld [tilespmem:$0x1FF00]  }
0xdf: {  	[tilespmem:v4+s15+$0x0] =	vst.idx.msk $0xffff, v3;
	v3 =	vld [tilespmem:s10+$0xFFFFFF90];
	v4 =	vadd.s32 v63, v47  }
0xe0: {  	[tilespmem:v7+s15+$0x0] =	vst.idx.msk $0xffff, v5;
	v5 =	vld [tilespmem:s10+$0x10]  }
0xe1: {  	[tilespmem:v60+s15+$0x0] =	vst.idx.msk $0xffff, v1;
	v1 =	vld [tilespmem:s10+$0x50]  }
0xe2: {  	[tilespmem:v56+s15+$0x0] =	vst.idx.msk $0xffff, v8;
	v8 =	vadd.s32 v22, v52;
	v60 =	vld [tilespmem:s10+$0xFFFFFE10]  }
0xe3: {  	[tilespmem:v62+s15+$0x0] =	vst.idx.msk $0xffff, v61;
	v62 =	vld [tilespmem:s10+$0xFFFFFE60];
	v7 =	vadd.s32 v11, v51  }
0xe4: {  	[tilespmem:v4+s15+$0x0] =	vst.idx.msk $0xffff, v3;
	v3 =	vld [tilespmem:s10+$0xD0];
	v4 =	vadd.s32 v34, v42  }
0xe5: {  	[tilespmem:v2+s15+$0x0] =	vst.idx.msk $0xffff, v0;
	v0 =	vld [tilespmem:s10+$0x110];
	v2 =	vadd.s32 v38, v43  }
0xe6: {  	v15 =	vadd.s32 v30, v55;
	v61 =	vadd.s32 v11, v41;
	v11 =	vld [tilespmem:$0x1FFF0]  }
0xe7: {  	[tilespmem:v8+s15+$0x0] =	vst.idx.msk $0xffff, v1;
	v1 =	vld [tilespmem:s10+$0x190];
	v8 =	vadd.s32 v63, v45  }
0xe8: {  	[tilespmem:v7+s15+$0x0] =	vst.idx.msk $0xffff, v5;
	v5 =	vld [tilespmem:s10+$0x150]  }
0xe9: {  	[tilespmem:v4+s15+$0x0] =	vst.idx.msk $0xffff, v3;
	v3 =	vld [tilespmem:s10+$0xFFFFFEA0];
	v4 =	vadd.s32 v31, v54  }
0xea: {  	v7 =	vadd.s32 v10, v44;
	[tilespmem:v2+s15+$0x0] =	vst.idx.msk $0xffff, v0;
	v0 =	vld [tilespmem:s10+$0xFFFFFEE0]  }
0xeb: {  	[tilespmem:v15+s15+$0x0] =	vst.idx.msk $0xffff, v14;
	v63 =	vadd.s32 v27, v53;
	v10 =	vld [tilespmem:$0x1FFD0]  }
0xec: {  	v2 =	vadd.s32 v35, v48;
	[tilespmem:v8+s15+$0x0] =	vst.idx.msk $0xffff, v1;
	v1 =	vld [tilespmem:s10+$0xFFFFFF60]  }
0xed: {  	[tilespmem:v61+s15+$0x0] =	vst.idx.msk $0xffff, v60;
	v8 =	vadd.s32 v11, v49;
	v14 =	vld [tilespmem:s10+$0xE0]  }
0xee: {  	v15 =	vadd.s32 v35, v42;
	[tilespmem:v4+s15+$0x0] =	vst.idx.msk $0xffff, v3;
	v4 =	vadd.s32 v6, v50;
	v6 =	vld [tilespmem:$0x1FF10]  }
0xef: {  	[tilespmem:v7+s15+$0x0] =	vst.idx.msk $0xffff, v5;
	v5 =	vld [tilespmem:s10+$0xFFFFFF20];
	v7 =	vadd.s32 v39, v46  }
0xf0: {  	v12 =	vld [tilespmem:s10+$0xFFFFFFA0];
	[tilespmem:v63+s15+$0x0] =	vst.idx.msk $0xffff, v62;
	v13 =	vadd.s32 v10, v47  }
0xf1: {  	[tilespmem:v2+s15+$0x0] =	vst.idx.msk $0xffff, v0;
	v3 =	vld [tilespmem:s10+$0xFFFFFFE0]  }
0xf2: {  	[tilespmem:v8+s15+$0x0] =	vst.idx.msk $0xffff, v1;
	v1 =	vld [tilespmem:s10+$0xA0];
	v8 =	vadd.s32 v31, v55  }
0xf3: {  	v0 =	vld [tilespmem:s10+$0x20];
	[tilespmem:v15+s15+$0x0] =	vst.idx.msk $0xffff, v14;
	v2 =	vadd.s32 v6, v51  }
0xf4: {  	[tilespmem:v7+s15+$0x0] =	vst.idx.msk $0xffff, v5;
	v5 =	vld [tilespmem:s10+$0x60];
	v7 =	vadd.s32 v27, v52  }
0xf5: {  	v14 =	vld [tilespmem:s10+$0xFFFFFEB0];
	v15 =	vadd.s32 v32, v54;
	[tilespmem:v13+s15+$0x0] =	vst.idx.msk $0xffff, v12  }
0xf6: {  	[tilespmem:v4+s15+$0x0] =	vst.idx.msk $0xffff, v3;
	v3 =	vld [tilespmem:s10+$0x120];
	v4 =	vadd.s32 v39, v43  }
0xf7: {  	v59 =	vld [tilespmem:s10+$0xFFFFFE20];
	v63 =	vmov s11;
	v6 =	vadd.s32 v6, v41;
	[tilespmem:v8+s15+$0x0] =	vst.idx.msk $0xffff, v1  }
0xf8: {  	s14 =	sadd.s32 $0x1, s11;
	s13 =	sadd.s32 $0x2, s11;
	v18 =	vadd.s32 v26, v49;
	v62 =	vshrl.u32 v63, $0x3;
	[tilespmem:v2+s15+$0x0] =	vst.idx.msk $0xffff, v0;
	v0 =	vld [tilespmem:s10+$0x160];
	v2 =	vadd.s32 v11, v44  }
0xf9: {  	v63 =	vmov s14;
	s14 =	sadd.s32 $0x3, s11;
	v8 =	vmov s13;
	s13 =	sadd.s32 $0x4, s11;
	[tilespmem:v7+s15+$0x0] =	vst.idx.msk $0xffff, v5;
	v5 =	vld [tilespmem:s10+$0x1A0];
	v7 =	vadd.s32 v10, v45  }
0xfa: {  	v1 =	vld [tilespmem:s10+$0xFFFFFE70];
	[tilespmem:v15+s15+$0x0] =	vst.idx.msk $0xffff, v14;
	v12 =	vmov s13;
	s13 =	sadd.s32 $0x6, s11;
	v10 =	vmov s14;
	s14 =	sadd.s32 $0x5, s11;
	v11 =	vadd.s32 v28, v53  }
0xfb: {  	v48 =	vadd.s32 v36, v48;
	v16 =	vmov s13;
	s13 =	sadd.s32 $0x8, s11;
	v13 =	vmov s14;
	s14 =	sadd.s32 $0x7, s11;
	[tilespmem:v4+s15+$0x0] =	vst.idx.msk $0xffff, v3;
	v4 =	vld [tilespmem:s10+$0xFFFFFEF0]  }
0xfc: {  	v17 =	vadd.s32 v40, v46;
	v61 =	vmov s13;
	s13 =	sadd.s32 $0xA, s11;
	[tilespmem:v6+s15+$0x0] =	vst.idx.msk $0xffff, v59;
	v6 =	vld [tilespmem:s10+$0xFFFFFF70];
	v60 =	vmov s14;
	s14 =	sadd.s32 $0x9, s11  }
0xfd: {  	p1 =	slt.u32 s11, $0x70;
	v62 =	vshll.u32 v62, v9;
	v54 =	vmov s13;
	s13 =	sadd.s32 $0xC, s11;
	v53 =	vmov s14;
	s14 =	sadd.s32 $0xB, s11;
	[tilespmem:v2+s15+$0x0] =	vst.idx.msk $0xffff, v0;
	v0 =	vld [tilespmem:s10+$0xFFFFFF30]  }
.Ltmp0:
0xfe: {  	v46 =	vshrl.u32 v12, $0x3;
	v3 =	vld [tilespmem:s10+$0xFFFFFFF0];
	v59 =	vmov s13;
	v58 =	vmov s14;
	s14 =	sadd.s32 $0xD, s11;
	[tilespmem:v7+s15+$0x0] =	vst.idx.msk $0xffff, v5;
	(pc) =	sbr.rel @p1 .LBB2_3-.Ltmp0, $4  }
0xff: {  	v49 =	vshrl.u32 v13, $0x3;
	v56 =	vmov s14;
	s14 =	sadd.s32 $0xE, s11;
	v7 =	vadd.s32 v21, v50;
	v50 =	vld [tilespmem:s10+$0x70];
	[tilespmem:v11+s15+$0x0] =	vst.idx.msk $0xffff, v1  }
0x100: {  	v5 =	vadd.s32 v19, v47;
	v47 =	vshrl.u32 v16, $0x3;
	v2 =	vld [tilespmem:s10+$0xFFFFFFB0];
	v57 =	vmov s14;
	[tilespmem:v48+s15+$0x0] =	vst.idx.msk $0xffff, v4  }
0x101: {  	v1 =	vshrl.u32 v63, $0x3;
	v63 =	vshrl.u32 v8, $0x3;
	v4 =	vld [tilespmem:s10+$0x30];
	v8 =	vadd.s32 v20, v51;
	[tilespmem:v18+s15+$0x0] =	vst.idx.msk $0xffff, v6  }
0x102: {  	s13 =	sadd.s32 $0xF, s11;
	s11 =	sadd.s32 $0x10, s11;
	v48 =	vshrl.u32 v10, $0x3;
	v51 =	vld [tilespmem:s10+$0xB0];
	[tilespmem:v17+s15+$0x0] =	vst.idx.msk $0xffff, v0;
	v0 =	vadd.s32 v28, v52;
	v52 =	vadd.s32 v32, v55  }
0x103: {  	_ =	sdelay $0x3  }
0x104: {  	[tilespmem:v5+s15+$0x0] =	vst.idx.msk $0xffff, v2;
	v2 =	vld [tilespmem:s10+$0xF0];
	v5 =	vadd.s32 v36, v42  }
0x105: {  	[tilespmem:v7+s15+$0x0] =	vst.idx.msk $0xffff, v3;
	v3 =	vld [tilespmem:s10+$0x130];
	v7 =	vadd.s32 v40, v43  }
0x106: {  	[tilespmem:v0+s15+$0x0] =	vst.idx.msk $0xffff, v50  }
0x107: {  	[tilespmem:v8+s15+$0x0] =	vst.idx.msk $0xffff, v4  }
0x108: {  	v12 =	vshrl.u32 v53, $0x3;
	v53 =	vld [tilespmem:s10+$0x170];
	[tilespmem:v52+s15+$0x0] =	vst.idx.msk $0xffff, v51  }
0x109: {  	v6 =	vmov s13;
	v42 =	vbroadcast v62, $0x0;
	v62 =	vld [tilespmem:$0x1FF60];
	[tilespmem:v5+s15+$0x0] =	vst.idx.msk $0xffff, v2  }
0x10a: {  	v6 =	vshrl.u32 v6, $0x3;
	v21 =	vld [tilespmem:$0x1FF30];
	[tilespmem:v7+s15+$0x0] =	vst.idx.msk $0xffff, v3  }
0x10b: {  	v6 =	vshll.u32 v6, v9;
	v8 =	vadd.s32 v26, v44;
	v23 =	vld [tilespmem:$0x1FF20]  }
0x10c: {  	v13 =	vshrl.u32 v54, $0x3;
	v54 =	vld [tilespmem:s10+$0x1B0];
	v14 =	vadd.s32 v19, v45;
	v6 =	vbroadcast v6, $0x0  }
0x10d: {  	v1 =	vshll.u32 v1, v9;
	v15 =	vld [tilespmem:s10+$0xFFFFFE30];
	v16 =	vadd.s32 v20, v41;
	s11 =	sadd.s32 $0x400, s10  }
0x10e: {  	v41 =	vbroadcast v1, $0x0;
	v17 =	vld [tilespmem:s11+$0x1C0];
	v18 =	vadd.s32 v62, v6  }
0x10f: {  	v2 =	vld [tilespmem:s11+$0xFFFFFE00];
	v5 =	vadd.s32 v21, v42  }
0x110: {  	v11 =	vshrl.u32 v61, $0x3;
	v55 =	vshll.u32 v63, v9;
	v61 =	vld [tilespmem:s11+$0xFFFFFE40];
	[tilespmem:v8+s15+$0x0] =	vst.idx.msk $0xffff, v53;
	v63 =	vadd.s32 v23, v41  }
0x111: {  	[tilespmem:v14+s15+$0x0] =	vst.idx.msk $0xffff, v54  }
0x112: {  	[tilespmem:v16+s15+$0x0] =	vst.idx.msk $0xffff, v15  }
0x113: {  	v43 =	vbroadcast v55, $0x0;
	[tilespmem:v18+s15+$0x0] =	vst.idx.msk $0xffff, v17  }
0x114: {  	v10 =	vshrl.u32 v60, $0x3;
	v4 =	vld [tilespmem:s11+$0xFFFFFE80];
	[tilespmem:v5+s15+$0x0] =	vst.idx.msk $0xffff, v2  }
0x115: {  	v60 =	vshll.u32 v48, v9;
	v1 =	vshrl.u32 v58, $0x3;
	v8 =	vadd.s32 v29, v43;
	v58 =	vld [tilespmem:$0x1FF90];
	[tilespmem:v63+s15+$0x0] =	vst.idx.msk $0xffff, v61  }
0x116: {  	v48 =	vshll.u32 v46, v9;
	v44 =	vbroadcast v60, $0x0;
	v61 =	vld [tilespmem:$0x1FF80]  }
0x117: {  	v45 =	vbroadcast v48, $0x0;
	v0 =	vld [tilespmem:s11+$0xFFFFFEC0]  }
0x118: {  	v50 =	vshll.u32 v49, v9;
	v3 =	vld [tilespmem:s11+$0xFFFFFF40];
	v14 =	vadd.s32 v33, v44  }
0x119: {  	v46 =	vbroadcast v50, $0x0;
	v15 =	vld [tilespmem:s11+$0xFFFFFF00];
	v16 =	vadd.s32 v37, v45  }
0x11a: {  	v52 =	vshll.u32 v10, v9;
	v5 =	vld [tilespmem:s11+$0x1D0];
	[tilespmem:v8+s15+$0x0] =	vst.idx.msk $0xffff, v4;
	v10 =	vadd.s32 v58, v6  }
0x11b: {  	v53 =	vshrl.u32 v59, $0x3;
	v59 =	vld [tilespmem:$0x1FFC0];
	v7 =	vadd.s32 v61, v46;
	_ =	sdelay $0x1  }
0x11c: {  	v47 =	vshll.u32 v47, v9;
	[tilespmem:v14+s15+$0x0] =	vst.idx.msk $0xffff, v0  }
0x11d: {  	v47 =	vbroadcast v47, $0x0;
	[tilespmem:v16+s15+$0x0] =	vst.idx.msk $0xffff, v15  }
0x11e: {  	[tilespmem:v10+s15+$0x0] =	vst.idx.msk $0xffff, v5  }
0x11f: {  	v48 =	vbroadcast v52, $0x0;
	v54 =	vshll.u32 v11, v9;
	v4 =	vld [tilespmem:s11+$0xFFFFFF80];
	v8 =	vadd.s32 v59, v47;
	[tilespmem:v7+s15+$0x0] =	vst.idx.msk $0xffff, v3  }
0x120: {  	v55 =	vshll.u32 v12, v9;
	v49 =	vbroadcast v54, $0x0;
	v18 =	vld [tilespmem:$0x1FF70]  }
0x121: {  	v13 =	vshll.u32 v13, v9;
	v50 =	vbroadcast v55, $0x0;
	v11 =	vadd.s32 v62, v48;
	v0 =	vld [tilespmem:s11+$0xFFFFFFC0]  }
0x122: {  	v12 =	vld [tilespmem:s11+$0x0];
	v51 =	vbroadcast v13, $0x0;
	v60 =	vadd.s32 v21, v49  }
0x123: {  	v17 =	vadd.s32 v23, v50;
	v16 =	vld [tilespmem:s11+$0x40]  }
0x124: {  	v7 =	vadd.s32 v29, v51;
	[tilespmem:v8+s15+$0x0] =	vst.idx.msk $0xffff, v4;
	v4 =	vld [tilespmem:s11+$0x80]  }
0x125: {  	v3 =	vld [tilespmem:s11+$0x1E0];
	v5 =	vadd.s32 v18, v6  }
0x126: {  	[tilespmem:v11+s15+$0x0] =	vst.idx.msk $0xffff, v0  }
0x127: {  	v1 =	vshll.u32 v1, v9;
	[tilespmem:v60+s15+$0x0] =	vst.idx.msk $0xffff, v12  }
0x128: {  	v56 =	vshrl.u32 v56, $0x3;
	v52 =	vbroadcast v1, $0x0;
	v55 =	vshll.u32 v53, v9;
	[tilespmem:v17+s15+$0x0] =	vst.idx.msk $0xffff, v16  }
0x129: {  	v56 =	vshll.u32 v56, v9;
	v53 =	vbroadcast v55, $0x0;
	v63 =	vshrl.u32 v57, $0x3;
	v0 =	vld [tilespmem:s11+$0xC0];
	[tilespmem:v7+s15+$0x0] =	vst.idx.msk $0xffff, v4  }
0x12a: {  	v54 =	vbroadcast v56, $0x0;
	v2 =	vadd.s32 v33, v52;
	v57 =	vshll.u32 v63, v9;
	v8 =	vld [tilespmem:s11+$0x100];
	[tilespmem:v5+s15+$0x0] =	vst.idx.msk $0xffff, v3  }
0x12b: {  	v55 =	vbroadcast v57, $0x0;
	v10 =	vadd.s32 v37, v53;
	v14 =	vld [tilespmem:$0x1FFA0]  }
0x12c: {  	v1 =	vld [tilespmem:s11+$0x140];
	v11 =	vadd.s32 v61, v54  }
0x12d: {  	v63 =	vadd.s32 v59, v55;
	v60 =	vld [tilespmem:s11+$0x180];
	_ =	sdelay $0x1  }
0x12e: {  	v56 =	vadd.s32 v22, v41;
	v5 =	vld [tilespmem:s11+$0xFFFFFE50];
	[tilespmem:v2+s15+$0x0] =	vst.idx.msk $0xffff, v0  }
0x12f: {  	v3 =	vld [tilespmem:s11+$0x1F0];
	[tilespmem:v10+s15+$0x0] =	vst.idx.msk $0xffff, v8;
	v4 =	vadd.s32 v14, v6  }
0x130: {  	v57 =	vadd.s32 v30, v43;
	v0 =	vld [tilespmem:s11+$0xFFFFFE90];
	[tilespmem:v11+s15+$0x0] =	vst.idx.msk $0xffff, v1  }
0x131: {  	v7 =	vld [tilespmem:s11+$0xFFFFFED0];
	v8 =	vadd.s32 v34, v44;
	[tilespmem:v63+s15+$0x0] =	vst.idx.msk $0xffff, v60  }
0x132: {  	v63 =	vld [tilespmem:$0x1FFB0]  }
0x133: {  	[tilespmem:v56+s15+$0x0] =	vst.idx.msk $0xffff, v5  }
0x134: {  	v1 =	vld [tilespmem:s11+$0xFFFFFF10];
	v10 =	vadd.s32 v38, v45;
	[tilespmem:v4+s15+$0x0] =	vst.idx.msk $0xffff, v3  }
0x135: {  	v15 =	vld [tilespmem:$0x1FFE0];
	[tilespmem:v57+s15+$0x0] =	vst.idx.msk $0xffff, v0  }
0x136: {  	v11 =	vld [tilespmem:s11+$0xFFFFFF50];
	[tilespmem:v8+s15+$0x0] =	vst.idx.msk $0xffff, v7  }
0x137: {  	v12 =	vadd.s32 v63, v46;
	v13 =	vld [tilespmem:$0x1FF00]  }
0x138: {  	v60 =	vadd.s32 v58, v48;
	v57 =	vld [tilespmem:s11+$0xFFFFFFD0]  }
0x139: {  	v7 =	vadd.s32 v22, v50;
	[tilespmem:v10+s15+$0x0] =	vst.idx.msk $0xffff, v1;
	v1 =	vld [tilespmem:s11+$0x50]  }
0x13a: {  	v3 =	vld [tilespmem:s11+$0xFFFFFF90];
	v56 =	vadd.s32 v15, v47  }
0x13b: {  	v8 =	vld [tilespmem:s11+$0x90];
	v10 =	vadd.s32 v30, v51  }
0x13c: {  	v5 =	vld [tilespmem:s11+$0x10];
	[tilespmem:v12+s15+$0x0] =	vst.idx.msk $0xffff, v11;
	v6 =	vadd.s32 v13, v49  }
0x13d: {  	[tilespmem:v60+s15+$0x0] =	vst.idx.msk $0xffff, v57;
	v57 =	vld [tilespmem:s11+$0x110];
	v60 =	vadd.s32 v38, v53  }
0x13e: {  	[tilespmem:v7+s15+$0x0] =	vst.idx.msk $0xffff, v1;
	v1 =	vld [tilespmem:s11+$0x190];
	v7 =	vadd.s32 v15, v55  }
0x13f: {  	[tilespmem:v56+s15+$0x0] =	vst.idx.msk $0xffff, v3;
	v3 =	vld [tilespmem:s11+$0xD0];
	v56 =	vadd.s32 v34, v52  }
0x140: {  	v11 =	vld [tilespmem:s11+$0xFFFFFE10];
	v12 =	vadd.s32 v13, v42;
	[tilespmem:v10+s15+$0x0] =	vst.idx.msk $0xffff, v8  }
0x141: {  	[tilespmem:v6+s15+$0x0] =	vst.idx.msk $0xffff, v5;
	v5 =	vld [tilespmem:s11+$0x150];
	v6 =	vadd.s32 v63, v54  }
0x142: {  	v8 =	vld [tilespmem:s11+$0xFFFFFE60];
	v10 =	vadd.s32 v27, v41;
	[tilespmem:v60+s15+$0x0] =	vst.idx.msk $0xffff, v57  }
0x143: {  	v57 =	vld [tilespmem:s11+$0xFFFFFEE0];
	v60 =	vadd.s32 v35, v44;
	[tilespmem:v7+s15+$0x0] =	vst.idx.msk $0xffff, v1  }
0x144: {  	[tilespmem:v56+s15+$0x0] =	vst.idx.msk $0xffff, v3;
	v3 =	vld [tilespmem:s11+$0xFFFFFEA0];
	v56 =	vadd.s32 v31, v43  }
0x145: {  	[tilespmem:v12+s15+$0x0] =	vst.idx.msk $0xffff, v11  }
0x146: {  	[tilespmem:v6+s15+$0x0] =	vst.idx.msk $0xffff, v5;
	v5 =	vld [tilespmem:s11+$0xFFFFFF20];
	v6 =	vadd.s32 v39, v45  }
0x147: {  	v16 =	vld [tilespmem:$0x1FFF0];
	[tilespmem:v10+s15+$0x0] =	vst.idx.msk $0xffff, v8  }
0x148: {  	v13 =	vld [tilespmem:$0x1FFD0];
	[tilespmem:v60+s15+$0x0] =	vst.idx.msk $0xffff, v57  }
0x149: {  	[tilespmem:v56+s15+$0x0] =	vst.idx.msk $0xffff, v3;
	v3 =	vld [tilespmem:s11+$0xFFFFFFE0];
	v56 =	vadd.s32 v18, v48  }
0x14a: {  	v12 =	vld [tilespmem:$0x1FF10]  }
0x14b: {  	[tilespmem:v6+s15+$0x0] =	vst.idx.msk $0xffff, v5;
	v5 =	vld [tilespmem:s11+$0x60];
	v6 =	vadd.s32 v27, v50  }
0x14c: {  	v1 =	vld [tilespmem:s11+$0xFFFFFF60];
	v7 =	vadd.s32 v16, v46  }
0x14d: {  	v8 =	vld [tilespmem:s11+$0xFFFFFFA0];
	v10 =	vadd.s32 v13, v47  }
0x14e: {  	[tilespmem:v56+s15+$0x0] =	vst.idx.msk $0xffff, v3;
	v3 =	vld [tilespmem:s11+$0x120];
	v56 =	vadd.s32 v39, v53  }
0x14f: {  	v57 =	vld [tilespmem:s11+$0x20];
	v60 =	vadd.s32 v12, v49  }
0x150: {  	[tilespmem:v6+s15+$0x0] =	vst.idx.msk $0xffff, v5;
	v5 =	vld [tilespmem:s11+$0x1A0];
	v6 =	vadd.s32 v13, v55  }
0x151: {  	[tilespmem:v7+s15+$0x0] =	vst.idx.msk $0xffff, v1;
	v1 =	vld [tilespmem:s11+$0xA0];
	v7 =	vadd.s32 v31, v51  }
0x152: {  	[tilespmem:v10+s15+$0x0] =	vst.idx.msk $0xffff, v8;
	v8 =	vld [tilespmem:s11+$0xE0];
	v10 =	vadd.s32 v35, v52  }
0x153: {  	v11 =	vld [tilespmem:s11+$0xFFFFFE20];
	v12 =	vadd.s32 v12, v42;
	[tilespmem:v56+s15+$0x0] =	vst.idx.msk $0xffff, v3  }
0x154: {  	v3 =	vld [tilespmem:s11+$0xFFFFFEF0];
	v56 =	vadd.s32 v36, v44;
	[tilespmem:v60+s15+$0x0] =	vst.idx.msk $0xffff, v57  }
0x155: {  	v57 =	vld [tilespmem:s11+$0x160];
	v60 =	vadd.s32 v16, v54;
	[tilespmem:v6+s15+$0x0] =	vst.idx.msk $0xffff, v5  }
0x156: {  	[tilespmem:v7+s15+$0x0] =	vst.idx.msk $0xffff, v1;
	v1 =	vld [tilespmem:s11+$0xFFFFFE70];
	v7 =	vadd.s32 v28, v41  }
0x157: {  	[tilespmem:v10+s15+$0x0] =	vst.idx.msk $0xffff, v8;
	v8 =	vld [tilespmem:s11+$0xFFFFFEB0];
	v10 =	vadd.s32 v32, v43  }
0x158: {  	[tilespmem:v12+s15+$0x0] =	vst.idx.msk $0xffff, v11;
	v12 =	vld [tilespmem:s11+$0xFFFFFF70];
	v41 =	vadd.s32 v26, v46  }
0x159: {  	v44 =	vadd.s32 v19, v47;
	v43 =	vld [tilespmem:s11+$0xFFFFFFB0];
	[tilespmem:v56+s15+$0x0] =	vst.idx.msk $0xffff, v3  }
0x15a: {  	[tilespmem:v60+s15+$0x0] =	vst.idx.msk $0xffff, v57;
	v57 =	vld [tilespmem:s11+$0xFFFFFF30];
	v60 =	vadd.s32 v40, v45  }
0x15b: {  	v46 =	vadd.s32 v20, v49;
	v45 =	vld [tilespmem:s11+$0x30];
	[tilespmem:v7+s15+$0x0] =	vst.idx.msk $0xffff, v1  }
0x15c: {  	[tilespmem:v10+s15+$0x0] =	vst.idx.msk $0xffff, v8;
	v8 =	vld [tilespmem:s11+$0xFFFFFFF0];
	v10 =	vadd.s32 v14, v48  }
0x15d: {  	v47 =	vld [tilespmem:s11+$0x70];
	[tilespmem:v41+s15+$0x0] =	vst.idx.msk $0xffff, v12;
	v48 =	vadd.s32 v28, v50  }
0x15e: {  	v49 =	vld [tilespmem:s11+$0xB0];
	v50 =	vadd.s32 v32, v51;
	[tilespmem:v44+s15+$0x0] =	vst.idx.msk $0xffff, v43  }
0x15f: {  	v52 =	vadd.s32 v36, v52;
	v51 =	vld [tilespmem:s11+$0xF0];
	[tilespmem:v60+s15+$0x0] =	vst.idx.msk $0xffff, v57  }
0x160: {  	v56 =	vld [tilespmem:s11+$0x1B0];
	[tilespmem:v46+s15+$0x0] =	vst.idx.msk $0xffff, v45;
	v57 =	vadd.s32 v19, v55  }
0x161: {  	v11 =	vld [tilespmem:s11+$0xFFFFFE30];
	v60 =	vadd.s32 v20, v42;
	[tilespmem:v10+s15+$0x0] =	vst.idx.msk $0xffff, v8  }
0x162: {  	v8 =	vld [tilespmem:s11+$0x130];
	v10 =	vadd.s32 v40, v53;
	[tilespmem:v48+s15+$0x0] =	vst.idx.msk $0xffff, v47  }
0x163: {  	v54 =	vadd.s32 v26, v54;
	v53 =	vld [tilespmem:s11+$0x170];
	[tilespmem:v50+s15+$0x0] =	vst.idx.msk $0xffff, v49  }
0x164: {  	s7 =	sadd.s32 s6, s7;
	[tilespmem:v52+s15+$0x0] =	vst.idx.msk $0xffff, v51  }
0x165: {  	s13 =	sshll.u32 s31, $0x14;
	s7 =	sshll.u32 s7, $0xA;
	[tilespmem:v57+s15+$0x0] =	vst.idx.msk $0xffff, v56  }
0x166: {  	s7 =	sadd.s32 s13, s7;
	[tilespmem:v60+s15+$0x0] =	vst.idx.msk $0xffff, v11  }
0x167: {  	s10 =	sshrl.u32 s7, $0x3;
	[tilespmem:v10+s15+$0x0] =	vst.idx.msk $0xffff, v8  }
0x168: {  	s10 =	sadd.s32 s2, s10;
	[tilespmem:v54+s15+$0x0] =	vst.idx.msk $0xffff, v53  }
0x169: {  	[hbm4b:s10+s3] =	stream.linear.scatter [tilespmem:s15], [sflag:$0x3], $0x80, $0x38;
	[tilespmem:$0xE900] =	vst v63  }
0x16a: {  	s14 =	simm.s32 $0xA588;
	s11 =	sadd.s32 $0x10, s10  }
0x16b: {  	[hbm4b:s11+s3] =	stream.linear.scatter [tilespmem:s14], [sflag:$0x3], $0x80, $0x38;
	[tilespmem:$0xE900] =	vst v63  }
0x16c: {  	s13 =	sadd.s32 $0x20, s10;
	s14 =	simm.s32 $0xA610  }
0x16d: {  	[hbm4b:s13+s3] =	stream.linear.scatter [tilespmem:s14], [sflag:$0x3], $0x80, $0x38;
	[tilespmem:$0xE900] =	vst v63  }
0x16e: {  	s13 =	sadd.s32 $0x30, s10;
	s14 =	simm.s32 $0xA698  }
0x16f: {  	[hbm4b:s13+s3] =	stream.linear.scatter [tilespmem:s14], [sflag:$0x3], $0x80, $0x38;
	[tilespmem:$0xE900] =	vst v63  }
0x170: {  	s13 =	sadd.s32 $0x40, s10;
	s14 =	simm.s32 $0xA720  }
0x171: {  	[hbm4b:s13+s3] =	stream.linear.scatter [tilespmem:s14], [sflag:$0x3], $0x80, $0x38;
	[tilespmem:$0xE900] =	vst v63  }
0x172: {  	s13 =	sadd.s32 $0x50, s10;
	s14 =	simm.s32 $0xA7A8  }
0x173: {  	[hbm4b:s13+s3] =	stream.linear.scatter [tilespmem:s14], [sflag:$0x3], $0x80, $0x38;
	[tilespmem:$0xE900] =	vst v63  }
0x174: {  	s13 =	sadd.s32 $0x60, s10;
	s14 =	simm.s32 $0xA830  }
0x175: {  	[hbm4b:s13+s3] =	stream.linear.scatter [tilespmem:s14], [sflag:$0x3], $0x80, $0x38;
	[tilespmem:$0xE900] =	vst v63  }
0x176: {  	s10 =	sadd.s32 $0x70, s10;
	s14 =	simm.s32 $0xA8B8;
	s13 =	sadd.s32 $0x20000, s7  }
0x177: {  	[hbm4b:s10+s3] =	stream.linear.scatter [tilespmem:s14], [sflag:$0x3], $0x80, $0x38;
	[tilespmem:$0xE900] =	vst v63  }
0x178: {  	s10 =	sshrl.u32 s13, $0x3  }
0x179: {  	s14 =	simm.s32 $0xA940;
	s10 =	sadd.s32 s2, s10  }
0x17a: {  	[hbm4b:s10+s3] =	stream.linear.scatter [tilespmem:s14], [sflag:$0x3], $0x80, $0x38;
	[tilespmem:$0xE900] =	vst v63  }
0x17b: {  	s13 =	sadd.s32 $0x10, s10;
	s14 =	simm.s32 $0xA9C8  }
0x17c: {  	[hbm4b:s13+s3] =	stream.linear.scatter [tilespmem:s14], [sflag:$0x3], $0x80, $0x38;
	[tilespmem:$0xE900] =	vst v63  }
0x17d: {  	s13 =	sadd.s32 $0x20, s10;
	s14 =	simm.s32 $0xAA50  }
0x17e: {  	[hbm4b:s13+s3] =	stream.linear.scatter [tilespmem:s14], [sflag:$0x3], $0x80, $0x38;
	[tilespmem:$0xE900] =	vst v63  }
0x17f: {  	s13 =	sadd.s32 $0x30, s10;
	s14 =	simm.s32 $0xAAD8  }
0x180: {  	[hbm4b:s13+s3] =	stream.linear.scatter [tilespmem:s14], [sflag:$0x3], $0x80, $0x38;
	[tilespmem:$0xE900] =	vst v63  }
0x181: {  	s13 =	sadd.s32 $0x40, s10;
	s14 =	simm.s32 $0xAB60  }
0x182: {  	[hbm4b:s13+s3] =	stream.linear.scatter [tilespmem:s14], [sflag:$0x3], $0x80, $0x38;
	[tilespmem:$0xE900] =	vst v63  }
0x183: {  	s13 =	sadd.s32 $0x50, s10;
	s14 =	simm.s32 $0xABE8  }
0x184: {  	[hbm4b:s13+s3] =	stream.linear.scatter [tilespmem:s14], [sflag:$0x3], $0x80, $0x38;
	[tilespmem:$0xE900] =	vst v63  }
0x185: {  	s13 =	sadd.s32 $0x60, s10;
	s14 =	simm.s32 $0xAC70  }
0x186: {  	[hbm4b:s13+s3] =	stream.linear.scatter [tilespmem:s14], [sflag:$0x3], $0x80, $0x38;
	[tilespmem:$0xE900] =	vst v63  }
0x187: {  	s10 =	sadd.s32 $0x70, s10;
	s14 =	simm.s32 $0xACF8;
	s13 =	sadd.s32 $0x40000, s7  }
0x188: {  	[hbm4b:s10+s3] =	stream.linear.scatter [tilespmem:s14], [sflag:$0x3], $0x80, $0x38;
	[tilespmem:$0xE900] =	vst v63  }
0x189: {  	s10 =	sshrl.u32 s13, $0x3  }
0x18a: {  	s14 =	simm.s32 $0xAD80;
	s10 =	sadd.s32 s2, s10  }
0x18b: {  	[hbm4b:s10+s3] =	stream.linear.scatter [tilespmem:s14], [sflag:$0x3], $0x80, $0x38;
	[tilespmem:$0xE900] =	vst v63  }
0x18c: {  	s13 =	sadd.s32 $0x10, s10;
	s14 =	simm.s32 $0xAE08  }
0x18d: {  	[hbm4b:s13+s3] =	stream.linear.scatter [tilespmem:s14], [sflag:$0x3], $0x80, $0x38;
	[tilespmem:$0xE900] =	vst v63  }
0x18e: {  	s13 =	sadd.s32 $0x20, s10;
	s14 =	simm.s32 $0xAE90  }
0x18f: {  	[hbm4b:s13+s3] =	stream.linear.scatter [tilespmem:s14], [sflag:$0x3], $0x80, $0x38;
	[tilespmem:$0xE900] =	vst v63  }
0x190: {  	s13 =	sadd.s32 $0x30, s10;
	s14 =	simm.s32 $0xAF18  }
0x191: {  	[hbm4b:s13+s3] =	stream.linear.scatter [tilespmem:s14], [sflag:$0x3], $0x80, $0x38;
	[tilespmem:$0xE900] =	vst v63  }
0x192: {  	s13 =	sadd.s32 $0x40, s10;
	s14 =	simm.s32 $0xAFA0  }
0x193: {  	[hbm4b:s13+s3] =	stream.linear.scatter [tilespmem:s14], [sflag:$0x3], $0x80, $0x38;
	[tilespmem:$0xE900] =	vst v63  }
0x194: {  	s13 =	sadd.s32 $0x50, s10;
	s14 =	simm.s32 $0xB028  }
0x195: {  	[hbm4b:s13+s3] =	stream.linear.scatter [tilespmem:s14], [sflag:$0x3], $0x80, $0x38;
	[tilespmem:$0xE900] =	vst v63  }
0x196: {  	s13 =	sadd.s32 $0x60, s10;
	s14 =	simm.s32 $0xB0B0  }
0x197: {  	[hbm4b:s13+s3] =	stream.linear.scatter [tilespmem:s14], [sflag:$0x3], $0x80, $0x38;
	[tilespmem:$0xE900] =	vst v63  }
0x198: {  	s10 =	sadd.s32 $0x70, s10;
	s14 =	simm.s32 $0xB138;
	s13 =	sadd.s32 $0x60000, s7  }
0x199: {  	[hbm4b:s10+s3] =	stream.linear.scatter [tilespmem:s14], [sflag:$0x3], $0x80, $0x38;
	[tilespmem:$0xE900] =	vst v63  }
0x19a: {  	s10 =	sshrl.u32 s13, $0x3  }
0x19b: {  	s14 =	simm.s32 $0xB1C0;
	s10 =	sadd.s32 s2, s10  }
0x19c: {  	[hbm4b:s10+s3] =	stream.linear.scatter [tilespmem:s14], [sflag:$0x3], $0x80, $0x38;
	[tilespmem:$0xE900] =	vst v63  }
0x19d: {  	s13 =	sadd.s32 $0x10, s10;
	s14 =	simm.s32 $0xB248  }
0x19e: {  	[hbm4b:s13+s3] =	stream.linear.scatter [tilespmem:s14], [sflag:$0x3], $0x80, $0x38;
	[tilespmem:$0xE900] =	vst v63  }
0x19f: {  	s13 =	sadd.s32 $0x20, s10;
	s14 =	simm.s32 $0xB2D0  }
0x1a0: {  	[hbm4b:s13+s3] =	stream.linear.scatter [tilespmem:s14], [sflag:$0x3], $0x80, $0x38;
	[tilespmem:$0xE900] =	vst v63  }
0x1a1: {  	s13 =	sadd.s32 $0x30, s10;
	s14 =	simm.s32 $0xB358  }
0x1a2: {  	[hbm4b:s13+s3] =	stream.linear.scatter [tilespmem:s14], [sflag:$0x3], $0x80, $0x38;
	[tilespmem:$0xE900] =	vst v63  }
0x1a3: {  	s13 =	sadd.s32 $0x40, s10;
	s14 =	simm.s32 $0xB3E0  }
0x1a4: {  	[hbm4b:s13+s3] =	stream.linear.scatter [tilespmem:s14], [sflag:$0x3], $0x80, $0x38;
	[tilespmem:$0xE900] =	vst v63  }
0x1a5: {  	s13 =	sadd.s32 $0x50, s10;
	s14 =	simm.s32 $0xB468  }
0x1a6: {  	[hbm4b:s13+s3] =	stream.linear.scatter [tilespmem:s14], [sflag:$0x3], $0x80, $0x38;
	[tilespmem:$0xE900] =	vst v63  }
0x1a7: {  	s13 =	sadd.s32 $0x60, s10;
	s14 =	simm.s32 $0xB4F0  }
0x1a8: {  	[hbm4b:s13+s3] =	stream.linear.scatter [tilespmem:s14], [sflag:$0x3], $0x80, $0x38;
	[tilespmem:$0xE900] =	vst v63  }
0x1a9: {  	s10 =	sadd.s32 $0x70, s10;
	s14 =	simm.s32 $0xB578;
	s13 =	sadd.s32 $0x80000, s7  }
0x1aa: {  	[hbm4b:s10+s3] =	stream.linear.scatter [tilespmem:s14], [sflag:$0x3], $0x80, $0x38;
	[tilespmem:$0xE900] =	vst v63  }
0x1ab: {  	s10 =	sshrl.u32 s13, $0x3  }
0x1ac: {  	s14 =	simm.s32 $0xB600;
	s10 =	sadd.s32 s2, s10  }
0x1ad: {  	[hbm4b:s10+s3] =	stream.linear.scatter [tilespmem:s14], [sflag:$0x3], $0x80, $0x38;
	[tilespmem:$0xE900] =	vst v63  }
0x1ae: {  	s13 =	sadd.s32 $0x10, s10;
	s14 =	simm.s32 $0xB688  }
0x1af: {  	[hbm4b:s13+s3] =	stream.linear.scatter [tilespmem:s14], [sflag:$0x3], $0x80, $0x38;
	[tilespmem:$0xE900] =	vst v63  }
0x1b0: {  	s13 =	sadd.s32 $0x20, s10;
	s14 =	simm.s32 $0xB710  }
0x1b1: {  	[hbm4b:s13+s3] =	stream.linear.scatter [tilespmem:s14], [sflag:$0x3], $0x80, $0x38;
	[tilespmem:$0xE900] =	vst v63  }
0x1b2: {  	s13 =	sadd.s32 $0x30, s10;
	s14 =	simm.s32 $0xB798  }
0x1b3: {  	[hbm4b:s13+s3] =	stream.linear.scatter [tilespmem:s14], [sflag:$0x3], $0x80, $0x38;
	[tilespmem:$0xE900] =	vst v63  }
0x1b4: {  	s13 =	sadd.s32 $0x40, s10;
	s14 =	simm.s32 $0xB820  }
0x1b5: {  	[hbm4b:s13+s3] =	stream.linear.scatter [tilespmem:s14], [sflag:$0x3], $0x80, $0x38;
	[tilespmem:$0xE900] =	vst v63  }
0x1b6: {  	s13 =	sadd.s32 $0x50, s10;
	s14 =	simm.s32 $0xB8A8  }
0x1b7: {  	[hbm4b:s13+s3] =	stream.linear.scatter [tilespmem:s14], [sflag:$0x3], $0x80, $0x38;
	[tilespmem:$0xE900] =	vst v63  }
0x1b8: {  	s13 =	sadd.s32 $0x60, s10;
	s14 =	simm.s32 $0xB930  }
0x1b9: {  	[hbm4b:s13+s3] =	stream.linear.scatter [tilespmem:s14], [sflag:$0x3], $0x80, $0x38;
	[tilespmem:$0xE900] =	vst v63  }
0x1ba: {  	s10 =	sadd.s32 $0x70, s10;
	s14 =	simm.s32 $0xB9B8;
	s13 =	sadd.s32 $0xA0000, s7  }
0x1bb: {  	[hbm4b:s10+s3] =	stream.linear.scatter [tilespmem:s14], [sflag:$0x3], $0x80, $0x38;
	[tilespmem:$0xE900] =	vst v63  }
0x1bc: {  	s10 =	sshrl.u32 s13, $0x3  }
0x1bd: {  	s14 =	simm.s32 $0xBA40;
	s10 =	sadd.s32 s2, s10  }
0x1be: {  	[hbm4b:s10+s3] =	stream.linear.scatter [tilespmem:s14], [sflag:$0x3], $0x80, $0x38;
	[tilespmem:$0xE900] =	vst v63  }
0x1bf: {  	s13 =	sadd.s32 $0x10, s10;
	s14 =	simm.s32 $0xBAC8  }
0x1c0: {  	[hbm4b:s13+s3] =	stream.linear.scatter [tilespmem:s14], [sflag:$0x3], $0x80, $0x38;
	[tilespmem:$0xE900] =	vst v63  }
0x1c1: {  	s13 =	sadd.s32 $0x20, s10;
	s14 =	simm.s32 $0xBB50  }
0x1c2: {  	[hbm4b:s13+s3] =	stream.linear.scatter [tilespmem:s14], [sflag:$0x3], $0x80, $0x38;
	[tilespmem:$0xE900] =	vst v63  }
0x1c3: {  	s13 =	sadd.s32 $0x30, s10;
	s14 =	simm.s32 $0xBBD8  }
0x1c4: {  	[hbm4b:s13+s3] =	stream.linear.scatter [tilespmem:s14], [sflag:$0x3], $0x80, $0x38;
	[tilespmem:$0xE900] =	vst v63  }
0x1c5: {  	s13 =	sadd.s32 $0x40, s10;
	s14 =	simm.s32 $0xBC60  }
0x1c6: {  	[hbm4b:s13+s3] =	stream.linear.scatter [tilespmem:s14], [sflag:$0x3], $0x80, $0x38;
	[tilespmem:$0xE900] =	vst v63  }
0x1c7: {  	s13 =	sadd.s32 $0x50, s10;
	s14 =	simm.s32 $0xBCE8  }
0x1c8: {  	[hbm4b:s13+s3] =	stream.linear.scatter [tilespmem:s14], [sflag:$0x3], $0x80, $0x38;
	[tilespmem:$0xE900] =	vst v63  }
0x1c9: {  	s13 =	sadd.s32 $0x60, s10;
	s14 =	simm.s32 $0xBD70  }
0x1ca: {  	[hbm4b:s13+s3] =	stream.linear.scatter [tilespmem:s14], [sflag:$0x3], $0x80, $0x38;
	[tilespmem:$0xE900] =	vst v63  }
0x1cb: {  	s10 =	sadd.s32 $0x70, s10;
	s14 =	simm.s32 $0xBDF8;
	s13 =	sadd.s32 $0xC0000, s7  }
0x1cc: {  	[hbm4b:s10+s3] =	stream.linear.scatter [tilespmem:s14], [sflag:$0x3], $0x80, $0x38;
	[tilespmem:$0xE900] =	vst v63  }
0x1cd: {  	s10 =	sshrl.u32 s13, $0x3  }
0x1ce: {  	s14 =	simm.s32 $0xBE80;
	s10 =	sadd.s32 s2, s10  }
0x1cf: {  	[hbm4b:s10+s3] =	stream.linear.scatter [tilespmem:s14], [sflag:$0x3], $0x80, $0x38;
	[tilespmem:$0xE900] =	vst v63  }
0x1d0: {  	s13 =	sadd.s32 $0x10, s10;
	s14 =	simm.s32 $0xBF08  }
0x1d1: {  	[hbm4b:s13+s3] =	stream.linear.scatter [tilespmem:s14], [sflag:$0x3], $0x80, $0x38;
	[tilespmem:$0xE900] =	vst v63  }
0x1d2: {  	s13 =	sadd.s32 $0x20, s10;
	s14 =	simm.s32 $0xBF90  }
0x1d3: {  	[hbm4b:s13+s3] =	stream.linear.scatter [tilespmem:s14], [sflag:$0x3], $0x80, $0x38;
	[tilespmem:$0xE900] =	vst v63  }
0x1d4: {  	s13 =	sadd.s32 $0x30, s10;
	s14 =	simm.s32 $0xC018  }
0x1d5: {  	[hbm4b:s13+s3] =	stream.linear.scatter [tilespmem:s14], [sflag:$0x3], $0x80, $0x38;
	[tilespmem:$0xE900] =	vst v63  }
0x1d6: {  	s13 =	sadd.s32 $0x40, s10;
	s14 =	simm.s32 $0xC0A0  }
0x1d7: {  	[hbm4b:s13+s3] =	stream.linear.scatter [tilespmem:s14], [sflag:$0x3], $0x80, $0x38;
	[tilespmem:$0xE900] =	vst v63  }
0x1d8: {  	s13 =	sadd.s32 $0x50, s10;
	s14 =	simm.s32 $0xC128  }
0x1d9: {  	[hbm4b:s13+s3] =	stream.linear.scatter [tilespmem:s14], [sflag:$0x3], $0x80, $0x38;
	[tilespmem:$0xE900] =	vst v63  }
0x1da: {  	s7 =	sadd.s32 $0xE0000, s7;
	s13 =	sadd.s32 $0x60, s10;
	s14 =	simm.s32 $0xC1B0  }
0x1db: {  	[hbm4b:s13+s3] =	stream.linear.scatter [tilespmem:s14], [sflag:$0x3], $0x80, $0x38;
	[tilespmem:$0xE900] =	vst v63  }
0x1dc: {  	s7 =	sshrl.u32 s7, $0x3;
	s10 =	sadd.s32 $0x70, s10;
	s14 =	simm.s32 $0xC238  }
0x1dd: {  	[hbm4b:s10+s3] =	stream.linear.scatter [tilespmem:s14], [sflag:$0x3], $0x80, $0x38;
	[tilespmem:$0xE900] =	vst v63  }
0x1de: {  	s11 =	simm.s32 $0xC2C0;
	s7 =	sadd.s32 s2, s7  }
0x1df: {  	[hbm4b:s7+s3] =	stream.linear.scatter [tilespmem:s11], [sflag:$0x3], $0x80, $0x38;
	[tilespmem:$0xE900] =	vst v63  }
0x1e0: {  	s13 =	sadd.s32 $0x10, s7;
	s14 =	simm.s32 $0xC348  }
0x1e1: {  	[hbm4b:s13+s3] =	stream.linear.scatter [tilespmem:s14], [sflag:$0x3], $0x80, $0x38;
	[tilespmem:$0xE900] =	vst v63  }
0x1e2: {  	s13 =	sadd.s32 $0x20, s7;
	s14 =	simm.s32 $0xC3D0  }
0x1e3: {  	[hbm4b:s13+s3] =	stream.linear.scatter [tilespmem:s14], [sflag:$0x3], $0x80, $0x38;
	[tilespmem:$0xE900] =	vst v63  }
0x1e4: {  	s13 =	sadd.s32 $0x30, s7;
	s14 =	simm.s32 $0xC458  }
0x1e5: {  	[hbm4b:s13+s3] =	stream.linear.scatter [tilespmem:s14], [sflag:$0x3], $0x80, $0x38;
	[tilespmem:$0xE900] =	vst v63  }
0x1e6: {  	s13 =	sadd.s32 $0x40, s7;
	s14 =	simm.s32 $0xC4E0  }
0x1e7: {  	[hbm4b:s13+s3] =	stream.linear.scatter [tilespmem:s14], [sflag:$0x3], $0x80, $0x38;
	[tilespmem:$0xE900] =	vst v63  }
0x1e8: {  	s31 =	sadd.s32 $0x1, s5;
	s13 =	sadd.s32 $0x50, s7;
	s14 =	simm.s32 $0xC568  }
0x1e9: {  	[hbm4b:s13+s3] =	stream.linear.scatter [tilespmem:s14], [sflag:$0x3], $0x80, $0x38;
	[tilespmem:$0xE900] =	vst v63  }
0x1ea: {  	p2 =	slt.u32 s30, $0x63;
	s11 =	sadd.s32 $0x60, s7;
	s13 =	simm.s32 $0xC5F0  }
0x1eb: {  	[hbm4b:s11+s3] =	stream.linear.scatter [tilespmem:s13], [sflag:$0x3], $0x80, $0x38;
	[tilespmem:$0xE900] =	vst v63  }
.Ltmp1:
0x1ec: {  	s7 =	sadd.s32 $0x70, s7;
	s14 =	simm.s32 $0xC678;
	(pc) =	sbr.rel @!p2 .LBB2_5-.Ltmp1, $4  }
0x1ed: {  	[hbm4b:s7+s3] =	stream.linear.scatter [tilespmem:s14], [sflag:$0x3], $0x80, $0x38;
	[tilespmem:$0xE900] =	vst v63  }
0x1ee: {  	p1 =	seq.s32 s31, $0x32;
	s7 =	simm.s32 $0x1  }
0x1ef: {  	v26 =	vmov v59;
	v41 =	vmov v15;
	s7 =	simm.s32 @!p1 $0x0  }
0x1f0: {  	s31 =	simm.s32 @p1 $0x0;
	v19 =	vmovc v16;
	v46 =	vmovc v13;
	v47 =	vmov v58;
	v48 =	vmov v18;
	v58 =	vmov v14;
	s7 =	sadd.s32 s7, s8  }
0x1f1: {  	v2 =	vld [tilespmem:$0x1FEE0];
	_ =	sdelay $0x1  }
0x1f2: {  	s10 =	smul.u32 $0x1900, s7;
	_ =	sdelay $0x1  }
0x1f3: {  	s10 =	sadd.s32 s31, s10  }
0x1f4: {  	v0 =	vadd.s32 s10, v2;
	_ =	sdelay $0x4  }
0x1f5: {  	s11 =	sadd.s32 $0x320, s10;
	v0 =	vld.idx.msk [tilespmem:v0+s3+$0x0], $0xffff  }
0x1f6: {  	v1 =	vadd.s32 s11, v2;
	_ =	sdelay $0x3  }
0x1f7: {  	[tilespmem:$0x6400] =	vst v0  }
0x1f8: {  	s14 =	sadd.s32 $0x640, s10;
	v0 =	vld.idx.msk [tilespmem:v1+s3+$0x0], $0xffff  }
0x1f9: {  	v54 =	vadd.s32 s14, v2;
	_ =	sdelay $0x3  }
0x1fa: {  	[tilespmem:$0x6410] =	vst v0  }
0x1fb: {  	s13 =	sadd.s32 $0x960, s10;
	v0 =	vld.idx.msk [tilespmem:v54+s3+$0x0], $0xffff  }
0x1fc: {  	v55 =	vadd.s32 s13, v2;
	_ =	sdelay $0x3  }
0x1fd: {  	[tilespmem:$0x6420] =	vst v0  }
0x1fe: {  	s14 =	sadd.s32 $0xC80, s10;
	v0 =	vld.idx.msk [tilespmem:v55+s3+$0x0], $0xffff  }
0x1ff: {  	v56 =	vadd.s32 s14, v2;
	_ =	sdelay $0x3  }
0x200: {  	[tilespmem:$0x6430] =	vst v0  }
0x201: {  	s13 =	sadd.s32 $0xFA0, s10;
	v0 =	vld.idx.msk [tilespmem:v56+s3+$0x0], $0xffff  }
0x202: {  	v57 =	vadd.s32 s13, v2;
	_ =	sdelay $0x3  }
0x203: {  	[tilespmem:$0x6440] =	vst v0  }
0x204: {  	s14 =	sadd.s32 $0x12C0, s10;
	v0 =	vld.idx.msk [tilespmem:v57+s3+$0x0], $0xffff  }
0x205: {  	v59 =	vadd.s32 s14, v2;
	_ =	sdelay $0x3  }
0x206: {  	[tilespmem:$0x6450] =	vst v0  }
0x207: {  	s10 =	sadd.s32 $0x15E0, s10;
	v0 =	vld.idx.msk [tilespmem:v59+s3+$0x0], $0xffff  }
0x208: {  	v60 =	vadd.s32 s10, v2;
	_ =	sdelay $0x3  }
0x209: {  	[tilespmem:$0x6460] =	vst v0  }
0x20a: {  	v0 =	vld.idx.msk [tilespmem:v60+s3+$0x0], $0xffff;
	_ =	sdelay $0x4  }
0x20b: {  	s13 =	simm.s32 $0x6400;
	s14 =	simm.s32 $0x6500;
	[tilespmem:$0x6470] =	vst v0  }
0x20c: {  	[tilespmem:s14], [sflag:$0x1] =	stream.indirect.gather [hbm4b:s4+s9], $0x40, s13, s9, $0xb8;
	[tilespmem:$0xE900] =	vst v63  }
.Ltmp2:
0x20d: {  	_ = 	snop;
	(pc) =	sbr.rel @!p0 .LBB2_7-.Ltmp2, $4  }
.Ltmp3:
0x20e: {  	_ = 	snop;
	(pc) =	sbr.rel @p0 .LBB2_8-.Ltmp3, $4  }
0x20f: {  	_ =	swait.ge [sflag:s1], $0x2000  }
0x210: {  	[sflag:s1] =	ssyncset.done $0x0  }
0x211: {  	[sflag:s1] =	ssyncadd.s32 $0xFFFFE000  }
0x212: {  	_ = 	snop  }
.LBB2_5:
0x213: {  	_ =	swait.ge [sflag:s1], $0x2000  }
0x214: {  	[sflag:s1] =	ssyncset.done $0x0  }
0x215: {  	[sflag:s1] =	ssyncadd.s32 $0xFFFFE000  }
.LBB2_7:
0x216: {  	_ =	swait.ge [sflag:s29], $0x400  }
0x217: {  	[sflag:s29] =	ssyncset.done $0x0  }
0x218: {  	[sflag:s29] =	ssyncadd.s32 $0xFFFFFC00  }
0x219: {  	_ =	swait.ge [sflag:s29], $0x400  }
0x21a: {  	[sflag:s29] =	ssyncset.done $0x0  }
0x21b: {  	[sflag:s29] =	ssyncadd.s32 $0xFFFFFC00  }
0x21c: {  	_ =	swait.ge [sflag:s29], $0x400  }
0x21d: {  	[sflag:s29] =	ssyncset.done $0x0  }
0x21e: {  	[sflag:s29] =	ssyncadd.s32 $0xFFFFFC00  }
0x21f: {  	_ =	swait.ge [sflag:s29], $0x400  }
0x220: {  	[sflag:s29] =	ssyncset.done $0x0  }
0x221: {  	[sflag:s29] =	ssyncadd.s32 $0xFFFFFC00  }
0x222: {  	_ =	swait.ge [sflag:s29], $0x400  }
0x223: {  	[sflag:s29] =	ssyncset.done $0x0  }
0x224: {  	[sflag:s29] =	ssyncadd.s32 $0xFFFFFC00  }
0x225: {  	_ =	swait.ge [sflag:s29], $0x400  }
0x226: {  	[sflag:s29] =	ssyncset.done $0x0  }
0x227: {  	[sflag:s29] =	ssyncadd.s32 $0xFFFFFC00  }
0x228: {  	_ =	swait.ge [sflag:s29], $0x400  }
0x229: {  	[sflag:s29] =	ssyncset.done $0x0  }
0x22a: {  	[sflag:s29] =	ssyncadd.s32 $0xFFFFFC00  }
0x22b: {  	_ =	swait.ge [sflag:s29], $0x400  }
0x22c: {  	[sflag:s29] =	ssyncset.done $0x0  }
0x22d: {  	[sflag:s29] =	ssyncadd.s32 $0xFFFFFC00  }
.LBB2_8:
0x22e: {  	s10 =	simm.s32 $0x0;
	s13 =	simm.s32 $0x1;
	s14 =	simm.s32 $0x2  }
0x22f: {  	s11 =	simm.s32 $0x3;
	v0 =	vmov s10;
	v1 =	vmov s13;
	s13 =	simm.s32 $0x4;
	v2 =	vmov s14  }
0x230: {  	v3 =	vmov s11;
	s11 =	simm.s32 $0x5;
	s14 =	simm.s32 $0x7;
	v0 =	vshrl.u32 v0, $0x3;
	v4 =	vmov s13  }
0x231: {  	s13 =	simm.s32 $0x6;
	v5 =	vmov s11;
	v7 =	vmov s14;
	v1 =	vshrl.u32 v1, $0x3  }
0x232: {  	s11 =	simm.s32 $0x8;
	s14 =	simm.s32 $0xA;
	v2 =	vshrl.u32 v2, $0x3;
	v3 =	vshrl.u32 v3, $0x3;
	v6 =	vmov s13  }
0x233: {  	v8 =	vmov s11;
	v11 =	vmov s14;
	v0 =	vshll.u32 v0, v9  }
0x234: {  	s13 =	simm.s32 $0x9;
	s11 =	simm.s32 $0xB;
	s14 =	simm.s32 $0xD;
	v4 =	vshrl.u32 v4, $0x3;
	v5 =	vshrl.u32 v5, $0x3;
	v7 =	vshrl.u32 v7, $0x3  }
0x235: {  	v10 =	vmov s13;
	v12 =	vmov s11;
	v14 =	vmov s14;
	s11 =	simm.s32 $0xF  }
0x236: {  	v23 =	vbroadcast v0, $0x0;
	v0 =	vshll.u32 v1, v9;
	v16 =	vmov s11  }
0x237: {  	v21 =	vld [tilespmem:$0x1FF30];
	v55 =	vbroadcast v0, $0x0;
	v0 =	vshll.u32 v2, v9;
	v16 =	vshrl.u32 v16, $0x3  }
0x238: {  	v24 =	vld [tilespmem:$0x1FF20];
	v6 =	vshrl.u32 v6, $0x3;
	v54 =	vbroadcast v0, $0x0;
	v16 =	vshll.u32 v16, v9  }
0x239: {  	s10 =	simm.s32 $0x8700;
	v8 =	vshrl.u32 v8, $0x3;
	v0 =	vshll.u32 v3, v9;
	v16 =	vbroadcast v16, $0x0  }
0x23a: {  	v53 =	vbroadcast v0, $0x0;
	v0 =	vshll.u32 v4, v9;
	v4 =	vld [tilespmem:s10+$0xFFFFFE80];
	v43 =	vadd.s32 v29, v54  }
0x23b: {  	s13 =	simm.s32 $0xC;
	v11 =	vshrl.u32 v11, $0x3;
	v1 =	vld [tilespmem:s10+$0x1C0];
	v5 =	vshll.u32 v5, v9;
	v2 =	vadd.s32 v62, v16  }
0x23c: {  	v17 =	vld [tilespmem:s10+$0xFFFFFE00];
	v13 =	vmov s13;
	v59 =	vbroadcast v5, $0x0;
	v18 =	vadd.s32 v21, v23  }
0x23d: {  	s14 =	simm.s32 $0xE;
	v5 =	vshll.u32 v6, v9;
	v3 =	vld [tilespmem:s10+$0xFFFFFE40];
	v42 =	vadd.s32 v24, v55;
	v56 =	vbroadcast v0, $0x0  }
0x23e: {  	v60 =	vld [tilespmem:s10+$0xFFFFFEC0];
	v15 =	vmov s14;
	v57 =	vbroadcast v5, $0x0;
	v44 =	vadd.s32 v33, v53  }
0x23f: {  	v45 =	vld [tilespmem:s10+$0xFFFFFF00];
	v10 =	vshrl.u32 v10, $0x3;
	v11 =	vshll.u32 v11, v9;
	v52 =	vadd.s32 v37, v56;
	[tilespmem:v43+s0+$0x0] =	vst.idx.msk $0xffff, v4  }
0x240: {  	v13 =	vshrl.u32 v13, $0x3;
	v4 =	vld [tilespmem:s10+$0xFFFFFF80];
	[tilespmem:v2+s0+$0x0] =	vst.idx.msk $0xffff, v1;
	v1 =	vshll.u32 v7, v9;
	v7 =	vadd.s32 v26, v57  }
0x241: {  	v5 =	vadd.s32 v47, v16;
	[tilespmem:v18+s0+$0x0] =	vst.idx.msk $0xffff, v17;
	v2 =	vld [tilespmem:s10+$0x1D0];
	v49 =	vbroadcast v1, $0x0;
	v1 =	vshll.u32 v8, v9  }
0x242: {  	v6 =	vadd.s32 v61, v59;
	[tilespmem:v42+s0+$0x0] =	vst.idx.msk $0xffff, v3;
	v3 =	vld [tilespmem:s10+$0xFFFFFF40];
	v50 =	vbroadcast v1, $0x0;
	v1 =	vshll.u32 v10, v9  }
0x243: {  	v0 =	vshrl.u32 v12, $0x3;
	[tilespmem:v44+s0+$0x0] =	vst.idx.msk $0xffff, v60;
	v8 =	vld [tilespmem:s10+$0xFFFFFFC0];
	v10 =	vadd.s32 v62, v49;
	v51 =	vbroadcast v1, $0x0  }
0x244: {  	v12 =	vld [tilespmem:s10+$0x0];
	v0 =	vshll.u32 v0, v9;
	[tilespmem:v52+s0+$0x0] =	vst.idx.msk $0xffff, v45;
	v52 =	vbroadcast v11, $0x0;
	v62 =	vadd.s32 v21, v50  }
0x245: {  	v15 =	vshrl.u32 v15, $0x3;
	v60 =	vld [tilespmem:s10+$0x40];
	v21 =	vbroadcast v0, $0x0;
	v18 =	vadd.s32 v24, v51;
	[tilespmem:v7+s0+$0x0] =	vst.idx.msk $0xffff, v4  }
0x246: {  	v1 =	vshrl.u32 v14, $0x3;
	v0 =	vshll.u32 v13, v9;
	v4 =	vld [tilespmem:s10+$0x80];
	[tilespmem:v5+s0+$0x0] =	vst.idx.msk $0xffff, v2;
	v5 =	vadd.s32 v29, v52  }
0x247: {  	[tilespmem:v6+s0+$0x0] =	vst.idx.msk $0xffff, v3;
	v43 =	vbroadcast v0, $0x0;
	v0 =	vshll.u32 v1, v9;
	v1 =	vld [tilespmem:s10+$0xC0];
	v6 =	vadd.s32 v33, v21  }
0x248: {  	v3 =	vadd.s32 v48, v16;
	v44 =	vbroadcast v0, $0x0;
	v0 =	vshll.u32 v15, v9;
	v2 =	vld [tilespmem:s10+$0x1E0];
	[tilespmem:v10+s0+$0x0] =	vst.idx.msk $0xffff, v8  }
0x249: {  	v7 =	vld [tilespmem:s10+$0x100];
	v45 =	vbroadcast v0, $0x0;
	v8 =	vadd.s32 v37, v43;
	[tilespmem:v62+s0+$0x0] =	vst.idx.msk $0xffff, v12  }
0x24a: {  	v0 =	vld [tilespmem:s10+$0x140];
	v10 =	vadd.s32 v61, v44;
	[tilespmem:v18+s0+$0x0] =	vst.idx.msk $0xffff, v60  }
0x24b: {  	v11 =	vld [tilespmem:s10+$0x180];
	v62 =	vadd.s32 v26, v45;
	[tilespmem:v5+s0+$0x0] =	vst.idx.msk $0xffff, v4  }
0x24c: {  	v4 =	vld [tilespmem:s10+$0xFFFFFE50];
	v5 =	vadd.s32 v22, v55;
	[tilespmem:v6+s0+$0x0] =	vst.idx.msk $0xffff, v1  }
0x24d: {  	v1 =	vld [tilespmem:s10+$0xFFFFFE90];
	v6 =	vadd.s32 v30, v54;
	[tilespmem:v3+s0+$0x0] =	vst.idx.msk $0xffff, v2  }
0x24e: {  	v3 =	vadd.s32 v58, v16;
	v2 =	vld [tilespmem:s10+$0x1F0];
	[tilespmem:v8+s0+$0x0] =	vst.idx.msk $0xffff, v7  }
0x24f: {  	v7 =	vld [tilespmem:s10+$0xFFFFFED0];
	v8 =	vadd.s32 v34, v53;
	[tilespmem:v10+s0+$0x0] =	vst.idx.msk $0xffff, v0  }
0x250: {  	[tilespmem:v62+s0+$0x0] =	vst.idx.msk $0xffff, v11  }
0x251: {  	v0 =	vld [tilespmem:s10+$0xFFFFFF10];
	v10 =	vadd.s32 v38, v56;
	[tilespmem:v5+s0+$0x0] =	vst.idx.msk $0xffff, v4  }
0x252: {  	v11 =	vld [tilespmem:s10+$0xFFFFFF50];
	[tilespmem:v6+s0+$0x0] =	vst.idx.msk $0xffff, v1  }
0x253: {  	v1 =	vld [tilespmem:s10+$0xFFFFFFD0];
	v4 =	vadd.s32 v47, v49;
	[tilespmem:v3+s0+$0x0] =	vst.idx.msk $0xffff, v2  }
0x254: {  	v2 =	vld [tilespmem:s10+$0xFFFFFF90];
	v3 =	vadd.s32 v41, v57;
	[tilespmem:v8+s0+$0x0] =	vst.idx.msk $0xffff, v7  }
0x255: {  	v16 =	vadd.s32 v63, v59;
	v17 =	vld [tilespmem:$0x1FF00]  }
0x256: {  	v7 =	vadd.s32 v22, v51;
	[tilespmem:v10+s0+$0x0] =	vst.idx.msk $0xffff, v0;
	v0 =	vld [tilespmem:s10+$0x50]  }
0x257: {  	v8 =	vld [tilespmem:s10+$0x90];
	v10 =	vadd.s32 v30, v52  }
0x258: {  	[tilespmem:v4+s0+$0x0] =	vst.idx.msk $0xffff, v1;
	v1 =	vld [tilespmem:s10+$0x110];
	v4 =	vadd.s32 v38, v43  }
0x259: {  	[tilespmem:v3+s0+$0x0] =	vst.idx.msk $0xffff, v2;
	v2 =	vld [tilespmem:s10+$0xD0];
	v3 =	vadd.s32 v34, v21  }
0x25a: {  	v5 =	vld [tilespmem:s10+$0x10];
	[tilespmem:v16+s0+$0x0] =	vst.idx.msk $0xffff, v11;
	v6 =	vadd.s32 v17, v50  }
0x25b: {  	[tilespmem:v7+s0+$0x0] =	vst.idx.msk $0xffff, v0;
	v0 =	vld [tilespmem:s10+$0x190];
	v7 =	vadd.s32 v41, v45  }
0x25c: {  	v11 =	vld [tilespmem:s10+$0xFFFFFE10];
	v41 =	vadd.s32 v17, v23;
	[tilespmem:v10+s0+$0x0] =	vst.idx.msk $0xffff, v8  }
0x25d: {  	v8 =	vld [tilespmem:s10+$0xFFFFFE60];
	v10 =	vadd.s32 v27, v55;
	[tilespmem:v4+s0+$0x0] =	vst.idx.msk $0xffff, v1  }
0x25e: {  	v1 =	vld [tilespmem:s10+$0xFFFFFEE0];
	v4 =	vadd.s32 v35, v53;
	[tilespmem:v3+s0+$0x0] =	vst.idx.msk $0xffff, v2  }
0x25f: {  	v2 =	vld [tilespmem:s10+$0xFFFFFEA0];
	v3 =	vadd.s32 v31, v54;
	[tilespmem:v6+s0+$0x0] =	vst.idx.msk $0xffff, v5  }
0x260: {  	v5 =	vld [tilespmem:s10+$0x150];
	v6 =	vadd.s32 v63, v44;
	[tilespmem:v7+s0+$0x0] =	vst.idx.msk $0xffff, v0  }
0x261: {  	[tilespmem:v41+s0+$0x0] =	vst.idx.msk $0xffff, v11  }
0x262: {  	[tilespmem:v10+s0+$0x0] =	vst.idx.msk $0xffff, v8  }
0x263: {  	[tilespmem:v4+s0+$0x0] =	vst.idx.msk $0xffff, v1  }
0x264: {  	v0 =	vld [tilespmem:s10+$0xFFFFFF60];
	v7 =	vadd.s32 v19, v59;
	[tilespmem:v3+s0+$0x0] =	vst.idx.msk $0xffff, v2  }
0x265: {  	[tilespmem:v6+s0+$0x0] =	vst.idx.msk $0xffff, v5;
	v5 =	vld [tilespmem:s10+$0xFFFFFF20];
	v6 =	vadd.s32 v39, v56  }
0x266: {  	v14 =	vld [tilespmem:$0x1FF10]  }
0x267: {  	v8 =	vld [tilespmem:s10+$0xFFFFFFA0];
	v10 =	vadd.s32 v46, v57  }
0x268: {  	v2 =	vld [tilespmem:s10+$0xFFFFFFE0];
	v3 =	vadd.s32 v48, v49  }
0x269: {  	[tilespmem:v7+s0+$0x0] =	vst.idx.msk $0xffff, v0;
	v0 =	vld [tilespmem:s10+$0xA0];
	v7 =	vadd.s32 v31, v52  }
0x26a: {  	[tilespmem:v6+s0+$0x0] =	vst.idx.msk $0xffff, v5;
	v5 =	vld [tilespmem:s10+$0x60];
	v6 =	vadd.s32 v27, v51  }
0x26b: {  	v1 =	vld [tilespmem:s10+$0x20];
	v4 =	vadd.s32 v14, v50  }
0x26c: {  	[tilespmem:v10+s0+$0x0] =	vst.idx.msk $0xffff, v8;
	v8 =	vld [tilespmem:s10+$0xE0];
	v10 =	vadd.s32 v35, v21  }
0x26d: {  	[tilespmem:v3+s0+$0x0] =	vst.idx.msk $0xffff, v2;
	v2 =	vld [tilespmem:s10+$0x120];
	v3 =	vadd.s32 v39, v43  }
0x26e: {  	v13 =	vld [tilespmem:s10+$0xFFFFFE20];
	v14 =	vadd.s32 v14, v23;
	[tilespmem:v7+s0+$0x0] =	vst.idx.msk $0xffff, v0  }
0x26f: {  	[tilespmem:v6+s0+$0x0] =	vst.idx.msk $0xffff, v5;
	v5 =	vld [tilespmem:s10+$0x1A0];
	v6 =	vadd.s32 v46, v45  }
0x270: {  	[tilespmem:v4+s0+$0x0] =	vst.idx.msk $0xffff, v1;
	v1 =	vld [tilespmem:s10+$0x160];
	v4 =	vadd.s32 v19, v44  }
0x271: {  	[tilespmem:v10+s0+$0x0] =	vst.idx.msk $0xffff, v8  }
0x272: {  	[tilespmem:v3+s0+$0x0] =	vst.idx.msk $0xffff, v2  }
0x273: {  	[tilespmem:v14+s0+$0x0] =	vst.idx.msk $0xffff, v13  }
0x274: {  	[tilespmem:v6+s0+$0x0] =	vst.idx.msk $0xffff, v5  }
0x275: {  	s13 =	simm.s32 $0x10;
	s14 =	simm.s32 $0x11;
	v16 =	vadd.s32 v28, v55;
	v0 =	vld [tilespmem:s10+$0xFFFFFE70];
	[tilespmem:v4+s0+$0x0] =	vst.idx.msk $0xffff, v1  }
0x276: {  	v12 =	vmov s14;
	s14 =	simm.s32 $0x13;
	v11 =	vmov s13;
	v1 =	vld [tilespmem:$0x1FF40]  }
0x277: {  	v15 =	vmov s14;
	s14 =	simm.s32 $0x15;
	v18 =	vadd.s32 v32, v54;
	s13 =	simm.s32 $0x12;
	v11 =	vshrl.u32 v11, $0x3;
	v63 =	vld [tilespmem:s10+$0xFFFFFEF0]  }
0x278: {  	v17 =	vld [tilespmem:s10+$0xFFFFFEB0];
	v7 =	vmov s13;
	s13 =	simm.s32 $0x14;
	v10 =	vmov s14;
	s14 =	simm.s32 $0x17;
	v46 =	vadd.s32 v36, v53  }
0x279: {  	v48 =	vadd.s32 v40, v56;
	v47 =	vld [tilespmem:s10+$0xFFFFFF30];
	v8 =	vmov s13;
	s13 =	simm.s32 $0x16;
	v60 =	vmov s14;
	s14 =	simm.s32 $0x19  }
0x27a: {  	v62 =	vshll.u32 v11, v9;
	v55 =	vmov s13;
	s13 =	simm.s32 $0x18;
	v53 =	vmov s14;
	s14 =	simm.s32 $0x1B;
	v6 =	vld [tilespmem:s10+$0xFFFFFF70];
	[tilespmem:v16+s0+$0x0] =	vst.idx.msk $0xffff, v0  }
0x27b: {  	v41 =	vmovc v21;
	v21 =	vmovc v58;
	v61 =	vmov s13;
	s13 =	simm.s32 $0x1A;
	v58 =	vmov s14;
	s14 =	simm.s32 $0x1D;
	v0 =	vld [tilespmem:$0x1FF50];
	v42 =	vadd.s32 v1, v59  }
0x27c: {  	v52 =	vadd.s32 v32, v52;
	v2 =	vld [tilespmem:s10+$0xFFFFFFB0];
	v54 =	vmov s13;
	v56 =	vmov s14  }
0x27d: {  	v3 =	vld [tilespmem:s10+$0xFFFFFFF0];
	v5 =	vadd.s32 v21, v49;
	v49 =	vshrl.u32 v10, $0x3;
	[tilespmem:v46+s0+$0x0] =	vst.idx.msk $0xffff, v63;
	v63 =	vshrl.u32 v7, $0x3  }
0x27e: {  	s13 =	simm.s32 $0x1C;
	v4 =	vld [tilespmem:s10+$0x30];
	v7 =	vadd.s32 v20, v50;
	[tilespmem:v48+s0+$0x0] =	vst.idx.msk $0xffff, v47;
	v48 =	vshrl.u32 v15, $0x3;
	v46 =	vshrl.u32 v8, $0x3  }
0x27f: {  	s14 =	simm.s32 $0x1E;
	[tilespmem:v18+s0+$0x0] =	vst.idx.msk $0xffff, v17;
	v50 =	vld [tilespmem:s10+$0x70];
	v8 =	vadd.s32 v28, v51;
	v47 =	vshrl.u32 v55, $0x3;
	v59 =	vmov s13  }
0x280: {  	s11 =	simm.s32 $0x20;
	v25 =	vmovc v23;
	v51 =	vld [tilespmem:s10+$0xB0];
	v1 =	vshrl.u32 v12, $0x3;
	s13 =	simm.s32 $0x1F;
	v0 =	vadd.s32 v0, v57;
	v57 =	vmov s14;
	[tilespmem:v42+s0+$0x0] =	vst.idx.msk $0xffff, v6  }
.LBB2_9:
0x281: {  	v23 =	vld [tilespmem:$0x1FF40]  }
0x282: {  	v24 =	vld [tilespmem:$0x1FF50]  }
0x283: {  	v15 =	vld [tilespmem:s10+$0xFFFFFE30]  }
0x284: {  	v19 =	vld [tilespmem:$0x1FF30]  }
0x285: {  	v16 =	vadd.s32 v20, v25;
	v25 =	vld [tilespmem:$0x1FF20]  }
0x286: {  	v21 =	vld [tilespmem:$0x1FF90]  }
0x287: {  	v42 =	vshll.u32 v49, v9;
	v26 =	vld [tilespmem:$0x1FFC0]  }
0x288: {  	v49 =	vbroadcast v42, $0x0;
	v42 =	vld [tilespmem:$0x1FF80]  }
0x289: {  	v6 =	vshrl.u32 v60, $0x3;
	v10 =	vmov s13;
	[tilespmem:v0+s0+$0x0] =	vst.idx.msk $0xffff, v2;
	v0 =	vld [tilespmem:s10+$0xF0]  }
0x28a: {  	v12 =	vshrl.u32 v53, $0x3;
	v13 =	vshrl.u32 v54, $0x3;
	v1 =	vshll.u32 v1, v9;
	[tilespmem:v5+s0+$0x0] =	vst.idx.msk $0xffff, v3;
	v3 =	vld [tilespmem:s10+$0x130]  }
0x28b: {  	v53 =	vbroadcast v1, $0x0;
	v1 =	vshll.u32 v63, v9;
	v2 =	vadd.s32 v36, v41;
	[tilespmem:v7+s0+$0x0] =	vst.idx.msk $0xffff, v4;
	v4 =	vld [tilespmem:s10+$0x170]  }
0x28c: {  	v54 =	vbroadcast v1, $0x0;
	v1 =	vshll.u32 v48, v9;
	v5 =	vadd.s32 v40, v43;
	v41 =	vld [tilespmem:$0x1FF60]  }
0x28d: {  	v10 =	vshrl.u32 v10, $0x3;
	v48 =	vbroadcast v1, $0x0;
	v1 =	vshll.u32 v46, v9;
	[tilespmem:v8+s0+$0x0] =	vst.idx.msk $0xffff, v50;
	v8 =	vld [tilespmem:s10+$0x1B0];
	s10 =	sadd.s32 $0x400, s10  }
0x28e: {  	v10 =	vshll.u32 v10, v9;
	v46 =	vbroadcast v1, $0x0;
	v7 =	vadd.s32 v23, v44;
	v17 =	vld [tilespmem:s10+$0x1C0]  }
0x28f: {  	v60 =	vbroadcast v62, $0x0;
	v10 =	vbroadcast v10, $0x0;
	v14 =	vadd.s32 v24, v45;
	v62 =	vld [tilespmem:s10+$0xFFFFFF00]  }
0x290: {  	v1 =	vshrl.u32 v58, $0x3;
	v58 =	vld [tilespmem:s10+$0x0];
	v63 =	vadd.s32 v37, v46;
	[tilespmem:v2+s0+$0x0] =	vst.idx.msk $0xffff, v0  }
0x291: {  	v18 =	vadd.s32 v41, v10;
	v0 =	vld [tilespmem:s10+$0xFFFFFE00];
	[tilespmem:v5+s0+$0x0] =	vst.idx.msk $0xffff, v3  }
0x292: {  	v3 =	vld [tilespmem:s10+$0xFFFFFE40];
	v5 =	vadd.s32 v25, v53;
	[tilespmem:v16+s0+$0x0] =	vst.idx.msk $0xffff, v15  }
0x293: {  	v2 =	vadd.s32 v19, v60;
	[tilespmem:v7+s0+$0x0] =	vst.idx.msk $0xffff, v4;
	v4 =	vld [tilespmem:s10+$0xFFFFFE80]  }
0x294: {  	[tilespmem:v14+s0+$0x0] =	vst.idx.msk $0xffff, v8;
	v8 =	vld [tilespmem:s10+$0xFFFFFEC0]  }
0x295: {  	v7 =	vadd.s32 v29, v54;
	[tilespmem:v63+s0+$0x0] =	vst.idx.msk $0xffff, v62;
	v62 =	vld [tilespmem:s10+$0x40]  }
0x296: {  	v11 =	vshrl.u32 v61, $0x3;
	v55 =	vshll.u32 v47, v9;
	v61 =	vadd.s32 v33, v48;
	v16 =	vld [tilespmem:s10+$0x180];
	[tilespmem:v18+s0+$0x0] =	vst.idx.msk $0xffff, v17  }
0x297: {  	v47 =	vbroadcast v55, $0x0;
	v1 =	vshll.u32 v1, v9;
	[tilespmem:v5+s0+$0x0] =	vst.idx.msk $0xffff, v3;
	v3 =	vld [tilespmem:s10+$0xFFFFFF40]  }
0x298: {  	v43 =	vshrl.u32 v59, $0x3;
	[tilespmem:v2+s0+$0x0] =	vst.idx.msk $0xffff, v0;
	v0 =	vshll.u32 v6, v9;
	v6 =	vadd.s32 v21, v10;
	v18 =	vld [tilespmem:$0x1FF70]  }
0x299: {  	[tilespmem:v52+s0+$0x0] =	vst.idx.msk $0xffff, v51;
	v5 =	vadd.s32 v42, v49;
	v2 =	vld [tilespmem:s10+$0x1D0];
	v50 =	vbroadcast v0, $0x0;
	v0 =	vshll.u32 v11, v9  }
0x29a: {  	[tilespmem:v7+s0+$0x0] =	vst.idx.msk $0xffff, v4;
	v4 =	vld [tilespmem:s10+$0xFFFFFF80];
	v7 =	vadd.s32 v26, v47;
	v51 =	vbroadcast v0, $0x0;
	v0 =	vshll.u32 v12, v9  }
0x29b: {  	[tilespmem:v61+s0+$0x0] =	vst.idx.msk $0xffff, v8;
	v8 =	vld [tilespmem:s10+$0xFFFFFFC0];
	v61 =	vshrl.u32 v57, $0x3;
	v11 =	vadd.s32 v41, v50;
	v52 =	vbroadcast v0, $0x0  }
0x29c: {  	v57 =	vld [tilespmem:$0x1FFE0];
	v0 =	vshrl.u32 v56, $0x3;
	v41 =	vbroadcast v1, $0x0;
	v1 =	vshll.u32 v43, v9  }
0x29d: {  	v43 =	vbroadcast v1, $0x0;
	v0 =	vshll.u32 v0, v9;
	v1 =	vld [tilespmem:s10+$0xC0]  }
0x29e: {  	v13 =	vshll.u32 v13, v9;
	v44 =	vbroadcast v0, $0x0;
	v0 =	vshll.u32 v61, v9;
	v61 =	vld [tilespmem:$0x1FFD0]  }
0x29f: {  	v55 =	vbroadcast v13, $0x0;
	v59 =	vadd.s32 v19, v51;
	[tilespmem:v7+s0+$0x0] =	vst.idx.msk $0xffff, v4;
	v4 =	vld [tilespmem:s10+$0x80]  }
0x2a0: {  	v63 =	vadd.s32 v25, v52;
	[tilespmem:v5+s0+$0x0] =	vst.idx.msk $0xffff, v3;
	v7 =	vld [tilespmem:s10+$0x100]  }
0x2a1: {  	v5 =	vadd.s32 v29, v55;
	[tilespmem:v6+s0+$0x0] =	vst.idx.msk $0xffff, v2;
	v45 =	vbroadcast v0, $0x0;
	v0 =	vld [tilespmem:s10+$0x140]  }
0x2a2: {  	v6 =	vadd.s32 v33, v41;
	v2 =	vld [tilespmem:s10+$0x1E0]  }
0x2a3: {  	v3 =	vadd.s32 v18, v10;
	[tilespmem:v11+s0+$0x0] =	vst.idx.msk $0xffff, v8;
	v11 =	vadd.s32 v42, v44;
	v42 =	vld [tilespmem:$0x1FFB0]  }
0x2a4: {  	[tilespmem:v59+s0+$0x0] =	vst.idx.msk $0xffff, v58;
	v58 =	vld [tilespmem:$0x1FF00]  }
0x2a5: {  	v8 =	vadd.s32 v37, v43;
	[tilespmem:v63+s0+$0x0] =	vst.idx.msk $0xffff, v62;
	v63 =	vld [tilespmem:$0x1FFA0]  }
0x2a6: {  	v62 =	vld [tilespmem:$0x1FF10];
	[tilespmem:v5+s0+$0x0] =	vst.idx.msk $0xffff, v4  }
0x2a7: {  	v17 =	vadd.s32 v26, v45;
	v4 =	vld [tilespmem:s10+$0xFFFFFE50];
	[tilespmem:v6+s0+$0x0] =	vst.idx.msk $0xffff, v1  }
0x2a8: {  	v1 =	vld [tilespmem:s10+$0xFFFFFE90];
	v6 =	vadd.s32 v30, v54;
	[tilespmem:v3+s0+$0x0] =	vst.idx.msk $0xffff, v2  }
0x2a9: {  	v5 =	vadd.s32 v22, v53;
	v2 =	vld [tilespmem:s10+$0x1F0]  }
0x2aa: {  	[tilespmem:v8+s0+$0x0] =	vst.idx.msk $0xffff, v7;
	v7 =	vld [tilespmem:s10+$0xFFFFFED0];
	v8 =	vadd.s32 v34, v48  }
0x2ab: {  	[tilespmem:v11+s0+$0x0] =	vst.idx.msk $0xffff, v0;
	v11 =	vld [tilespmem:s10+$0xFFFFFF50];
	v56 =	vadd.s32 v42, v49  }
0x2ac: {  	v0 =	vld [tilespmem:s10+$0xFFFFFF10];
	[tilespmem:v17+s0+$0x0] =	vst.idx.msk $0xffff, v16;
	v3 =	vadd.s32 v63, v10  }
0x2ad: {  	v10 =	vadd.s32 v38, v46;
	[tilespmem:v6+s0+$0x0] =	vst.idx.msk $0xffff, v1;
	v1 =	vld [tilespmem:s10+$0xFFFFFFD0]  }
0x2ae: {  	[tilespmem:v5+s0+$0x0] =	vst.idx.msk $0xffff, v4;
	v4 =	vadd.s32 v21, v50;
	v5 =	vld [tilespmem:s10+$0x10]  }
0x2af: {  	v6 =	vadd.s32 v58, v51;
	[tilespmem:v8+s0+$0x0] =	vst.idx.msk $0xffff, v7;
	v8 =	vld [tilespmem:s10+$0x90]  }
0x2b0: {  	v59 =	vadd.s32 v58, v60;
	[tilespmem:v56+s0+$0x0] =	vst.idx.msk $0xffff, v11;
	v11 =	vld [tilespmem:s10+$0xFFFFFE10]  }
0x2b1: {  	[tilespmem:v3+s0+$0x0] =	vst.idx.msk $0xffff, v2;
	v2 =	vld [tilespmem:s10+$0xFFFFFF90];
	v3 =	vadd.s32 v57, v47  }
0x2b2: {  	v7 =	vadd.s32 v22, v52;
	[tilespmem:v10+s0+$0x0] =	vst.idx.msk $0xffff, v0;
	v0 =	vld [tilespmem:s10+$0x50]  }
0x2b3: {  	v10 =	vadd.s32 v30, v55;
	[tilespmem:v4+s0+$0x0] =	vst.idx.msk $0xffff, v1;
	v1 =	vld [tilespmem:s10+$0x110]  }
0x2b4: {  	v4 =	vadd.s32 v38, v43;
	[tilespmem:v6+s0+$0x0] =	vst.idx.msk $0xffff, v5;
	v5 =	vld [tilespmem:s10+$0x150]  }
0x2b5: {  	v6 =	vadd.s32 v42, v44;
	[tilespmem:v59+s0+$0x0] =	vst.idx.msk $0xffff, v11;
	v11 =	vld [tilespmem:$0x1FFF0]  }
0x2b6: {  	v14 =	vadd.s32 v62, v60;
	v13 =	vld [tilespmem:s10+$0xFFFFFE20];
	[tilespmem:v3+s0+$0x0] =	vst.idx.msk $0xffff, v2  }
0x2b7: {  	v2 =	vld [tilespmem:s10+$0xD0];
	v3 =	vadd.s32 v34, v41;
	[tilespmem:v7+s0+$0x0] =	vst.idx.msk $0xffff, v0  }
0x2b8: {  	v0 =	vld [tilespmem:s10+$0x190];
	v7 =	vadd.s32 v57, v45;
	[tilespmem:v10+s0+$0x0] =	vst.idx.msk $0xffff, v8  }
0x2b9: {  	v8 =	vld [tilespmem:s10+$0xFFFFFE60];
	v10 =	vadd.s32 v27, v53;
	[tilespmem:v4+s0+$0x0] =	vst.idx.msk $0xffff, v1  }
0x2ba: {  	v1 =	vld [tilespmem:s10+$0xFFFFFEE0];
	v4 =	vadd.s32 v35, v48;
	[tilespmem:v6+s0+$0x0] =	vst.idx.msk $0xffff, v5  }
0x2bb: {  	v5 =	vld [tilespmem:s10+$0xFFFFFF20];
	v6 =	vadd.s32 v39, v46;
	[tilespmem:v14+s0+$0x0] =	vst.idx.msk $0xffff, v13  }
0x2bc: {  	[tilespmem:v3+s0+$0x0] =	vst.idx.msk $0xffff, v2;
	v2 =	vld [tilespmem:s10+$0xFFFFFEA0];
	v3 =	vadd.s32 v31, v54  }
0x2bd: {  	[tilespmem:v7+s0+$0x0] =	vst.idx.msk $0xffff, v0;
	v0 =	vld [tilespmem:s10+$0xFFFFFF60];
	v7 =	vadd.s32 v11, v49  }
0x2be: {  	[tilespmem:v10+s0+$0x0] =	vst.idx.msk $0xffff, v8;
	v8 =	vld [tilespmem:s10+$0xFFFFFFA0];
	v10 =	vadd.s32 v61, v47  }
0x2bf: {  	[tilespmem:v4+s0+$0x0] =	vst.idx.msk $0xffff, v1;
	v1 =	vld [tilespmem:s10+$0x20];
	v4 =	vadd.s32 v62, v51  }
0x2c0: {  	[tilespmem:v6+s0+$0x0] =	vst.idx.msk $0xffff, v5;
	v5 =	vld [tilespmem:s10+$0x60];
	v6 =	vadd.s32 v27, v52  }
0x2c1: {  	v26 =	vmov v20;
	v48 =	vadd.s32 v36, v48;
	v20 =	vld [tilespmem:s10+$0xFFFFFEF0];
	[tilespmem:v3+s0+$0x0] =	vst.idx.msk $0xffff, v2  }
0x2c2: {  	v2 =	vld [tilespmem:s10+$0xFFFFFFE0];
	v3 =	vadd.s32 v18, v50;
	[tilespmem:v7+s0+$0x0] =	vst.idx.msk $0xffff, v0  }
0x2c3: {  	v0 =	vld [tilespmem:s10+$0xA0];
	v7 =	vadd.s32 v31, v55;
	[tilespmem:v10+s0+$0x0] =	vst.idx.msk $0xffff, v8  }
0x2c4: {  	s14 =	sadd.s32 $0x1, s11;
	v16 =	vadd.s32 v28, v53;
	v8 =	vld [tilespmem:s10+$0xE0];
	v10 =	vadd.s32 v35, v41;
	[tilespmem:v4+s0+$0x0] =	vst.idx.msk $0xffff, v1  }
0x2c5: {  	v12 =	vmov s14;
	s14 =	sadd.s32 $0x3, s11;
	v42 =	vmovc v38;
	v38 =	vmovc v36;
	v36 =	vmov v34;
	v1 =	vld [tilespmem:s10+$0x160];
	v4 =	vadd.s32 v11, v44;
	[tilespmem:v6+s0+$0x0] =	vst.idx.msk $0xffff, v5  }
0x2c6: {  	v15 =	vmov s14;
	v34 =	vmovc v32;
	v18 =	vadd.s32 v32, v54;
	v5 =	vld [tilespmem:s10+$0x1A0];
	v6 =	vadd.s32 v61, v45;
	[tilespmem:v48+s0+$0x0] =	vst.idx.msk $0xffff, v20  }
0x2c7: {  	v21 =	vld [tilespmem:s10+$0xFFFFFF30];
	v32 =	vmovc v30;
	v30 =	vmovc v28;
	v28 =	vmov v22;
	v22 =	vadd.s32 v40, v46;
	v11 =	vmov s11;
	[tilespmem:v3+s0+$0x0] =	vst.idx.msk $0xffff, v2  }
0x2c8: {  	s13 =	sadd.s32 $0x2, s11;
	s14 =	sadd.s32 $0x5, s11;
	v13 =	vadd.s32 v23, v49;
	v17 =	vld [tilespmem:s10+$0xFFFFFEB0];
	v11 =	vshrl.u32 v11, $0x3;
	v48 =	vshrl.u32 v15, $0x3;
	[tilespmem:v7+s0+$0x0] =	vst.idx.msk $0xffff, v0  }
0x2c9: {  	v2 =	vld [tilespmem:s10+$0x120];
	v3 =	vadd.s32 v39, v43;
	v7 =	vmov s13;
	s13 =	sadd.s32 $0x4, s11;
	[tilespmem:v10+s0+$0x0] =	vst.idx.msk $0xffff, v8;
	v10 =	vmov s14;
	s14 =	sadd.s32 $0x7, s11  }
0x2ca: {  	v25 =	vmovc v60;
	v62 =	vshll.u32 v11, v9;
	v0 =	vld [tilespmem:s10+$0xFFFFFE70];
	v8 =	vmov s13;
	v60 =	vmov s14;
	[tilespmem:v4+s0+$0x0] =	vst.idx.msk $0xffff, v1  }
0x2cb: {  	p0 =	slt.u32 s11, $0x70;
	s13 =	sadd.s32 $0x6, s11;
	[tilespmem:v6+s0+$0x0] =	vst.idx.msk $0xffff, v5;
	v6 =	vld [tilespmem:s10+$0xFFFFFF70];
	v5 =	vadd.s32 v63, v50;
	v1 =	vshrl.u32 v12, $0x3;
	v63 =	vshrl.u32 v7, $0x3  }
.Ltmp4:
0x2cc: {  	[tilespmem:v22+s0+$0x0] =	vst.idx.msk $0xffff, v21;
	s14 =	sadd.s32 $0x9, s11;
	v4 =	vld [tilespmem:s10+$0x30];
	v7 =	vadd.s32 v26, v51;
	v49 =	vshrl.u32 v10, $0x3;
	v19 =	vmov s13;
	s13 =	sadd.s32 $0x8, s11;
	(pc) =	sbr.rel @p0 .LBB2_9-.Ltmp4, $4  }
0x2cd: {  	v22 =	vmovc v28;
	v28 =	vmovc v30;
	[tilespmem:v18+s0+$0x0] =	vst.idx.msk $0xffff, v17;
	v50 =	vld [tilespmem:s10+$0x70];
	v53 =	vmov s14;
	s14 =	sadd.s32 $0xB, s11;
	v46 =	vshrl.u32 v8, $0x3;
	v61 =	vmov s13;
	s13 =	sadd.s32 $0xA, s11  }
0x2ce: {  	v30 =	vmovc v32;
	v32 =	vmovc v34;
	v51 =	vld [tilespmem:s10+$0xB0];
	v8 =	vadd.s32 v28, v52;
	v58 =	vmov s14;
	s14 =	sadd.s32 $0xD, s11;
	v54 =	vmov s13;
	s13 =	sadd.s32 $0xC, s11;
	[tilespmem:v3+s0+$0x0] =	vst.idx.msk $0xffff, v2  }
0x2cf: {  	v20 =	vmovc v26;
	v34 =	vmovc v36;
	v52 =	vadd.s32 v32, v55;
	v56 =	vmov s14;
	s14 =	sadd.s32 $0xE, s11;
	v59 =	vmov s13;
	[tilespmem:v16+s0+$0x0] =	vst.idx.msk $0xffff, v0;
	v2 =	vld [tilespmem:s10+$0xFFFFFFB0]  }
0x2d0: {  	v36 =	vmovc v38;
	v38 =	vmovc v42;
	v0 =	vadd.s32 v24, v47;
	v57 =	vmov s14;
	v3 =	vld [tilespmem:s10+$0xFFFFFFF0];
	v47 =	vshrl.u32 v19, $0x3;
	s13 =	sadd.s32 $0xF, s11;
	s11 =	sadd.s32 $0x10, s11;
	[tilespmem:v13+s0+$0x0] =	vst.idx.msk $0xffff, v6  }
0x2d1: {  	_ =	sdelay $0x3  }
0x2d2: {  	[tilespmem:v0+s0+$0x0] =	vst.idx.msk $0xffff, v2;
	v0 =	vld [tilespmem:s10+$0xF0];
	v2 =	vadd.s32 v36, v41  }
0x2d3: {  	v55 =	vld [tilespmem:s10+$0x130];
	[tilespmem:v5+s0+$0x0] =	vst.idx.msk $0xffff, v3;
	v5 =	vadd.s32 v40, v43  }
0x2d4: {  	[tilespmem:v7+s0+$0x0] =	vst.idx.msk $0xffff, v4;
	v15 =	vld [tilespmem:s10+$0xFFFFFE30]  }
0x2d5: {  	v10 =	vshrl.u32 v60, $0x3;
	v60 =	vld [tilespmem:$0x1FF40];
	[tilespmem:v8+s0+$0x0] =	vst.idx.msk $0xffff, v50  }
0x2d6: {  	v23 =	vld [tilespmem:$0x1FF50];
	[tilespmem:v52+s0+$0x0] =	vst.idx.msk $0xffff, v51  }
0x2d7: {  	v6 =	vmov s13;
	v24 =	vld [tilespmem:$0x1FF60];
	[tilespmem:v2+s0+$0x0] =	vst.idx.msk $0xffff, v0  }
0x2d8: {  	v6 =	vshrl.u32 v6, $0x3;
	v21 =	vld [tilespmem:$0x1FF30];
	[tilespmem:v5+s0+$0x0] =	vst.idx.msk $0xffff, v55  }
0x2d9: {  	v16 =	vadd.s32 v20, v25;
	v6 =	vshll.u32 v6, v9;
	v25 =	vld [tilespmem:$0x1FF20]  }
0x2da: {  	v4 =	vld [tilespmem:s10+$0x170];
	v6 =	vbroadcast v6, $0x0;
	v7 =	vadd.s32 v60, v44  }
0x2db: {  	v42 =	vbroadcast v62, $0x0;
	v1 =	vshll.u32 v1, v9;
	s13 =	sadd.s32 $0x400, s10;
	v8 =	vld [tilespmem:s10+$0x1B0];
	v14 =	vadd.s32 v23, v45  }
0x2dc: {  	v17 =	vld [tilespmem:s13+$0x1C0];
	v41 =	vbroadcast v1, $0x0;
	v18 =	vadd.s32 v24, v6  }
0x2dd: {  	v51 =	vld [tilespmem:s13+$0xFFFFFE00];
	v52 =	vadd.s32 v21, v42  }
0x2de: {  	v13 =	vshrl.u32 v54, $0x3;
	v54 =	vld [tilespmem:s13+$0xFFFFFE40];
	[tilespmem:v16+s0+$0x0] =	vst.idx.msk $0xffff, v15;
	v5 =	vadd.s32 v25, v41  }
0x2df: {  	[tilespmem:v7+s0+$0x0] =	vst.idx.msk $0xffff, v4  }
0x2e0: {  	v50 =	vshll.u32 v63, v9;
	[tilespmem:v14+s0+$0x0] =	vst.idx.msk $0xffff, v8  }
0x2e1: {  	v43 =	vbroadcast v50, $0x0;
	[tilespmem:v18+s0+$0x0] =	vst.idx.msk $0xffff, v17  }
0x2e2: {  	v12 =	vshrl.u32 v53, $0x3;
	v4 =	vld [tilespmem:s13+$0xFFFFFE80];
	[tilespmem:v52+s0+$0x0] =	vst.idx.msk $0xffff, v51  }
0x2e3: {  	v53 =	vshll.u32 v48, v9;
	v1 =	vshrl.u32 v58, $0x3;
	v7 =	vadd.s32 v29, v43;
	v58 =	vld [tilespmem:$0x1FF90];
	[tilespmem:v5+s0+$0x0] =	vst.idx.msk $0xffff, v54  }
0x2e4: {  	v55 =	vshll.u32 v46, v9;
	v44 =	vbroadcast v53, $0x0;
	v18 =	vld [tilespmem:$0x1FF80]  }
0x2e5: {  	v63 =	vld [tilespmem:s13+$0xFFFFFF40];
	v45 =	vbroadcast v55, $0x0  }
0x2e6: {  	v11 =	vshrl.u32 v61, $0x3;
	v19 =	vshll.u32 v49, v9;
	v8 =	vld [tilespmem:s13+$0xFFFFFEC0];
	v14 =	vadd.s32 v33, v44  }
0x2e7: {  	v61 =	vshll.u32 v10, v9;
	v46 =	vbroadcast v19, $0x0;
	v15 =	vld [tilespmem:s13+$0xFFFFFF00];
	v16 =	vadd.s32 v37, v45  }
0x2e8: {  	v19 =	vshll.u32 v47, v9;
	v62 =	vld [tilespmem:s13+$0x1D0];
	[tilespmem:v7+s0+$0x0] =	vst.idx.msk $0xffff, v4;
	v10 =	vadd.s32 v58, v6  }
0x2e9: {  	v47 =	vbroadcast v19, $0x0;
	v19 =	vld [tilespmem:$0x1FFC0];
	v5 =	vadd.s32 v18, v46;
	_ =	sdelay $0x1  }
0x2ea: {  	[tilespmem:v14+s0+$0x0] =	vst.idx.msk $0xffff, v8  }
0x2eb: {  	v54 =	vshll.u32 v11, v9;
	[tilespmem:v16+s0+$0x0] =	vst.idx.msk $0xffff, v15  }
0x2ec: {  	v49 =	vbroadcast v54, $0x0;
	[tilespmem:v10+s0+$0x0] =	vst.idx.msk $0xffff, v62  }
0x2ed: {  	v48 =	vbroadcast v61, $0x0;
	v4 =	vld [tilespmem:s13+$0xFFFFFF80];
	v7 =	vadd.s32 v19, v47;
	[tilespmem:v5+s0+$0x0] =	vst.idx.msk $0xffff, v63  }
0x2ee: {  	v55 =	vshll.u32 v12, v9;
	v14 =	vadd.s32 v21, v49;
	v21 =	vld [tilespmem:$0x1FF70]  }
0x2ef: {  	v13 =	vshll.u32 v13, v9;
	v50 =	vbroadcast v55, $0x0;
	v11 =	vadd.s32 v24, v48;
	v8 =	vld [tilespmem:s13+$0xFFFFFFC0]  }
0x2f0: {  	v12 =	vld [tilespmem:s13+$0x0];
	v51 =	vbroadcast v13, $0x0  }
0x2f1: {  	v17 =	vadd.s32 v25, v50;
	v16 =	vld [tilespmem:s13+$0x40]  }
0x2f2: {  	v5 =	vadd.s32 v29, v51;
	[tilespmem:v7+s0+$0x0] =	vst.idx.msk $0xffff, v4;
	v4 =	vld [tilespmem:s13+$0x80]  }
0x2f3: {  	v2 =	vld [tilespmem:s13+$0x1E0];
	v62 =	vadd.s32 v21, v6  }
0x2f4: {  	[tilespmem:v11+s0+$0x0] =	vst.idx.msk $0xffff, v8  }
0x2f5: {  	v20 =	vshrl.u32 v59, $0x3;
	v1 =	vshll.u32 v1, v9;
	[tilespmem:v14+s0+$0x0] =	vst.idx.msk $0xffff, v12  }
0x2f6: {  	v59 =	vshrl.u32 v56, $0x3;
	v61 =	vshll.u32 v20, v9;
	v52 =	vbroadcast v1, $0x0;
	[tilespmem:v17+s0+$0x0] =	vst.idx.msk $0xffff, v16  }
0x2f7: {  	v0 =	vshll.u32 v59, v9;
	v53 =	vbroadcast v61, $0x0;
	v15 =	vshrl.u32 v57, $0x3;
	v63 =	vld [tilespmem:s13+$0xC0];
	[tilespmem:v5+s0+$0x0] =	vst.idx.msk $0xffff, v4  }
0x2f8: {  	v54 =	vbroadcast v0, $0x0;
	v55 =	vshll.u32 v15, v9;
	v7 =	vadd.s32 v33, v52;
	v8 =	vld [tilespmem:s13+$0x100];
	[tilespmem:v62+s0+$0x0] =	vst.idx.msk $0xffff, v2  }
0x2f9: {  	v55 =	vbroadcast v55, $0x0;
	v10 =	vadd.s32 v37, v53;
	v16 =	vld [tilespmem:$0x1FFA0]  }
0x2fa: {  	v56 =	vld [tilespmem:s13+$0x140];
	v11 =	vadd.s32 v18, v54  }
0x2fb: {  	v13 =	vadd.s32 v19, v55;
	v12 =	vld [tilespmem:s13+$0x180];
	_ =	sdelay $0x1  }
0x2fc: {  	v4 =	vld [tilespmem:s13+$0xFFFFFE50];
	v5 =	vadd.s32 v22, v41;
	[tilespmem:v7+s0+$0x0] =	vst.idx.msk $0xffff, v63  }
0x2fd: {  	v2 =	vld [tilespmem:s13+$0x1F0];
	[tilespmem:v10+s0+$0x0] =	vst.idx.msk $0xffff, v8;
	v57 =	vadd.s32 v16, v6  }
0x2fe: {  	v59 =	vld [tilespmem:s13+$0xFFFFFE90];
	[tilespmem:v11+s0+$0x0] =	vst.idx.msk $0xffff, v56;
	v6 =	vadd.s32 v30, v43  }
0x2ff: {  	v7 =	vld [tilespmem:s13+$0xFFFFFED0];
	v8 =	vadd.s32 v34, v44;
	[tilespmem:v13+s0+$0x0] =	vst.idx.msk $0xffff, v12  }
0x300: {  	v20 =	vmov v26;
	v26 =	vld [tilespmem:$0x1FFB0]  }
0x301: {  	[tilespmem:v5+s0+$0x0] =	vst.idx.msk $0xffff, v4  }
0x302: {  	v61 =	vld [tilespmem:s13+$0xFFFFFF10];
	[tilespmem:v57+s0+$0x0] =	vst.idx.msk $0xffff, v2  }
0x303: {  	v14 =	vld [tilespmem:$0x1FFE0];
	[tilespmem:v6+s0+$0x0] =	vst.idx.msk $0xffff, v59  }
0x304: {  	v10 =	vadd.s32 v38, v45;
	v11 =	vld [tilespmem:s13+$0xFFFFFF50];
	[tilespmem:v8+s0+$0x0] =	vst.idx.msk $0xffff, v7  }
0x305: {  	v12 =	vadd.s32 v26, v46;
	v13 =	vld [tilespmem:$0x1FF00]  }
0x306: {  	v56 =	vld [tilespmem:s13+$0xFFFFFFD0];
	v4 =	vadd.s32 v58, v48  }
0x307: {  	v57 =	vld [tilespmem:s13+$0x50];
	v7 =	vadd.s32 v22, v50  }
0x308: {  	v62 =	vld [tilespmem:s13+$0xFFFFFF90];
	v63 =	vadd.s32 v14, v47  }
0x309: {  	v8 =	vld [tilespmem:s13+$0x90];
	[tilespmem:v10+s0+$0x0] =	vst.idx.msk $0xffff, v61;
	v10 =	vadd.s32 v30, v51  }
0x30a: {  	v5 =	vld [tilespmem:s13+$0x10];
	[tilespmem:v12+s0+$0x0] =	vst.idx.msk $0xffff, v11;
	v6 =	vadd.s32 v13, v49  }
0x30b: {  	v59 =	vld [tilespmem:s13+$0xD0];
	v61 =	vadd.s32 v34, v52;
	[tilespmem:v4+s0+$0x0] =	vst.idx.msk $0xffff, v56  }
0x30c: {  	v11 =	vld [tilespmem:s13+$0xFFFFFE10];
	[tilespmem:v7+s0+$0x0] =	vst.idx.msk $0xffff, v57;
	v12 =	vadd.s32 v13, v42  }
0x30d: {  	v4 =	vadd.s32 v38, v53;
	[tilespmem:v63+s0+$0x0] =	vst.idx.msk $0xffff, v62;
	v62 =	vld [tilespmem:s13+$0x110]  }
0x30e: {  	v7 =	vadd.s32 v14, v55;
	[tilespmem:v10+s0+$0x0] =	vst.idx.msk $0xffff, v8;
	v63 =	vld [tilespmem:s13+$0x190]  }
0x30f: {  	[tilespmem:v6+s0+$0x0] =	vst.idx.msk $0xffff, v5;
	v5 =	vld [tilespmem:s13+$0x150];
	v6 =	vadd.s32 v26, v54  }
0x310: {  	v8 =	vld [tilespmem:s13+$0xFFFFFE60];
	v10 =	vadd.s32 v27, v41;
	[tilespmem:v61+s0+$0x0] =	vst.idx.msk $0xffff, v59  }
0x311: {  	v56 =	vld [tilespmem:s13+$0xFFFFFEA0];
	v57 =	vadd.s32 v31, v43;
	[tilespmem:v12+s0+$0x0] =	vst.idx.msk $0xffff, v11  }
0x312: {  	v59 =	vld [tilespmem:s13+$0xFFFFFEE0];
	[tilespmem:v4+s0+$0x0] =	vst.idx.msk $0xffff, v62;
	v4 =	vadd.s32 v35, v44  }
0x313: {  	[tilespmem:v7+s0+$0x0] =	vst.idx.msk $0xffff, v63  }
0x314: {  	[tilespmem:v6+s0+$0x0] =	vst.idx.msk $0xffff, v5;
	v5 =	vld [tilespmem:s13+$0xFFFFFF20];
	v6 =	vadd.s32 v39, v45  }
0x315: {  	v15 =	vld [tilespmem:$0x1FFF0];
	[tilespmem:v10+s0+$0x0] =	vst.idx.msk $0xffff, v8  }
0x316: {  	v13 =	vld [tilespmem:$0x1FFD0];
	[tilespmem:v57+s0+$0x0] =	vst.idx.msk $0xffff, v56  }
0x317: {  	[tilespmem:v4+s0+$0x0] =	vst.idx.msk $0xffff, v59  }
0x318: {  	v12 =	vld [tilespmem:$0x1FF10]  }
0x319: {  	[tilespmem:v6+s0+$0x0] =	vst.idx.msk $0xffff, v5;
	v5 =	vld [tilespmem:s13+$0x60];
	v6 =	vadd.s32 v27, v50  }
0x31a: {  	v62 =	vld [tilespmem:s13+$0xFFFFFFE0];
	v63 =	vadd.s32 v21, v48  }
0x31b: {  	v61 =	vld [tilespmem:s13+$0xFFFFFF60];
	v7 =	vadd.s32 v15, v46  }
0x31c: {  	v8 =	vld [tilespmem:s13+$0xFFFFFFA0];
	v10 =	vadd.s32 v13, v47  }
0x31d: {  	v56 =	vld [tilespmem:s13+$0x20];
	v4 =	vadd.s32 v12, v49  }
0x31e: {  	[tilespmem:v6+s0+$0x0] =	vst.idx.msk $0xffff, v5;
	v5 =	vld [tilespmem:s13+$0x1A0];
	v6 =	vadd.s32 v13, v55  }
0x31f: {  	v11 =	vld [tilespmem:s13+$0xFFFFFE20];
	[tilespmem:v63+s0+$0x0] =	vst.idx.msk $0xffff, v62;
	v12 =	vadd.s32 v12, v42  }
0x320: {  	v57 =	vld [tilespmem:s13+$0xA0];
	[tilespmem:v7+s0+$0x0] =	vst.idx.msk $0xffff, v61;
	v7 =	vadd.s32 v31, v51  }
0x321: {  	v59 =	vld [tilespmem:s13+$0x120];
	v61 =	vadd.s32 v39, v53;
	[tilespmem:v10+s0+$0x0] =	vst.idx.msk $0xffff, v8  }
0x322: {  	v8 =	vld [tilespmem:s13+$0xE0];
	v10 =	vadd.s32 v35, v52;
	[tilespmem:v4+s0+$0x0] =	vst.idx.msk $0xffff, v56  }
0x323: {  	v62 =	vld [tilespmem:s13+$0x160];
	v4 =	vadd.s32 v15, v54;
	[tilespmem:v6+s0+$0x0] =	vst.idx.msk $0xffff, v5  }
0x324: {  	[tilespmem:v12+s0+$0x0] =	vst.idx.msk $0xffff, v11;
	v5 =	vld [tilespmem:s13+$0xFFFFFF70];
	v6 =	vadd.s32 v60, v46  }
0x325: {  	v63 =	vld [tilespmem:s13+$0xFFFFFE70];
	[tilespmem:v7+s0+$0x0] =	vst.idx.msk $0xffff, v57;
	v7 =	vadd.s32 v28, v41  }
0x326: {  	v12 =	vadd.s32 v20, v42;
	[tilespmem:v61+s0+$0x0] =	vst.idx.msk $0xffff, v59;
	v11 =	vld [tilespmem:s13+$0xFFFFFE30]  }
0x327: {  	[tilespmem:v10+s0+$0x0] =	vst.idx.msk $0xffff, v8;
	v8 =	vld [tilespmem:s13+$0xFFFFFEB0];
	v10 =	vadd.s32 v32, v43  }
0x328: {  	v43 =	vadd.s32 v36, v44;
	v44 =	vld [tilespmem:s13+$0xFFFFFF30];
	[tilespmem:v4+s0+$0x0] =	vst.idx.msk $0xffff, v62;
	v4 =	vadd.s32 v40, v45  }
0x329: {  	v41 =	vld [tilespmem:s13+$0xFFFFFEF0];
	[tilespmem:v6+s0+$0x0] =	vst.idx.msk $0xffff, v5  }
0x32a: {  	v5 =	vld [tilespmem:s13+$0xB0];
	v6 =	vadd.s32 v32, v51;
	[tilespmem:v7+s0+$0x0] =	vst.idx.msk $0xffff, v63  }
0x32b: {  	v46 =	vld [tilespmem:s13+$0xFFFFFFB0];
	v7 =	vadd.s32 v23, v47;
	[tilespmem:v12+s0+$0x0] =	vst.idx.msk $0xffff, v11  }
0x32c: {  	[tilespmem:v10+s0+$0x0] =	vst.idx.msk $0xffff, v8;
	v8 =	vld [tilespmem:s13+$0xFFFFFFF0];
	v10 =	vadd.s32 v16, v48  }
0x32d: {  	v57 =	vld [tilespmem:s13+$0x70];
	[tilespmem:v4+s0+$0x0] =	vst.idx.msk $0xffff, v44;
	v4 =	vadd.s32 v28, v50  }
0x32e: {  	v62 =	vadd.s32 v60, v54;
	v61 =	vld [tilespmem:s13+$0x170];
	[tilespmem:v43+s0+$0x0] =	vst.idx.msk $0xffff, v41  }
0x32f: {  	v56 =	vadd.s32 v20, v49;
	v48 =	vld [tilespmem:s13+$0x30];
	[tilespmem:v6+s0+$0x0] =	vst.idx.msk $0xffff, v5  }
0x330: {  	v59 =	vld [tilespmem:s13+$0xF0];
	[tilespmem:v7+s0+$0x0] =	vst.idx.msk $0xffff, v46;
	v7 =	vadd.s32 v36, v52  }
0x331: {  	[tilespmem:v10+s0+$0x0] =	vst.idx.msk $0xffff, v8;
	v8 =	vld [tilespmem:s13+$0x130];
	v10 =	vadd.s32 v40, v53  }
0x332: {  	v63 =	vld [tilespmem:s13+$0x1B0];
	[tilespmem:v4+s0+$0x0] =	vst.idx.msk $0xffff, v57;
	v4 =	vadd.s32 v23, v55  }
0x333: {  	s8 =	sadd.s32 s6, s8;
	[tilespmem:v62+s0+$0x0] =	vst.idx.msk $0xffff, v61  }
0x334: {  	s5 =	sshll.u32 s5, $0x14;
	s8 =	sshll.u32 s8, $0xA;
	[tilespmem:v56+s0+$0x0] =	vst.idx.msk $0xffff, v48  }
0x335: {  	s5 =	sadd.s32 s5, s8;
	[tilespmem:v7+s0+$0x0] =	vst.idx.msk $0xffff, v59  }
0x336: {  	s8 =	sshrl.u32 s5, $0x3;
	[tilespmem:v10+s0+$0x0] =	vst.idx.msk $0xffff, v8  }
0x337: {  	s8 =	sadd.s32 s2, s8;
	[tilespmem:v4+s0+$0x0] =	vst.idx.msk $0xffff, v63  }
0x338: {  	[hbm4b:s8+s3] =	stream.linear.scatter [tilespmem:s0], [sflag:$0x4], $0x80, $0x38;
	[tilespmem:$0xE900] =	vst v63  }
0x339: {  	s11 =	simm.s32 $0xC788;
	s14 =	sadd.s32 $0x10, s8  }
0x33a: {  	[hbm4b:s14+s3] =	stream.linear.scatter [tilespmem:s11], [sflag:$0x4], $0x80, $0x38;
	[tilespmem:$0xE900] =	vst v63  }
0x33b: {  	s13 =	sadd.s32 $0x20, s8;
	s14 =	simm.s32 $0xC810  }
0x33c: {  	[hbm4b:s13+s3] =	stream.linear.scatter [tilespmem:s14], [sflag:$0x4], $0x80, $0x38;
	[tilespmem:$0xE900] =	vst v63  }
0x33d: {  	s13 =	sadd.s32 $0x30, s8;
	s14 =	simm.s32 $0xC898  }
0x33e: {  	[hbm4b:s13+s3] =	stream.linear.scatter [tilespmem:s14], [sflag:$0x4], $0x80, $0x38;
	[tilespmem:$0xE900] =	vst v63  }
0x33f: {  	s13 =	sadd.s32 $0x40, s8;
	s14 =	simm.s32 $0xC920  }
0x340: {  	[hbm4b:s13+s3] =	stream.linear.scatter [tilespmem:s14], [sflag:$0x4], $0x80, $0x38;
	[tilespmem:$0xE900] =	vst v63  }
0x341: {  	s13 =	sadd.s32 $0x50, s8;
	s14 =	simm.s32 $0xC9A8  }
0x342: {  	[hbm4b:s13+s3] =	stream.linear.scatter [tilespmem:s14], [sflag:$0x4], $0x80, $0x38;
	[tilespmem:$0xE900] =	vst v63  }
0x343: {  	s11 =	sadd.s32 $0x60, s8;
	s13 =	simm.s32 $0xCA30  }
0x344: {  	[hbm4b:s11+s3] =	stream.linear.scatter [tilespmem:s13], [sflag:$0x4], $0x80, $0x38;
	[tilespmem:$0xE900] =	vst v63  }
0x345: {  	s10 =	sadd.s32 $0x20000, s5;
	s8 =	sadd.s32 $0x70, s8;
	s14 =	simm.s32 $0xCAB8  }
0x346: {  	[hbm4b:s8+s3] =	stream.linear.scatter [tilespmem:s14], [sflag:$0x4], $0x80, $0x38;
	[tilespmem:$0xE900] =	vst v63  }
0x347: {  	s8 =	sshrl.u32 s10, $0x3  }
0x348: {  	s11 =	simm.s32 $0xCB40;
	s8 =	sadd.s32 s2, s8  }
0x349: {  	[hbm4b:s8+s3] =	stream.linear.scatter [tilespmem:s11], [sflag:$0x4], $0x80, $0x38;
	[tilespmem:$0xE900] =	vst v63  }
0x34a: {  	s14 =	simm.s32 $0xCBC8;
	s13 =	sadd.s32 $0x10, s8  }
0x34b: {  	[hbm4b:s13+s3] =	stream.linear.scatter [tilespmem:s14], [sflag:$0x4], $0x80, $0x38;
	[tilespmem:$0xE900] =	vst v63  }
0x34c: {  	s13 =	sadd.s32 $0x20, s8;
	s14 =	simm.s32 $0xCC50  }
0x34d: {  	[hbm4b:s13+s3] =	stream.linear.scatter [tilespmem:s14], [sflag:$0x4], $0x80, $0x38;
	[tilespmem:$0xE900] =	vst v63  }
0x34e: {  	s13 =	sadd.s32 $0x30, s8;
	s14 =	simm.s32 $0xCCD8  }
0x34f: {  	[hbm4b:s13+s3] =	stream.linear.scatter [tilespmem:s14], [sflag:$0x4], $0x80, $0x38;
	[tilespmem:$0xE900] =	vst v63  }
0x350: {  	s13 =	sadd.s32 $0x40, s8;
	s14 =	simm.s32 $0xCD60  }
0x351: {  	[hbm4b:s13+s3] =	stream.linear.scatter [tilespmem:s14], [sflag:$0x4], $0x80, $0x38;
	[tilespmem:$0xE900] =	vst v63  }
0x352: {  	s13 =	sadd.s32 $0x50, s8;
	s14 =	simm.s32 $0xCDE8  }
0x353: {  	[hbm4b:s13+s3] =	stream.linear.scatter [tilespmem:s14], [sflag:$0x4], $0x80, $0x38;
	[tilespmem:$0xE900] =	vst v63  }
0x354: {  	s11 =	sadd.s32 $0x60, s8;
	s13 =	simm.s32 $0xCE70  }
0x355: {  	[hbm4b:s11+s3] =	stream.linear.scatter [tilespmem:s13], [sflag:$0x4], $0x80, $0x38;
	[tilespmem:$0xE900] =	vst v63  }
0x356: {  	s10 =	sadd.s32 $0x40000, s5;
	s8 =	sadd.s32 $0x70, s8;
	s14 =	simm.s32 $0xCEF8  }
0x357: {  	[hbm4b:s8+s3] =	stream.linear.scatter [tilespmem:s14], [sflag:$0x4], $0x80, $0x38;
	[tilespmem:$0xE900] =	vst v63  }
0x358: {  	s8 =	sshrl.u32 s10, $0x3  }
0x359: {  	s11 =	simm.s32 $0xCF80;
	s8 =	sadd.s32 s2, s8  }
0x35a: {  	[hbm4b:s8+s3] =	stream.linear.scatter [tilespmem:s11], [sflag:$0x4], $0x80, $0x38;
	[tilespmem:$0xE900] =	vst v63  }
0x35b: {  	s14 =	simm.s32 $0xD008;
	s13 =	sadd.s32 $0x10, s8  }
0x35c: {  	[hbm4b:s13+s3] =	stream.linear.scatter [tilespmem:s14], [sflag:$0x4], $0x80, $0x38;
	[tilespmem:$0xE900] =	vst v63  }
0x35d: {  	s13 =	sadd.s32 $0x20, s8;
	s14 =	simm.s32 $0xD090  }
0x35e: {  	[hbm4b:s13+s3] =	stream.linear.scatter [tilespmem:s14], [sflag:$0x4], $0x80, $0x38;
	[tilespmem:$0xE900] =	vst v63  }
0x35f: {  	s13 =	sadd.s32 $0x30, s8;
	s14 =	simm.s32 $0xD118  }
0x360: {  	[hbm4b:s13+s3] =	stream.linear.scatter [tilespmem:s14], [sflag:$0x4], $0x80, $0x38;
	[tilespmem:$0xE900] =	vst v63  }
0x361: {  	s13 =	sadd.s32 $0x40, s8;
	s14 =	simm.s32 $0xD1A0  }
0x362: {  	[hbm4b:s13+s3] =	stream.linear.scatter [tilespmem:s14], [sflag:$0x4], $0x80, $0x38;
	[tilespmem:$0xE900] =	vst v63  }
0x363: {  	s13 =	sadd.s32 $0x50, s8;
	s14 =	simm.s32 $0xD228  }
0x364: {  	[hbm4b:s13+s3] =	stream.linear.scatter [tilespmem:s14], [sflag:$0x4], $0x80, $0x38;
	[tilespmem:$0xE900] =	vst v63  }
0x365: {  	s11 =	sadd.s32 $0x60, s8;
	s13 =	simm.s32 $0xD2B0  }
0x366: {  	[hbm4b:s11+s3] =	stream.linear.scatter [tilespmem:s13], [sflag:$0x4], $0x80, $0x38;
	[tilespmem:$0xE900] =	vst v63  }
0x367: {  	s10 =	sadd.s32 $0x60000, s5;
	s8 =	sadd.s32 $0x70, s8;
	s14 =	simm.s32 $0xD338  }
0x368: {  	[hbm4b:s8+s3] =	stream.linear.scatter [tilespmem:s14], [sflag:$0x4], $0x80, $0x38;
	[tilespmem:$0xE900] =	vst v63  }
0x369: {  	s8 =	sshrl.u32 s10, $0x3  }
0x36a: {  	s11 =	simm.s32 $0xD3C0;
	s8 =	sadd.s32 s2, s8  }
0x36b: {  	[hbm4b:s8+s3] =	stream.linear.scatter [tilespmem:s11], [sflag:$0x4], $0x80, $0x38;
	[tilespmem:$0xE900] =	vst v63  }
0x36c: {  	s14 =	simm.s32 $0xD448;
	s13 =	sadd.s32 $0x10, s8  }
0x36d: {  	[hbm4b:s13+s3] =	stream.linear.scatter [tilespmem:s14], [sflag:$0x4], $0x80, $0x38;
	[tilespmem:$0xE900] =	vst v63  }
0x36e: {  	s13 =	sadd.s32 $0x20, s8;
	s14 =	simm.s32 $0xD4D0  }
0x36f: {  	[hbm4b:s13+s3] =	stream.linear.scatter [tilespmem:s14], [sflag:$0x4], $0x80, $0x38;
	[tilespmem:$0xE900] =	vst v63  }
0x370: {  	s13 =	sadd.s32 $0x30, s8;
	s14 =	simm.s32 $0xD558  }
0x371: {  	[hbm4b:s13+s3] =	stream.linear.scatter [tilespmem:s14], [sflag:$0x4], $0x80, $0x38;
	[tilespmem:$0xE900] =	vst v63  }
0x372: {  	s13 =	sadd.s32 $0x40, s8;
	s14 =	simm.s32 $0xD5E0  }
0x373: {  	[hbm4b:s13+s3] =	stream.linear.scatter [tilespmem:s14], [sflag:$0x4], $0x80, $0x38;
	[tilespmem:$0xE900] =	vst v63  }
0x374: {  	s13 =	sadd.s32 $0x50, s8;
	s14 =	simm.s32 $0xD668  }
0x375: {  	[hbm4b:s13+s3] =	stream.linear.scatter [tilespmem:s14], [sflag:$0x4], $0x80, $0x38;
	[tilespmem:$0xE900] =	vst v63  }
0x376: {  	s11 =	sadd.s32 $0x60, s8;
	s13 =	simm.s32 $0xD6F0  }
0x377: {  	[hbm4b:s11+s3] =	stream.linear.scatter [tilespmem:s13], [sflag:$0x4], $0x80, $0x38;
	[tilespmem:$0xE900] =	vst v63  }
0x378: {  	s10 =	sadd.s32 $0x80000, s5;
	s8 =	sadd.s32 $0x70, s8;
	s14 =	simm.s32 $0xD778  }
0x379: {  	[hbm4b:s8+s3] =	stream.linear.scatter [tilespmem:s14], [sflag:$0x4], $0x80, $0x38;
	[tilespmem:$0xE900] =	vst v63  }
0x37a: {  	s8 =	sshrl.u32 s10, $0x3  }
0x37b: {  	s11 =	simm.s32 $0xD800;
	s8 =	sadd.s32 s2, s8  }
0x37c: {  	[hbm4b:s8+s3] =	stream.linear.scatter [tilespmem:s11], [sflag:$0x4], $0x80, $0x38;
	[tilespmem:$0xE900] =	vst v63  }
0x37d: {  	s14 =	simm.s32 $0xD888;
	s13 =	sadd.s32 $0x10, s8  }
0x37e: {  	[hbm4b:s13+s3] =	stream.linear.scatter [tilespmem:s14], [sflag:$0x4], $0x80, $0x38;
	[tilespmem:$0xE900] =	vst v63  }
0x37f: {  	s13 =	sadd.s32 $0x20, s8;
	s14 =	simm.s32 $0xD910  }
0x380: {  	[hbm4b:s13+s3] =	stream.linear.scatter [tilespmem:s14], [sflag:$0x4], $0x80, $0x38;
	[tilespmem:$0xE900] =	vst v63  }
0x381: {  	s13 =	sadd.s32 $0x30, s8;
	s14 =	simm.s32 $0xD998  }
0x382: {  	[hbm4b:s13+s3] =	stream.linear.scatter [tilespmem:s14], [sflag:$0x4], $0x80, $0x38;
	[tilespmem:$0xE900] =	vst v63  }
0x383: {  	s13 =	sadd.s32 $0x40, s8;
	s14 =	simm.s32 $0xDA20  }
0x384: {  	[hbm4b:s13+s3] =	stream.linear.scatter [tilespmem:s14], [sflag:$0x4], $0x80, $0x38;
	[tilespmem:$0xE900] =	vst v63  }
0x385: {  	s13 =	sadd.s32 $0x50, s8;
	s14 =	simm.s32 $0xDAA8  }
0x386: {  	[hbm4b:s13+s3] =	stream.linear.scatter [tilespmem:s14], [sflag:$0x4], $0x80, $0x38;
	[tilespmem:$0xE900] =	vst v63  }
0x387: {  	s11 =	sadd.s32 $0x60, s8;
	s13 =	simm.s32 $0xDB30  }
0x388: {  	[hbm4b:s11+s3] =	stream.linear.scatter [tilespmem:s13], [sflag:$0x4], $0x80, $0x38;
	[tilespmem:$0xE900] =	vst v63  }
0x389: {  	s10 =	sadd.s32 $0xA0000, s5;
	s8 =	sadd.s32 $0x70, s8;
	s14 =	simm.s32 $0xDBB8  }
0x38a: {  	[hbm4b:s8+s3] =	stream.linear.scatter [tilespmem:s14], [sflag:$0x4], $0x80, $0x38;
	[tilespmem:$0xE900] =	vst v63  }
0x38b: {  	s8 =	sshrl.u32 s10, $0x3  }
0x38c: {  	s11 =	simm.s32 $0xDC40;
	s8 =	sadd.s32 s2, s8  }
0x38d: {  	[hbm4b:s8+s3] =	stream.linear.scatter [tilespmem:s11], [sflag:$0x4], $0x80, $0x38;
	[tilespmem:$0xE900] =	vst v63  }
0x38e: {  	s14 =	simm.s32 $0xDCC8;
	s13 =	sadd.s32 $0x10, s8  }
0x38f: {  	[hbm4b:s13+s3] =	stream.linear.scatter [tilespmem:s14], [sflag:$0x4], $0x80, $0x38;
	[tilespmem:$0xE900] =	vst v63  }
0x390: {  	s13 =	sadd.s32 $0x20, s8;
	s14 =	simm.s32 $0xDD50  }
0x391: {  	[hbm4b:s13+s3] =	stream.linear.scatter [tilespmem:s14], [sflag:$0x4], $0x80, $0x38;
	[tilespmem:$0xE900] =	vst v63  }
0x392: {  	s13 =	sadd.s32 $0x30, s8;
	s14 =	simm.s32 $0xDDD8  }
0x393: {  	[hbm4b:s13+s3] =	stream.linear.scatter [tilespmem:s14], [sflag:$0x4], $0x80, $0x38;
	[tilespmem:$0xE900] =	vst v63  }
0x394: {  	s13 =	sadd.s32 $0x40, s8;
	s14 =	simm.s32 $0xDE60  }
0x395: {  	[hbm4b:s13+s3] =	stream.linear.scatter [tilespmem:s14], [sflag:$0x4], $0x80, $0x38;
	[tilespmem:$0xE900] =	vst v63  }
0x396: {  	s13 =	sadd.s32 $0x50, s8;
	s14 =	simm.s32 $0xDEE8  }
0x397: {  	[hbm4b:s13+s3] =	stream.linear.scatter [tilespmem:s14], [sflag:$0x4], $0x80, $0x38;
	[tilespmem:$0xE900] =	vst v63  }
0x398: {  	s11 =	sadd.s32 $0x60, s8;
	s13 =	simm.s32 $0xDF70  }
0x399: {  	[hbm4b:s11+s3] =	stream.linear.scatter [tilespmem:s13], [sflag:$0x4], $0x80, $0x38;
	[tilespmem:$0xE900] =	vst v63  }
0x39a: {  	s10 =	sadd.s32 $0xC0000, s5;
	s8 =	sadd.s32 $0x70, s8;
	s14 =	simm.s32 $0xDFF8  }
0x39b: {  	[hbm4b:s8+s3] =	stream.linear.scatter [tilespmem:s14], [sflag:$0x4], $0x80, $0x38;
	[tilespmem:$0xE900] =	vst v63  }
0x39c: {  	s8 =	sshrl.u32 s10, $0x3  }
0x39d: {  	s11 =	simm.s32 $0xE080;
	s8 =	sadd.s32 s2, s8  }
0x39e: {  	[hbm4b:s8+s3] =	stream.linear.scatter [tilespmem:s11], [sflag:$0x4], $0x80, $0x38;
	[tilespmem:$0xE900] =	vst v63  }
0x39f: {  	s14 =	simm.s32 $0xE108;
	s13 =	sadd.s32 $0x10, s8  }
0x3a0: {  	[hbm4b:s13+s3] =	stream.linear.scatter [tilespmem:s14], [sflag:$0x4], $0x80, $0x38;
	[tilespmem:$0xE900] =	vst v63  }
0x3a1: {  	s13 =	sadd.s32 $0x20, s8;
	s14 =	simm.s32 $0xE190  }
0x3a2: {  	[hbm4b:s13+s3] =	stream.linear.scatter [tilespmem:s14], [sflag:$0x4], $0x80, $0x38;
	[tilespmem:$0xE900] =	vst v63  }
0x3a3: {  	s13 =	sadd.s32 $0x30, s8;
	s14 =	simm.s32 $0xE218  }
0x3a4: {  	[hbm4b:s13+s3] =	stream.linear.scatter [tilespmem:s14], [sflag:$0x4], $0x80, $0x38;
	[tilespmem:$0xE900] =	vst v63  }
0x3a5: {  	s13 =	sadd.s32 $0x40, s8  }
0x3a6: {  	[hbm4b:s13+s3] =	stream.linear.scatter [tilespmem:s16], [sflag:$0x4], $0x80, $0x38;
	[tilespmem:$0xE900] =	vst v63  }
0x3a7: {  	s14 =	sadd.s32 $0x50, s8  }
0x3a8: {  	[hbm4b:s14+s3] =	stream.linear.scatter [tilespmem:s17], [sflag:$0x4], $0x80, $0x38;
	[tilespmem:$0xE900] =	vst v63  }
0x3a9: {  	s5 =	sadd.s32 $0xE0000, s5;
	s11 =	sadd.s32 $0x60, s8  }
0x3aa: {  	[hbm4b:s11+s3] =	stream.linear.scatter [tilespmem:s18], [sflag:$0x4], $0x80, $0x38;
	[tilespmem:$0xE900] =	vst v63  }
0x3ab: {  	s5 =	sshrl.u32 s5, $0x3;
	s8 =	sadd.s32 $0x70, s8  }
0x3ac: {  	[hbm4b:s8+s3] =	stream.linear.scatter [tilespmem:s19], [sflag:$0x4], $0x80, $0x38;
	[tilespmem:$0xE900] =	vst v63  }
0x3ad: {  	s5 =	sadd.s32 s2, s5  }
0x3ae: {  	[hbm4b:s5+s3] =	stream.linear.scatter [tilespmem:s20], [sflag:$0x4], $0x80, $0x38;
	[tilespmem:$0xE900] =	vst v63  }
0x3af: {  	s13 =	sadd.s32 $0x10, s5  }
0x3b0: {  	[hbm4b:s13+s3] =	stream.linear.scatter [tilespmem:s21], [sflag:$0x4], $0x80, $0x38;
	[tilespmem:$0xE900] =	vst v63  }
0x3b1: {  	s14 =	sadd.s32 $0x20, s5  }
0x3b2: {  	[hbm4b:s14+s3] =	stream.linear.scatter [tilespmem:s22], [sflag:$0x4], $0x80, $0x38;
	[tilespmem:$0xE900] =	vst v63  }
0x3b3: {  	s10 =	sadd.s32 $0x30, s5  }
0x3b4: {  	[hbm4b:s10+s3] =	stream.linear.scatter [tilespmem:s23], [sflag:$0x4], $0x80, $0x38;
	[tilespmem:$0xE900] =	vst v63  }
0x3b5: {  	s30 =	sadd.s32 $0x1, s30;
	s11 =	sadd.s32 $0x40, s5  }
0x3b6: {  	[hbm4b:s11+s3] =	stream.linear.scatter [tilespmem:s24], [sflag:$0x4], $0x80, $0x38;
	[tilespmem:$0xE900] =	vst v63  }
0x3b7: {  	p0 =	sne.s32 s30, $0x64;
	s13 =	sadd.s32 $0x50, s5  }
0x3b8: {  	[hbm4b:s13+s3] =	stream.linear.scatter [tilespmem:s25], [sflag:$0x4], $0x80, $0x38;
	[tilespmem:$0xE900] =	vst v63  }
.Ltmp5:
0x3b9: {  	_ = 	snop;
	(pc) =	sbr.rel @p0 .LBB2_2-.Ltmp5, $4  }
0x3ba: {  	s14 =	sadd.s32 $0x60, s5  }
0x3bb: {  	v54 =	vmov v26;
	[hbm4b:s14+s3] =	stream.linear.scatter [tilespmem:s26], [sflag:$0x4], $0x80, $0x38;
	[tilespmem:$0xE900] =	vst v63  }
0x3bc: {  	v26 =	vmovc v60;
	v12 =	vmovc v15;
	v11 =	vmov v13;
	v13 =	vmov v24;
	v15 =	vmov v21;
	s5 =	sadd.s32 $0x70, s5  }
0x3bd: {  	v6 =	vmovc v19;
	v19 =	vmovc v23;
	v48 =	vmov v18;
	v10 =	vmov v14;
	v14 =	vmov v58;
	[hbm4b:s5+s3] =	stream.linear.scatter [tilespmem:s28], [sflag:$0x4], $0x80, $0x38;
	[tilespmem:$0xE900] =	vst v63  }
0x3be: {  	s5 =	simm.s32 $0x3  }
0x3bf: {  	_ =	swait.ge [sflag:s5], $0x400  }
0x3c0: {  	[sflag:s5] =	ssyncset.done $0x0  }
0x3c1: {  	[sflag:s5] =	ssyncadd.s32 $0xFFFFFC00  }
0x3c2: {  	_ =	swait.ge [sflag:s5], $0x400  }
0x3c3: {  	[sflag:s5] =	ssyncset.done $0x0  }
0x3c4: {  	[sflag:s5] =	ssyncadd.s32 $0xFFFFFC00  }
0x3c5: {  	_ =	swait.ge [sflag:s5], $0x400  }
0x3c6: {  	[sflag:s5] =	ssyncset.done $0x0  }
0x3c7: {  	[sflag:s5] =	ssyncadd.s32 $0xFFFFFC00  }
0x3c8: {  	_ =	swait.ge [sflag:s5], $0x400  }
0x3c9: {  	[sflag:s5] =	ssyncset.done $0x0  }
0x3ca: {  	[sflag:s5] =	ssyncadd.s32 $0xFFFFFC00  }
0x3cb: {  	_ =	swait.ge [sflag:s5], $0x400  }
0x3cc: {  	[sflag:s5] =	ssyncset.done $0x0  }
0x3cd: {  	[sflag:s5] =	ssyncadd.s32 $0xFFFFFC00  }
0x3ce: {  	_ =	swait.ge [sflag:s5], $0x400  }
0x3cf: {  	[sflag:s5] =	ssyncset.done $0x0  }
0x3d0: {  	[sflag:s5] =	ssyncadd.s32 $0xFFFFFC00  }
0x3d1: {  	_ =	swait.ge [sflag:s5], $0x400  }
0x3d2: {  	[sflag:s5] =	ssyncset.done $0x0  }
0x3d3: {  	[sflag:s5] =	ssyncadd.s32 $0xFFFFFC00  }
0x3d4: {  	_ =	swait.ge [sflag:s5], $0x400  }
0x3d5: {  	[sflag:s5] =	ssyncset.done $0x0  }
0x3d6: {  	[sflag:s5] =	ssyncadd.s32 $0xFFFFFC00  }
0x3d7: {  	_ =	swait.ge [sflag:s29], $0x400  }
0x3d8: {  	[sflag:s29] =	ssyncset.done $0x0  }
0x3d9: {  	[sflag:s29] =	ssyncadd.s32 $0xFFFFFC00  }
0x3da: {  	_ =	swait.ge [sflag:s29], $0x400  }
0x3db: {  	[sflag:s29] =	ssyncset.done $0x0  }
0x3dc: {  	[sflag:s29] =	ssyncadd.s32 $0xFFFFFC00  }
0x3dd: {  	_ =	swait.ge [sflag:s29], $0x400  }
0x3de: {  	[sflag:s29] =	ssyncset.done $0x0  }
0x3df: {  	[sflag:s29] =	ssyncadd.s32 $0xFFFFFC00  }
0x3e0: {  	_ =	swait.ge [sflag:s29], $0x400  }
0x3e1: {  	[sflag:s29] =	ssyncset.done $0x0  }
0x3e2: {  	[sflag:s29] =	ssyncadd.s32 $0xFFFFFC00  }
0x3e3: {  	_ =	swait.ge [sflag:s29], $0x400  }
0x3e4: {  	[sflag:s29] =	ssyncset.done $0x0  }
0x3e5: {  	[sflag:s29] =	ssyncadd.s32 $0xFFFFFC00  }
0x3e6: {  	_ =	swait.ge [sflag:s29], $0x400  }
0x3e7: {  	[sflag:s29] =	ssyncset.done $0x0  }
0x3e8: {  	[sflag:s29] =	ssyncadd.s32 $0xFFFFFC00  }
0x3e9: {  	_ =	swait.ge [sflag:s29], $0x400  }
0x3ea: {  	[sflag:s29] =	ssyncset.done $0x0  }
0x3eb: {  	[sflag:s29] =	ssyncadd.s32 $0xFFFFFC00  }
0x3ec: {  	_ =	swait.ge [sflag:s29], $0x400  }
0x3ed: {  	s7 =	rddreg [dreg:$0x5]  }
0x3ee: {  	s31 =	rddreg [dreg:$0x4];
	s7 =	sadd.s32 $0x1, s7  }
0x3ef: {  	p0 =	sne.s32 s7, s31  }
.Ltmp6:
0x3f0: {  	_ = 	snop;
	(pc) =	sbr.rel @p0 .LBB2_1-.Ltmp6, $3  }
0x3f1: {  	_ =	sdelay $0x1  }
0x3f2: {  	[sflag:s29] =	ssyncset.done $0x0  }
0x3f3: {  	[sflag:s29] =	ssyncadd.s32 $0xFFFFFC00  }
0x3f4: {  	_ =	sfence.sel $0x180000  }
0x3f5: {  	[bflag:$0x0] =	sbarrier.arrive $0xFFFF  }
0x3f6: {  	_ =	strace $0x90000047  }
0x3f7: {  	s0 =	stileid.u32;
	[bflag:$0x2] =	sbarrier.arrive $0xFFFF  }
0x3f8: {  	p0 =	sne.s32 s0, $0x0;
	s0 =	rddreg [dreg:$0x2]  }
0x3f9: {  	s0 =	sadd.s32 @!p0 $0x100000, s0  }
0x3fa: {  	[sflag:s0] =	ssyncadd.tile.s32 @!p0 $0x1;
	_ =	shalt  }
.Lfunc_end2:
_tile_overlayer_lowered:
.L_overlay_start_2:
0x3fb: {  	(tag) =	ssettag $0x2  }
0x3fc: {  	s0 =	rddreg [dreg:$0x0];
	s2 =	stileid.u32  }
0x3fd: {  	s1 =	rddreg [dreg:$0x1];
	p0 =	sne.s32 s2, $0x0  }
0x3fe: {  	s3 =	rddreg [dreg:$0x2];
	[bflag:$0x3] =	sbarrier.arrive $0xFFFF;
	s2 =	simm.s32 @!p0 $0x1C05  }
0x3ff: {  	[timem:s3], [sflag:s2] =	dma.local @!p0 [hbm:s0], s1  }
0x400: {  	s0 =	simm.s32 @!p0 $0x5  }
0x401: {  	_ =	swait.ge @!p0 [sflag:s0], s1  }
0x402: {  	s1 =	ssub.s32 @!p0 $0x0, s1;
	[sflag:s0] =	ssyncset.done @!p0 $0x0  }
0x403: {  	[sflag:s0] =	ssyncadd.s32 @!p0 s1  }
0x404: {  	[bflag:$0x3] =	sbarrier.arrive $0xFFFF  }
0x405: {  	_ =	shalt  }

</sc_bundles>
